<compile_context>
chip_gen: v7x
topology: tpu7x:2x2x1
jax: 0.10.2.dev20260603
libtpu: 0.0.44.dev20260713+nightly
codegen_flags: <defaults>
</compile_context>

<pallas_src>
import functools

import jax
import jax.numpy as jnp
from jax import lax
from jax.experimental import pallas as pl
from jax.experimental.pallas import tpu as pltpu
from jax.experimental.pallas import tpu_sc as plsc

N = 10000
E = 320000
IN_CH = 128
HID = 16
OUT_CH = 64

NC = 2
NS = 16
NW = NC * NS
CHUNK = 128
NCHUNKS = -(-E // CHUNK)
NCHUNKS_PAD = -(-NCHUNKS // (NW * 8)) * (NW * 8)
CH_PER_W = NCHUNKS_PAD // NW
E_PAD = NCHUNKS_PAD * CHUNK
NA = N + 8
ROWS_PER_TILE = 624
ROWS_REM = N - NS * ROWS_PER_TILE
DEG_F = 8
DEG_K = 16
AGG_K = 2


def _mesh():
    return plsc.VectorSubcoreMesh(core_axis_name="c", subcore_axis_name="s")


def _worker_ids():
    c = lax.axis_index("c")
    s = lax.axis_index("s")
    w = c * NS + s
    return c, s, w


def _tile_rowwise_copy(s, src_ref, dst_ref):
    pltpu.sync_copy(src_ref.at[pl.ds(s * ROWS_PER_TILE, ROWS_PER_TILE)],
                    dst_ref.at[pl.ds(s * ROWS_PER_TILE, ROWS_PER_TILE)])

    @pl.when(s == NS - 1)
    def _():
        pltpu.sync_copy(src_ref.at[pl.ds(NS * ROWS_PER_TILE, ROWS_REM)],
                        dst_ref.at[pl.ds(NS * ROWS_PER_TILE, ROWS_REM)])


def _sc_deg(dst2, ones_rows, zeros_acc):
    @functools.partial(
        pl.kernel,
        out_type=jax.ShapeDtypeStruct((NC, N, DEG_F), jnp.float32),
        mesh=_mesh(),
        scratch_types=[
            pltpu.VMEM((CH_PER_W, CHUNK), jnp.int32),
            pltpu.VMEM((CHUNK, DEG_F), jnp.float32),
            pltpu.VMEM_SHARED((NA, DEG_F), jnp.float32),
            pltpu.SemaphoreType.DMA,
            pltpu.SemaphoreType.DMA((2,)),
        ],
        compiler_params=pltpu.CompilerParams(use_tc_tiling_on_sc=False),
    )
    def k(dst_hbm, ones_hbm, z_hbm, out_hbm, didx, rows, acc, dsem, psem):
        c, s, w = _worker_ids()
        base = w * CH_PER_W
        rsl = pl.ds(s * ROWS_PER_TILE, ROWS_PER_TILE)
        d0 = pltpu.async_copy(z_hbm.at[rsl], acc.at[rsl], psem.at[0])
        d1 = pltpu.async_copy(dst_hbm.at[pl.ds(base, CH_PER_W)], didx,
                              psem.at[1])
        pltpu.sync_copy(ones_hbm, rows)

        @pl.when(s == NS - 1)
        def _():
            tsl = pl.ds(NS * ROWS_PER_TILE, ROWS_REM)
            pltpu.sync_copy(z_hbm.at[tsl], acc.at[tsl])
            pltpu.sync_copy(z_hbm.at[pl.ds(N, NA - N)], acc.at[pl.ds(N, NA - N)])

        d0.wait()
        d1.wait()
        plsc.subcore_barrier()

        def body(r, carry):
            pltpu.async_copy(rows, acc.at[didx.at[r]], dsem, add=True)

            @pl.when(r >= DEG_K)
            def _():
                pltpu.make_async_copy(rows, acc.at[didx.at[0]], dsem).wait()

            return carry

        lax.fori_loop(0, CH_PER_W, body, 0)
        for _ in range(DEG_K):
            pltpu.make_async_copy(rows, acc.at[didx.at[0]], dsem).wait()

        plsc.subcore_barrier()
        _tile_rowwise_copy(s, acc, out_hbm.at[c])

    return k(dst2, ones_rows, zeros_acc)


def _sc_agg(g, src2, dst2, zeros_acc, F):
    @functools.partial(
        pl.kernel,
        out_type=jax.ShapeDtypeStruct((NC, N, F), jnp.float32),
        mesh=_mesh(),
        scratch_types=[
            pltpu.VMEM((CH_PER_W, CHUNK), jnp.int32),
            pltpu.VMEM((CH_PER_W, CHUNK), jnp.int32),
            pltpu.VMEM((AGG_K, CHUNK, F), jnp.float32),
            pltpu.VMEM_SHARED((N, F), jnp.float32),
            pltpu.VMEM_SHARED((NA, F), jnp.float32),
            pltpu.SemaphoreType.DMA((AGG_K,)),
            pltpu.SemaphoreType.DMA((AGG_K,)),
        ],
        compiler_params=pltpu.CompilerParams(use_tc_tiling_on_sc=False),
    )
    def k(g_hbm, src_hbm, dst_hbm, z_hbm, out_hbm, sidx, didx, rows, tbl, acc,
          gsem, ssem):
        c, s, w = _worker_ids()
        base = w * CH_PER_W
        rsl = pl.ds(s * ROWS_PER_TILE, ROWS_PER_TILE)
        d0 = pltpu.async_copy(z_hbm.at[rsl], acc.at[rsl], ssem.at[0])
        d1 = pltpu.async_copy(g_hbm.at[rsl], tbl.at[rsl], ssem.at[1])
        d2 = pltpu.async_copy(src_hbm.at[pl.ds(base, CH_PER_W)], sidx,
                              gsem.at[0])
        d3 = pltpu.async_copy(dst_hbm.at[pl.ds(base, CH_PER_W)], didx,
                              gsem.at[1])

        @pl.when(s == NS - 1)
        def _():
            tsl = pl.ds(NS * ROWS_PER_TILE, ROWS_REM)
            pltpu.sync_copy(z_hbm.at[tsl], acc.at[tsl])
            pltpu.sync_copy(g_hbm.at[tsl], tbl.at[tsl])
            pltpu.sync_copy(z_hbm.at[pl.ds(N, NA - N)], acc.at[pl.ds(N, NA - N)])

        d0.wait()
        d1.wait()
        d2.wait()
        d3.wait()
        plsc.subcore_barrier()

        n_groups = CH_PER_W // AGG_K

        def body(r, carry):
            for b in range(AGG_K):
                j = r * AGG_K + b
                pltpu.make_async_copy(
                    tbl.at[sidx.at[j]], rows.at[b], gsem.at[b]).wait()
                pltpu.async_copy(
                    rows.at[b], acc.at[didx.at[j]], ssem.at[b], add=True)

            @pl.when(r < n_groups - 1)
            def _():
                for b in range(AGG_K):
                    j = r * AGG_K + b
                    pltpu.make_async_copy(
                        rows.at[b], acc.at[didx.at[j]], ssem.at[b]).wait()
                    pltpu.async_copy(
                        tbl.at[sidx.at[j + AGG_K]], rows.at[b], gsem.at[b])

            return carry

        for b in range(AGG_K):
            pltpu.async_copy(tbl.at[sidx.at[b]], rows.at[b], gsem.at[b])
        lax.fori_loop(0, n_groups, body, 0)
        for b in range(AGG_K):
            pltpu.make_async_copy(
                rows.at[b], acc.at[didx.at[b]], ssem.at[b]).wait()

        plsc.subcore_barrier()
        _tile_rowwise_copy(s, acc, out_hbm.at[c])

    return k(g, src2, dst2, zeros_acc)


def _tc1_body(x_ref, w1_ref, degp_ref, g1_ref, dinv_ref):
    d = 1.0 + degp_ref[0] + degp_ref[1]
    dinv = lax.rsqrt(d)
    h = jnp.dot(x_ref[...], w1_ref[...], preferred_element_type=jnp.float32)
    g1_ref[...] = h * dinv[:, 0:1]
    dinv_ref[...] = dinv


def _tc2_body(p1_ref, g1_ref, dinv_ref, w2_ref, b1_ref, g2_ref):
    dinv = dinv_ref[...][:, 0:1]
    agg = p1_ref[0] + p1_ref[1] + g1_ref[...]
    h1 = jnp.maximum(dinv * agg + b1_ref[...], 0.0)
    h2 = jnp.dot(h1, w2_ref[...], preferred_element_type=jnp.float32)
    g2_ref[...] = h2 * dinv


def _tc3_body(p2_ref, g2_ref, dinv_ref, b2_ref, lw1_ref, lb1_ref, lw2_ref,
              lb2_ref, out_ref):
    dinv = dinv_ref[...][:, 0:1]
    agg = p2_ref[0] + p2_ref[1] + g2_ref[...]
    h2 = jnp.maximum(dinv * agg + b2_ref[...], 0.0)
    u = jnp.maximum(
        jnp.dot(h2, lw1_ref[...], preferred_element_type=jnp.float32)
        + lb1_ref[...], 0.0)
    out_ref[...] = (
        jnp.dot(u, lw2_ref[...], preferred_element_type=jnp.float32)
        + lb2_ref[...])


def kernel(x, edge_index, W1, b1, W2, b2, LW1, Lb1, LW2, Lb2):
    src = edge_index[0].astype(jnp.int32)
    dst = edge_index[1].astype(jnp.int32)
    pad = E_PAD - E
    src2 = jnp.concatenate([src, jnp.zeros((pad,), jnp.int32)])
    src2 = src2.reshape(NCHUNKS_PAD, CHUNK)
    dst2 = jnp.concatenate([dst, jnp.full((pad,), N, jnp.int32)])
    dst2 = dst2.reshape(NCHUNKS_PAD, CHUNK)
    ones_rows = jnp.ones((CHUNK, DEG_F), jnp.float32)
    zdeg = jnp.zeros((NA, DEG_F), jnp.float32)
    z16 = jnp.zeros((NA, HID), jnp.float32)
    z64 = jnp.zeros((NA, OUT_CH), jnp.float32)

    degp = _sc_deg(dst2, ones_rows, zdeg)

    g1, dinv = pl.pallas_call(
        _tc1_body,
        out_shape=[jax.ShapeDtypeStruct((N, HID), jnp.float32),
                   jax.ShapeDtypeStruct((N, DEG_F), jnp.float32)],
    )(x, W1, degp)

    p1 = _sc_agg(g1, src2, dst2, z16, HID)

    g2 = pl.pallas_call(
        _tc2_body,
        out_shape=jax.ShapeDtypeStruct((N, OUT_CH), jnp.float32),
    )(p1, g1, dinv, W2, b1.reshape(1, HID))

    p2 = _sc_agg(g2, src2, dst2, z64, OUT_CH)

    out = pl.pallas_call(
        _tc3_body,
        out_shape=jax.ShapeDtypeStruct((N, 1), jnp.float32),
    )(p2, g2, dinv, b2.reshape(1, OUT_CH), LW1, Lb1.reshape(1, OUT_CH),
      LW2, Lb2.reshape(1, 1))

    return out.reshape(N)

# --- scband reference (transcript-rebuilt; emitter-appended) ---
"""Pipeline reference for scband-gcn-77421080478455 (READ-ONLY COPY).

The authoritative reference and input builder live on the scoring server;
editing this copy changes nothing except your own understanding.
"""

import jax, jax.numpy as jnp
import numpy as np

N_NODES = 10000
N_EDGES = 320000
IN_CH = 128
HID = 16
OUT_CH = 64


def setup_inputs(seed: int = 0) -> dict:
    key = jax.random.key(seed)
    ks = jax.random.split(key, 12)
    x = jax.random.normal(ks[0], (N_NODES, IN_CH), dtype=jnp.float32)
    edge_index = jax.random.randint(ks[1], (2, N_EDGES), 0, N_NODES, dtype=jnp.int64 if jax.config.jax_enable_x64 else jnp.int32)
    W1 = jax.random.normal(ks[2], (IN_CH, HID), dtype=jnp.float32) * (1.0 / np.sqrt(IN_CH))
    b1 = jnp.zeros((HID,), dtype=jnp.float32)
    W2 = jax.random.normal(ks[3], (HID, OUT_CH), dtype=jnp.float32) * (1.0 / np.sqrt(HID))
    b2 = jnp.zeros((OUT_CH,), dtype=jnp.float32)
    LW1 = jax.random.normal(ks[4], (OUT_CH, OUT_CH), dtype=jnp.float32) * (1.0 / np.sqrt(OUT_CH))
    Lb1 = jnp.zeros((OUT_CH,), dtype=jnp.float32)
    LW2 = jax.random.normal(ks[5], (OUT_CH, 1), dtype=jnp.float32) * (1.0 / np.sqrt(OUT_CH))
    Lb2 = jnp.zeros((1,), dtype=jnp.float32)
    return {"x": x, "edge_index": edge_index, "W1": W1, "b1": b1, "W2": W2, "b2": b2, "LW1": LW1, "Lb1": Lb1, "LW2": LW2, "Lb2": Lb2}


def gcn_conv(x, W, b, src, dst, n):
    # PyG GCNConv: add self-loops, symmetric normalization, linear, scatter-add aggregate
    h = x @ W
    deg = jnp.zeros((n,), dtype=x.dtype).at[dst].add(1.0)
    dinv = jnp.where(deg > 0, deg ** -0.5, 0.0)
    norm = dinv[src] * dinv[dst]
    msg = h[src] * norm[:, None]
    out = jnp.zeros((n, W.shape[1]), dtype=x.dtype).at[dst].add(msg)
    return out + b


def reference(x, edge_index, W1, b1, W2, b2, LW1, Lb1, LW2, Lb2):
    n = x.shape[0]
    sl = jnp.arange(n, dtype=edge_index.dtype)
    src = jnp.concatenate([edge_index[0], sl])
    dst = jnp.concatenate([edge_index[1], sl])
    h = jax.nn.relu(gcn_conv(x, W1, b1, src, dst, n))
    h = jax.nn.relu(gcn_conv(h, W2, b2, src, dst, n))
    h = jax.nn.relu(h @ LW1 + Lb1)
    h = h @ LW2 + Lb2
    return h.reshape(n)

if __name__ == "__main__":
    import jax
    _d = setup_inputs()
    print(jax.jit(kernel)(*tuple(_d.values())))

</pallas_src>

<mosaic_0001>
#map = affine_map<(d0, d1) -> (0, 0)>
#map1 = affine_map<(d0, d1) -> (0, 0, 0)>
module attributes {stable_mosaic.version = 14 : i64} {
  func.func @k(%arg0: i32, %arg1: i32, %arg2: memref<10000x16xf32, #tpu.memory_space<hbm>>, %arg3: memref<2560x128xi32, #tpu.memory_space<hbm>>, %arg4: memref<2560x128xi32, #tpu.memory_space<hbm>>, %arg5: memref<10008x16xf32, #tpu.memory_space<hbm>>, %arg6: memref<2x10000x16xf32, #tpu.memory_space<hbm>>, %arg7: memref<80x128xi32, #tpu.memory_space<vmem>>, %arg8: memref<80x128xi32, #tpu.memory_space<vmem>>, %arg9: memref<2x128x16xf32, #tpu.memory_space<vmem>>, %arg10: memref<10000x16xf32, #tpu.memory_space<vmem_shared>>, %arg11: memref<10008x16xf32, #tpu.memory_space<vmem_shared>>, %arg12: memref<2x!tpu.dma_semaphore, #tpu.memory_space<semaphore_mem>>, %arg13: memref<2x!tpu.dma_semaphore, #tpu.memory_space<semaphore_mem>>) attributes {dimension_semantics = [#tpu.dimension_semantics<core_parallel>, #tpu.dimension_semantics<subcore_parallel>], iteration_bounds = array<i64: 2, 16>, scalar_prefetch = 0 : i64, scratch_operands = 7 : i64, tpu.core_type = #tpu.core_type<sc_vector_subcore>, window_params = [{transform_indices = #map}, {transform_indices = #map}, {transform_indices = #map}, {transform_indices = #map}, {transform_indices = #map1}]} {
    %mul3A = arith.constant 16 : i32
    %mul3A_0 = arith.muli %arg0, %mul3A : i32
    %add3A = arith.addi %mul3A_0, %arg1 : i32
    %mul3A_1 = arith.constant 80 : i32
    %mul3A_2 = arith.muli %add3A, %mul3A_1 : i32
    %mul3A_3 = arith.constant 624 : i32
    %mul3A_4 = arith.muli %arg1, %mul3A_3 : i32
    %dma_start3A = arith.constant 0 : i32
    %dma_start3A_5 = tpu.memref_slice %arg13[%dma_start3A] : memref<2x!tpu.dma_semaphore, #tpu.memory_space<semaphore_mem>> -> memref<1x!tpu.dma_semaphore, #tpu.memory_space<semaphore_mem>>
    %dma_start3A_6 = tpu.memref_squeeze %dma_start3A_5 : memref<1x!tpu.dma_semaphore, #tpu.memory_space<semaphore_mem>> -> memref<!tpu.dma_semaphore, #tpu.memory_space<semaphore_mem>>
    %dma_start3A_7 = arith.constant 0 : i32
    %dma_start3A_8 = tpu.memref_slice %arg11[%mul3A_4, %dma_start3A_7] : memref<10008x16xf32, #tpu.memory_space<vmem_shared>> -> memref<624x16xf32, #tpu.memory_space<vmem_shared>>
    %dma_start3A_9 = arith.constant 0 : i32
    %dma_start3A_10 = tpu.memref_slice %arg5[%mul3A_4, %dma_start3A_9] : memref<10008x16xf32, #tpu.memory_space<hbm>> -> memref<624x16xf32, #tpu.memory_space<hbm>>
    tpu.enqueue_dma source(%dma_start3A_10 : memref<624x16xf32, #tpu.memory_space<hbm>>) target(%dma_start3A_8 : memref<624x16xf32, #tpu.memory_space<vmem_shared>>) target_semaphore(%dma_start3A_6 : memref<!tpu.dma_semaphore, #tpu.memory_space<semaphore_mem>>)
    %dma_start3A_11 = arith.constant 1 : i32
    %dma_start3A_12 = tpu.memref_slice %arg13[%dma_start3A_11] : memref<2x!tpu.dma_semaphore, #tpu.memory_space<semaphore_mem>> -> memref<1x!tpu.dma_semaphore, #tpu.memory_space<semaphore_mem>>
    %dma_start3A_13 = tpu.memref_squeeze %dma_start3A_12 : memref<1x!tpu.dma_semaphore, #tpu.memory_space<semaphore_mem>> -> memref<!tpu.dma_semaphore, #tpu.memory_space<semaphore_mem>>
    %dma_start3A_14 = arith.constant 0 : i32
    %dma_start3A_15 = tpu.memref_slice %arg10[%mul3A_4, %dma_start3A_14] : memref<10000x16xf32, #tpu.memory_space<vmem_shared>> -> memref<624x16xf32, #tpu.memory_space<vmem_shared>>
    %dma_start3A_16 = arith.constant 0 : i32
    %dma_start3A_17 = tpu.memref_slice %arg2[%mul3A_4, %dma_start3A_16] : memref<10000x16xf32, #tpu.memory_space<hbm>> -> memref<624x16xf32, #tpu.memory_space<hbm>>
    tpu.enqueue_dma source(%dma_start3A_17 : memref<624x16xf32, #tpu.memory_space<hbm>>) target(%dma_start3A_15 : memref<624x16xf32, #tpu.memory_space<vmem_shared>>) target_semaphore(%dma_start3A_13 : memref<!tpu.dma_semaphore, #tpu.memory_space<semaphore_mem>>)
    %dma_start3A_18 = arith.constant 0 : i32
    %dma_start3A_19 = arith.constant 0 : i32
    %dma_start3A_20 = tpu.memref_slice %arg3[%mul3A_2, %dma_start3A_19] : memref<2560x128xi32, #tpu.memory_space<hbm>> -> memref<80x128xi32, #tpu.memory_space<hbm>>
    %dma_start3A_21 = tpu.memref_slice %arg12[%dma_start3A_18] : memref<2x!tpu.dma_semaphore, #tpu.memory_space<semaphore_mem>> -> memref<1x!tpu.dma_semaphore, #tpu.memory_space<semaphore_mem>>
    %dma_start3A_22 = tpu.memref_squeeze %dma_start3A_21 : memref<1x!tpu.dma_semaphore, #tpu.memory_space<semaphore_mem>> -> memref<!tpu.dma_semaphore, #tpu.memory_space<semaphore_mem>>
    %dma_start3A_23 = arith.constant 0 : i32
    %dma_start3A_24 = tpu.memref_slice %arg3[%mul3A_2, %dma_start3A_23] : memref<2560x128xi32, #tpu.memory_space<hbm>> -> memref<80x128xi32, #tpu.memory_space<hbm>>
    tpu.enqueue_dma source(%dma_start3A_24 : memref<80x128xi32, #tpu.memory_space<hbm>>) target(%arg7 : memref<80x128xi32, #tpu.memory_space<vmem>>) target_semaphore(%dma_start3A_22 : memref<!tpu.dma_semaphore, #tpu.memory_space<semaphore_mem>>)
    %dma_start3A_25 = arith.constant 1 : i32
    %dma_start3A_26 = arith.constant 0 : i32
    %dma_start3A_27 = tpu.memref_slice %arg4[%mul3A_2, %dma_start3A_26] : memref<2560x128xi32, #tpu.memory_space<hbm>> -> memref<80x128xi32, #tpu.memory_space<hbm>>
    %dma_start3A_28 = tpu.memref_slice %arg12[%dma_start3A_25] : memref<2x!tpu.dma_semaphore, #tpu.memory_space<semaphore_mem>> -> memref<1x!tpu.dma_semaphore, #tpu.memory_space<semaphore_mem>>
    %dma_start3A_29 = tpu.memref_squeeze %dma_start3A_28 : memref<1x!tpu.dma_semaphore, #tpu.memory_space<semaphore_mem>> -> memref<!tpu.dma_semaphore, #tpu.memory_space<semaphore_mem>>
    %dma_start3A_30 = arith.constant 0 : i32
    %dma_start3A_31 = tpu.memref_slice %arg4[%mul3A_2, %dma_start3A_30] : memref<2560x128xi32, #tpu.memory_space<hbm>> -> memref<80x128xi32, #tpu.memory_space<hbm>>
    tpu.enqueue_dma source(%dma_start3A_31 : memref<80x128xi32, #tpu.memory_space<hbm>>) target(%arg8 : memref<80x128xi32, #tpu.memory_space<vmem>>) target_semaphore(%dma_start3A_29 : memref<!tpu.dma_semaphore, #tpu.memory_space<semaphore_mem>>)
    %eq3A = arith.constant 15 : i32
    %eq3A_32 = arith.cmpi eq, %arg1, %eq3A : i32
    %convert_element_type3A = arith.extui %eq3A_32 : i1 to i32
    %cond3A = arith.constant 0 : i32
    %cond3A_33 = arith.cmpi ne, %convert_element_type3A, %cond3A : i32
    scf.if %cond3A_33 {
      "tpu.region"() ({
        %run_scoped3A = tpu.sem_alloc : memref<!tpu.dma_semaphore, #tpu.memory_space<semaphore_mem>>
        %dma_start3A_136 = arith.constant 9984 : i32
        %dma_start3A_137 = arith.constant 0 : i32
        %dma_start3A_138 = tpu.memref_slice %arg11[%dma_start3A_136, %dma_start3A_137] : memref<10008x16xf32, #tpu.memory_space<vmem_shared>> -> memref<16x16xf32, #tpu.memory_space<vmem_shared>>
        %dma_start3A_139 = arith.constant 9984 : i32
        %dma_start3A_140 = arith.constant 0 : i32
        %dma_start3A_141 = tpu.memref_slice %arg5[%dma_start3A_139, %dma_start3A_140] : memref<10008x16xf32, #tpu.memory_space<hbm>> -> memref<16x16xf32, #tpu.memory_space<hbm>>
        tpu.enqueue_dma source(%dma_start3A_141 : memref<16x16xf32, #tpu.memory_space<hbm>>) target(%dma_start3A_138 : memref<16x16xf32, #tpu.memory_space<vmem_shared>>) target_semaphore(%run_scoped3A : memref<!tpu.dma_semaphore, #tpu.memory_space<semaphore_mem>>)
        %dma_wait3A_142 = arith.constant 9984 : i32
        %dma_wait3A_143 = arith.constant 0 : i32
        %dma_wait3A_144 = tpu.memref_slice %arg11[%dma_wait3A_142, %dma_wait3A_143] : memref<10008x16xf32, #tpu.memory_space<vmem_shared>> -> memref<16x16xf32, #tpu.memory_space<vmem_shared>>
        %dma_wait3A_145 = arith.constant 9984 : i32
        %dma_wait3A_146 = arith.constant 0 : i32
        %dma_wait3A_147 = tpu.memref_slice %arg5[%dma_wait3A_145, %dma_wait3A_146] : memref<10008x16xf32, #tpu.memory_space<hbm>> -> memref<16x16xf32, #tpu.memory_space<hbm>>
        tpu.wait_dma2 semaphore(%run_scoped3A : memref<!tpu.dma_semaphore, #tpu.memory_space<semaphore_mem>>) src(%dma_wait3A_147 : memref<16x16xf32, #tpu.memory_space<hbm>>) dst(%dma_wait3A_144 : memref<16x16xf32, #tpu.memory_space<vmem_shared>>)
        tpu.yield
      }) : () -> ()
      "tpu.region"() ({
        %run_scoped3A = tpu.sem_alloc : memref<!tpu.dma_semaphore, #tpu.memory_space<semaphore_mem>>
        %dma_start3A_136 = arith.constant 9984 : i32
        %dma_start3A_137 = arith.constant 0 : i32
        %dma_start3A_138 = tpu.memref_slice %arg10[%dma_start3A_136, %dma_start3A_137] : memref<10000x16xf32, #tpu.memory_space<vmem_shared>> -> memref<16x16xf32, #tpu.memory_space<vmem_shared>>
        %dma_start3A_139 = arith.constant 9984 : i32
        %dma_start3A_140 = arith.constant 0 : i32
        %dma_start3A_141 = tpu.memref_slice %arg2[%dma_start3A_139, %dma_start3A_140] : memref<10000x16xf32, #tpu.memory_space<hbm>> -> memref<16x16xf32, #tpu.memory_space<hbm>>
        tpu.enqueue_dma source(%dma_start3A_141 : memref<16x16xf32, #tpu.memory_space<hbm>>) target(%dma_start3A_138 : memref<16x16xf32, #tpu.memory_space<vmem_shared>>) target_semaphore(%run_scoped3A : memref<!tpu.dma_semaphore, #tpu.memory_space<semaphore_mem>>)
        %dma_wait3A_142 = arith.constant 9984 : i32
        %dma_wait3A_143 = arith.constant 0 : i32
        %dma_wait3A_144 = tpu.memref_slice %arg10[%dma_wait3A_142, %dma_wait3A_143] : memref<10000x16xf32, #tpu.memory_space<vmem_shared>> -> memref<16x16xf32, #tpu.memory_space<vmem_shared>>
        %dma_wait3A_145 = arith.constant 9984 : i32
        %dma_wait3A_146 = arith.constant 0 : i32
        %dma_wait3A_147 = tpu.memref_slice %arg2[%dma_wait3A_145, %dma_wait3A_146] : memref<10000x16xf32, #tpu.memory_space<hbm>> -> memref<16x16xf32, #tpu.memory_space<hbm>>
        tpu.wait_dma2 semaphore(%run_scoped3A : memref<!tpu.dma_semaphore, #tpu.memory_space<semaphore_mem>>) src(%dma_wait3A_147 : memref<16x16xf32, #tpu.memory_space<hbm>>) dst(%dma_wait3A_144 : memref<16x16xf32, #tpu.memory_space<vmem_shared>>)
        tpu.yield
      }) : () -> ()
      "tpu.region"() ({
        %run_scoped3A = tpu.sem_alloc : memref<!tpu.dma_semaphore, #tpu.memory_space<semaphore_mem>>
        %dma_start3A_136 = arith.constant 10000 : i32
        %dma_start3A_137 = arith.constant 0 : i32
        %dma_start3A_138 = tpu.memref_slice %arg11[%dma_start3A_136, %dma_start3A_137] : memref<10008x16xf32, #tpu.memory_space<vmem_shared>> -> memref<8x16xf32, #tpu.memory_space<vmem_shared>>
        %dma_start3A_139 = arith.constant 10000 : i32
        %dma_start3A_140 = arith.constant 0 : i32
        %dma_start3A_141 = tpu.memref_slice %arg5[%dma_start3A_139, %dma_start3A_140] : memref<10008x16xf32, #tpu.memory_space<hbm>> -> memref<8x16xf32, #tpu.memory_space<hbm>>
        tpu.enqueue_dma source(%dma_start3A_141 : memref<8x16xf32, #tpu.memory_space<hbm>>) target(%dma_start3A_138 : memref<8x16xf32, #tpu.memory_space<vmem_shared>>) target_semaphore(%run_scoped3A : memref<!tpu.dma_semaphore, #tpu.memory_space<semaphore_mem>>)
        %dma_wait3A_142 = arith.constant 10000 : i32
        %dma_wait3A_143 = arith.constant 0 : i32
        %dma_wait3A_144 = tpu.memref_slice %arg11[%dma_wait3A_142, %dma_wait3A_143] : memref<10008x16xf32, #tpu.memory_space<vmem_shared>> -> memref<8x16xf32, #tpu.memory_space<vmem_shared>>
        %dma_wait3A_145 = arith.constant 10000 : i32
        %dma_wait3A_146 = arith.constant 0 : i32
        %dma_wait3A_147 = tpu.memref_slice %arg5[%dma_wait3A_145, %dma_wait3A_146] : memref<10008x16xf32, #tpu.memory_space<hbm>> -> memref<8x16xf32, #tpu.memory_space<hbm>>
        tpu.wait_dma2 semaphore(%run_scoped3A : memref<!tpu.dma_semaphore, #tpu.memory_space<semaphore_mem>>) src(%dma_wait3A_147 : memref<8x16xf32, #tpu.memory_space<hbm>>) dst(%dma_wait3A_144 : memref<8x16xf32, #tpu.memory_space<vmem_shared>>)
        tpu.yield
      }) : () -> ()
    } else {
    }
    %dma_wait3A = arith.constant 0 : i32
    %dma_wait3A_34 = tpu.memref_slice %arg13[%dma_wait3A] : memref<2x!tpu.dma_semaphore, #tpu.memory_space<semaphore_mem>> -> memref<1x!tpu.dma_semaphore, #tpu.memory_space<semaphore_mem>>
    %dma_wait3A_35 = tpu.memref_squeeze %dma_wait3A_34 : memref<1x!tpu.dma_semaphore, #tpu.memory_space<semaphore_mem>> -> memref<!tpu.dma_semaphore, #tpu.memory_space<semaphore_mem>>
    %dma_wait3A_36 = arith.constant 0 : i32
    %dma_wait3A_37 = tpu.memref_slice %arg11[%mul3A_4, %dma_wait3A_36] : memref<10008x16xf32, #tpu.memory_space<vmem_shared>> -> memref<624x16xf32, #tpu.memory_space<vmem_shared>>
    %dma_wait3A_38 = arith.constant 0 : i32
    %dma_wait3A_39 = tpu.memref_slice %arg5[%mul3A_4, %dma_wait3A_38] : memref<10008x16xf32, #tpu.memory_space<hbm>> -> memref<624x16xf32, #tpu.memory_space<hbm>>
    tpu.wait_dma2 semaphore(%dma_wait3A_35 : memref<!tpu.dma_semaphore, #tpu.memory_space<semaphore_mem>>) src(%dma_wait3A_39 : memref<624x16xf32, #tpu.memory_space<hbm>>) dst(%dma_wait3A_37 : memref<624x16xf32, #tpu.memory_space<vmem_shared>>)
    %dma_wait3A_40 = arith.constant 1 : i32
    %dma_wait3A_41 = tpu.memref_slice %arg13[%dma_wait3A_40] : memref<2x!tpu.dma_semaphore, #tpu.memory_space<semaphore_mem>> -> memref<1x!tpu.dma_semaphore, #tpu.memory_space<semaphore_mem>>
    %dma_wait3A_42 = tpu.memref_squeeze %dma_wait3A_41 : memref<1x!tpu.dma_semaphore, #tpu.memory_space<semaphore_mem>> -> memref<!tpu.dma_semaphore, #tpu.memory_space<semaphore_mem>>
    %dma_wait3A_43 = arith.constant 0 : i32
    %dma_wait3A_44 = tpu.memref_slice %arg10[%mul3A_4, %dma_wait3A_43] : memref<10000x16xf32, #tpu.memory_space<vmem_shared>> -> memref<624x16xf32, #tpu.memory_space<vmem_shared>>
    %dma_wait3A_45 = arith.constant 0 : i32
    %dma_wait3A_46 = tpu.memref_slice %arg2[%mul3A_4, %dma_wait3A_45] : memref<10000x16xf32, #tpu.memory_space<hbm>> -> memref<624x16xf32, #tpu.memory_space<hbm>>
    tpu.wait_dma2 semaphore(%dma_wait3A_42 : memref<!tpu.dma_semaphore, #tpu.memory_space<semaphore_mem>>) src(%dma_wait3A_46 : memref<624x16xf32, #tpu.memory_space<hbm>>) dst(%dma_wait3A_44 : memref<624x16xf32, #tpu.memory_space<vmem_shared>>)
    %dma_wait3A_47 = arith.constant 0 : i32
    %dma_wait3A_48 = arith.constant 0 : i32
    %dma_wait3A_49 = tpu.memref_slice %arg3[%mul3A_2, %dma_wait3A_48] : memref<2560x128xi32, #tpu.memory_space<hbm>> -> memref<80x128xi32, #tpu.memory_space<hbm>>
    %dma_wait3A_50 = tpu.memref_slice %arg12[%dma_wait3A_47] : memref<2x!tpu.dma_semaphore, #tpu.memory_space<semaphore_mem>> -> memref<1x!tpu.dma_semaphore, #tpu.memory_space<semaphore_mem>>
    %dma_wait3A_51 = tpu.memref_squeeze %dma_wait3A_50 : memref<1x!tpu.dma_semaphore, #tpu.memory_space<semaphore_mem>> -> memref<!tpu.dma_semaphore, #tpu.memory_space<semaphore_mem>>
    %dma_wait3A_52 = arith.constant 0 : i32
    %dma_wait3A_53 = tpu.memref_slice %arg3[%mul3A_2, %dma_wait3A_52] : memref<2560x128xi32, #tpu.memory_space<hbm>> -> memref<80x128xi32, #tpu.memory_space<hbm>>
    tpu.wait_dma2 semaphore(%dma_wait3A_51 : memref<!tpu.dma_semaphore, #tpu.memory_space<semaphore_mem>>) src(%dma_wait3A_53 : memref<80x128xi32, #tpu.memory_space<hbm>>) dst(%arg7 : memref<80x128xi32, #tpu.memory_space<vmem>>)
    %dma_wait3A_54 = arith.constant 1 : i32
    %dma_wait3A_55 = arith.constant 0 : i32
    %dma_wait3A_56 = tpu.memref_slice %arg4[%mul3A_2, %dma_wait3A_55] : memref<2560x128xi32, #tpu.memory_space<hbm>> -> memref<80x128xi32, #tpu.memory_space<hbm>>
    %dma_wait3A_57 = tpu.memref_slice %arg12[%dma_wait3A_54] : memref<2x!tpu.dma_semaphore, #tpu.memory_space<semaphore_mem>> -> memref<1x!tpu.dma_semaphore, #tpu.memory_space<semaphore_mem>>
    %dma_wait3A_58 = tpu.memref_squeeze %dma_wait3A_57 : memref<1x!tpu.dma_semaphore, #tpu.memory_space<semaphore_mem>> -> memref<!tpu.dma_semaphore, #tpu.memory_space<semaphore_mem>>
    %dma_wait3A_59 = arith.constant 0 : i32
    %dma_wait3A_60 = tpu.memref_slice %arg4[%mul3A_2, %dma_wait3A_59] : memref<2560x128xi32, #tpu.memory_space<hbm>> -> memref<80x128xi32, #tpu.memory_space<hbm>>
    tpu.wait_dma2 semaphore(%dma_wait3A_58 : memref<!tpu.dma_semaphore, #tpu.memory_space<semaphore_mem>>) src(%dma_wait3A_60 : memref<80x128xi32, #tpu.memory_space<hbm>>) dst(%arg8 : memref<80x128xi32, #tpu.memory_space<vmem>>)
    %barrier3A = arith.constant 0 : index
    tpu.barrier barrier_id(%barrier3A)
    %dma_start3A_61 = arith.constant 0 : i32
    %dma_start3A_62 = arith.constant 0 : i32
    %dma_start3A_63 = arith.constant 0 : i32
    %dma_start3A_64 = arith.constant 0 : i32
    %dma_start3A_65 = arith.constant 0 : i32
    %dma_start3A_66 = tpu.memref_slice %arg9[%dma_start3A_62, %dma_start3A_64, %dma_start3A_65] : memref<2x128x16xf32, #tpu.memory_space<vmem>> -> memref<1x128x16xf32, #tpu.memory_space<vmem>>
    %dma_start3A_67 = tpu.memref_squeeze %dma_start3A_66 : memref<1x128x16xf32, #tpu.memory_space<vmem>> -> memref<128x16xf32, #tpu.memory_space<vmem>>
    %dma_start3A_68 = arith.constant 0 : i32
    %dma_start3A_69 = tpu.memref_slice %arg7[%dma_start3A_61, %dma_start3A_68] : memref<80x128xi32, #tpu.memory_space<vmem>> -> memref<1x128xi32, #tpu.memory_space<vmem>>
    %dma_start3A_70 = tpu.memref_squeeze %dma_start3A_69 : memref<1x128xi32, #tpu.memory_space<vmem>> -> memref<128xi32, #tpu.memory_space<vmem>>
    %dma_start3A_71 = arith.constant 0 : i32
    %dma_start3A_72 = arith.constant 0 : i32
    %dma_start3A_73 = tpu.memref_slice %arg10[%dma_start3A_71, %dma_start3A_72] : memref<10000x16xf32, #tpu.memory_space<vmem_shared>> -> memref<10000x16xf32, #tpu.memory_space<vmem_shared>>
    %dma_start3A_74 = tpu.memref_slice %arg12[%dma_start3A_63] : memref<2x!tpu.dma_semaphore, #tpu.memory_space<semaphore_mem>> -> memref<1x!tpu.dma_semaphore, #tpu.memory_space<semaphore_mem>>
    %dma_start3A_75 = tpu.memref_squeeze %dma_start3A_74 : memref<1x!tpu.dma_semaphore, #tpu.memory_space<semaphore_mem>> -> memref<!tpu.dma_semaphore, #tpu.memory_space<semaphore_mem>>
    tpu.enqueue_indirect_dma source(%dma_start3A_73 : memref<10000x16xf32, #tpu.memory_space<vmem_shared>>) target(%dma_start3A_67 : memref<128x16xf32, #tpu.memory_space<vmem>>) offsets(%dma_start3A_70 : memref<128xi32, #tpu.memory_space<vmem>>) semaphore(%dma_start3A_75 : memref<!tpu.dma_semaphore, #tpu.memory_space<semaphore_mem>>)
    %dma_start3A_76 = arith.constant 1 : i32
    %dma_start3A_77 = arith.constant 1 : i32
    %dma_start3A_78 = arith.constant 1 : i32
    %dma_start3A_79 = arith.constant 0 : i32
    %dma_start3A_80 = arith.constant 0 : i32
    %dma_start3A_81 = tpu.memref_slice %arg9[%dma_start3A_77, %dma_start3A_79, %dma_start3A_80] : memref<2x128x16xf32, #tpu.memory_space<vmem>> -> memref<1x128x16xf32, #tpu.memory_space<vmem>>
    %dma_start3A_82 = tpu.memref_squeeze %dma_start3A_81 : memref<1x128x16xf32, #tpu.memory_space<vmem>> -> memref<128x16xf32, #tpu.memory_space<vmem>>
    %dma_start3A_83 = arith.constant 0 : i32
    %dma_start3A_84 = tpu.memref_slice %arg7[%dma_start3A_76, %dma_start3A_83] : memref<80x128xi32, #tpu.memory_space<vmem>> -> memref<1x128xi32, #tpu.memory_space<vmem>>
    %dma_start3A_85 = tpu.memref_squeeze %dma_start3A_84 : memref<1x128xi32, #tpu.memory_space<vmem>> -> memref<128xi32, #tpu.memory_space<vmem>>
    %dma_start3A_86 = arith.constant 0 : i32
    %dma_start3A_87 = arith.constant 0 : i32
    %dma_start3A_88 = tpu.memref_slice %arg10[%dma_start3A_86, %dma_start3A_87] : memref<10000x16xf32, #tpu.memory_space<vmem_shared>> -> memref<10000x16xf32, #tpu.memory_space<vmem_shared>>
    %dma_start3A_89 = tpu.memref_slice %arg12[%dma_start3A_78] : memref<2x!tpu.dma_semaphore, #tpu.memory_space<semaphore_mem>> -> memref<1x!tpu.dma_semaphore, #tpu.memory_space<semaphore_mem>>
    %dma_start3A_90 = tpu.memref_squeeze %dma_start3A_89 : memref<1x!tpu.dma_semaphore, #tpu.memory_space<semaphore_mem>> -> memref<!tpu.dma_semaphore, #tpu.memory_space<semaphore_mem>>
    tpu.enqueue_indirect_dma source(%dma_start3A_88 : memref<10000x16xf32, #tpu.memory_space<vmem_shared>>) target(%dma_start3A_82 : memref<128x16xf32, #tpu.memory_space<vmem>>) offsets(%dma_start3A_85 : memref<128xi32, #tpu.memory_space<vmem>>) semaphore(%dma_start3A_90 : memref<!tpu.dma_semaphore, #tpu.memory_space<semaphore_mem>>)
    %scan3A = arith.constant 0 : i32
    %scan3A_91 = arith.constant 0 : i32
    %scan3A_92 = arith.constant 40 : i32
    %scan3A_93 = arith.addi %scan3A_91, %scan3A_92 : i32
    %scan3A_94 = arith.constant 1 : i32
    scf.for %scan3A_136 = %scan3A_91 to %scan3A_93 step %scan3A_94  : i32 {
      %mul3A_137 = arith.constant 2 : i32
      %mul3A_138 = arith.muli %scan3A_136, %mul3A_137 : i32
      %add3A_139 = arith.constant 0 : i32
      %add3A_140 = arith.addi %mul3A_138, %add3A_139 : i32
      %dma_wait3A_141 = arith.constant 0 : i32
      %dma_wait3A_142 = arith.constant 0 : i32
      %dma_wait3A_143 = arith.constant 0 : i32
      %dma_wait3A_144 = arith.constant 0 : i32
      %dma_wait3A_145 = tpu.memref_slice %arg9[%dma_wait3A_141, %dma_wait3A_143, %dma_wait3A_144] : memref<2x128x16xf32, #tpu.memory_space<vmem>> -> memref<1x128x16xf32, #tpu.memory_space<vmem>>
      %dma_wait3A_146 = tpu.memref_squeeze %dma_wait3A_145 : memref<1x128x16xf32, #tpu.memory_space<vmem>> -> memref<128x16xf32, #tpu.memory_space<vmem>>
      %dma_wait3A_147 = arith.constant 0 : i32
      %dma_wait3A_148 = tpu.memref_slice %arg7[%add3A_140, %dma_wait3A_147] : memref<80x128xi32, #tpu.memory_space<vmem>> -> memref<1x128xi32, #tpu.memory_space<vmem>>
      %dma_wait3A_149 = tpu.memref_squeeze %dma_wait3A_148 : memref<1x128xi32, #tpu.memory_space<vmem>> -> memref<128xi32, #tpu.memory_space<vmem>>
      %dma_wait3A_150 = arith.constant 0 : i32
      %dma_wait3A_151 = arith.constant 0 : i32
      %dma_wait3A_152 = tpu.memref_slice %arg10[%dma_wait3A_150, %dma_wait3A_151] : memref<10000x16xf32, #tpu.memory_space<vmem_shared>> -> memref<10000x16xf32, #tpu.memory_space<vmem_shared>>
      %dma_wait3A_153 = tpu.memref_slice %arg12[%dma_wait3A_142] : memref<2x!tpu.dma_semaphore, #tpu.memory_space<semaphore_mem>> -> memref<1x!tpu.dma_semaphore, #tpu.memory_space<semaphore_mem>>
      %dma_wait3A_154 = tpu.memref_squeeze %dma_wait3A_153 : memref<1x!tpu.dma_semaphore, #tpu.memory_space<semaphore_mem>> -> memref<!tpu.dma_semaphore, #tpu.memory_space<semaphore_mem>>
      tpu.wait_indirect_dma semaphore(%dma_wait3A_154 : memref<!tpu.dma_semaphore, #tpu.memory_space<semaphore_mem>>) src(%dma_wait3A_152 : memref<10000x16xf32, #tpu.memory_space<vmem_shared>>) dst(%dma_wait3A_146 : memref<128x16xf32, #tpu.memory_space<vmem>>)
      %dma_start3A_155 = arith.constant 0 : i32
      %dma_start3A_156 = arith.constant 0 : i32
      %dma_start3A_157 = arith.constant 0 : i32
      %dma_start3A_158 = arith.constant 0 : i32
      %dma_start3A_159 = tpu.memref_slice %arg9[%dma_start3A_155, %dma_start3A_157, %dma_start3A_158] : memref<2x128x16xf32, #tpu.memory_space<vmem>> -> memref<1x128x16xf32, #tpu.memory_space<vmem>>
      %dma_start3A_160 = tpu.memref_squeeze %dma_start3A_159 : memref<1x128x16xf32, #tpu.memory_space<vmem>> -> memref<128x16xf32, #tpu.memory_space<vmem>>
      %dma_start3A_161 = arith.constant 0 : i32
      %dma_start3A_162 = tpu.memref_slice %arg8[%add3A_140, %dma_start3A_161] : memref<80x128xi32, #tpu.memory_space<vmem>> -> memref<1x128xi32, #tpu.memory_space<vmem>>
      %dma_start3A_163 = tpu.memref_squeeze %dma_start3A_162 : memref<1x128xi32, #tpu.memory_space<vmem>> -> memref<128xi32, #tpu.memory_space<vmem>>
      %dma_start3A_164 = arith.constant 0 : i32
      %dma_start3A_165 = arith.constant 0 : i32
      %dma_start3A_166 = tpu.memref_slice %arg11[%dma_start3A_164, %dma_start3A_165] : memref<10008x16xf32, #tpu.memory_space<vmem_shared>> -> memref<10008x16xf32, #tpu.memory_space<vmem_shared>>
      %dma_start3A_167 = tpu.memref_slice %arg13[%dma_start3A_156] : memref<2x!tpu.dma_semaphore, #tpu.memory_space<semaphore_mem>> -> memref<1x!tpu.dma_semaphore, #tpu.memory_space<semaphore_mem>>
      %dma_start3A_168 = tpu.memref_squeeze %dma_start3A_167 : memref<1x!tpu.dma_semaphore, #tpu.memory_space<semaphore_mem>> -> memref<!tpu.dma_semaphore, #tpu.memory_space<semaphore_mem>>
      tpu.enqueue_indirect_dma source(%dma_start3A_160 : memref<128x16xf32, #tpu.memory_space<vmem>>) target(%dma_start3A_166 : memref<10008x16xf32, #tpu.memory_space<vmem_shared>>) offsets(%dma_start3A_163 : memref<128xi32, #tpu.memory_space<vmem>>) semaphore(%dma_start3A_168 : memref<!tpu.dma_semaphore, #tpu.memory_space<semaphore_mem>>) {add = true}
      %mul3A_169 = arith.constant 2 : i32
      %mul3A_170 = arith.muli %scan3A_136, %mul3A_169 : i32
      %add3A_171 = arith.constant 1 : i32
      %add3A_172 = arith.addi %mul3A_170, %add3A_171 : i32
      %dma_wait3A_173 = arith.constant 1 : i32
      %dma_wait3A_174 = arith.constant 1 : i32
      %dma_wait3A_175 = arith.constant 0 : i32
      %dma_wait3A_176 = arith.constant 0 : i32
      %dma_wait3A_177 = tpu.memref_slice %arg9[%dma_wait3A_173, %dma_wait3A_175, %dma_wait3A_176] : memref<2x128x16xf32, #tpu.memory_space<vmem>> -> memref<1x128x16xf32, #tpu.memory_space<vmem>>
      %dma_wait3A_178 = tpu.memref_squeeze %dma_wait3A_177 : memref<1x128x16xf32, #tpu.memory_space<vmem>> -> memref<128x16xf32, #tpu.memory_space<vmem>>
      %dma_wait3A_179 = arith.constant 0 : i32
      %dma_wait3A_180 = tpu.memref_slice %arg7[%add3A_172, %dma_wait3A_179] : memref<80x128xi32, #tpu.memory_space<vmem>> -> memref<1x128xi32, #tpu.memory_space<vmem>>
      %dma_wait3A_181 = tpu.memref_squeeze %dma_wait3A_180 : memref<1x128xi32, #tpu.memory_space<vmem>> -> memref<128xi32, #tpu.memory_space<vmem>>
      %dma_wait3A_182 = arith.constant 0 : i32
      %dma_wait3A_183 = arith.constant 0 : i32
      %dma_wait3A_184 = tpu.memref_slice %arg10[%dma_wait3A_182, %dma_wait3A_183] : memref<10000x16xf32, #tpu.memory_space<vmem_shared>> -> memref<10000x16xf32, #tpu.memory_space<vmem_shared>>
      %dma_wait3A_185 = tpu.memref_slice %arg12[%dma_wait3A_174] : memref<2x!tpu.dma_semaphore, #tpu.memory_space<semaphore_mem>> -> memref<1x!tpu.dma_semaphore, #tpu.memory_space<semaphore_mem>>
      %dma_wait3A_186 = tpu.memref_squeeze %dma_wait3A_185 : memref<1x!tpu.dma_semaphore, #tpu.memory_space<semaphore_mem>> -> memref<!tpu.dma_semaphore, #tpu.memory_space<semaphore_mem>>
      tpu.wait_indirect_dma semaphore(%dma_wait3A_186 : memref<!tpu.dma_semaphore, #tpu.memory_space<semaphore_mem>>) src(%dma_wait3A_184 : memref<10000x16xf32, #tpu.memory_space<vmem_shared>>) dst(%dma_wait3A_178 : memref<128x16xf32, #tpu.memory_space<vmem>>)
      %dma_start3A_187 = arith.constant 1 : i32
      %dma_start3A_188 = arith.constant 1 : i32
      %dma_start3A_189 = arith.constant 0 : i32
      %dma_start3A_190 = arith.constant 0 : i32
      %dma_start3A_191 = tpu.memref_slice %arg9[%dma_start3A_187, %dma_start3A_189, %dma_start3A_190] : memref<2x128x16xf32, #tpu.memory_space<vmem>> -> memref<1x128x16xf32, #tpu.memory_space<vmem>>
      %dma_start3A_192 = tpu.memref_squeeze %dma_start3A_191 : memref<1x128x16xf32, #tpu.memory_space<vmem>> -> memref<128x16xf32, #tpu.memory_space<vmem>>
      %dma_start3A_193 = arith.constant 0 : i32
      %dma_start3A_194 = tpu.memref_slice %arg8[%add3A_172, %dma_start3A_193] : memref<80x128xi32, #tpu.memory_space<vmem>> -> memref<1x128xi32, #tpu.memory_space<vmem>>
      %dma_start3A_195 = tpu.memref_squeeze %dma_start3A_194 : memref<1x128xi32, #tpu.memory_space<vmem>> -> memref<128xi32, #tpu.memory_space<vmem>>
      %dma_start3A_196 = arith.constant 0 : i32
      %dma_start3A_197 = arith.constant 0 : i32
      %dma_start3A_198 = tpu.memref_slice %arg11[%dma_start3A_196, %dma_start3A_197] : memref<10008x16xf32, #tpu.memory_space<vmem_shared>> -> memref<10008x16xf32, #tpu.memory_space<vmem_shared>>
      %dma_start3A_199 = tpu.memref_slice %arg13[%dma_start3A_188] : memref<2x!tpu.dma_semaphore, #tpu.memory_space<semaphore_mem>> -> memref<1x!tpu.dma_semaphore, #tpu.memory_space<semaphore_mem>>
      %dma_start3A_200 = tpu.memref_squeeze %dma_start3A_199 : memref<1x!tpu.dma_semaphore, #tpu.memory_space<semaphore_mem>> -> memref<!tpu.dma_semaphore, #tpu.memory_space<semaphore_mem>>
      tpu.enqueue_indirect_dma source(%dma_start3A_192 : memref<128x16xf32, #tpu.memory_space<vmem>>) target(%dma_start3A_198 : memref<10008x16xf32, #tpu.memory_space<vmem_shared>>) offsets(%dma_start3A_195 : memref<128xi32, #tpu.memory_space<vmem>>) semaphore(%dma_start3A_200 : memref<!tpu.dma_semaphore, #tpu.memory_space<semaphore_mem>>) {add = true}
      %lt3A = arith.constant 39 : i32
      %lt3A_201 = arith.cmpi slt, %scan3A_136, %lt3A : i32
      %convert_element_type3A_202 = arith.extui %lt3A_201 : i1 to i32
      %cond3A_203 = arith.constant 0 : i32
      %cond3A_204 = arith.cmpi ne, %convert_element_type3A_202, %cond3A_203 : i32
      scf.if %cond3A_204 {
        %mul3A_205 = arith.constant 2 : i32
        %mul3A_206 = arith.muli %scan3A_136, %mul3A_205 : i32
        %add3A_207 = arith.constant 0 : i32
        %add3A_208 = arith.addi %mul3A_206, %add3A_207 : i32
        %dma_wait3A_209 = arith.constant 0 : i32
        %dma_wait3A_210 = arith.constant 0 : i32
        %dma_wait3A_211 = arith.constant 0 : i32
        %dma_wait3A_212 = arith.constant 0 : i32
        %dma_wait3A_213 = tpu.memref_slice %arg9[%dma_wait3A_209, %dma_wait3A_211, %dma_wait3A_212] : memref<2x128x16xf32, #tpu.memory_space<vmem>> -> memref<1x128x16xf32, #tpu.memory_space<vmem>>
        %dma_wait3A_214 = tpu.memref_squeeze %dma_wait3A_213 : memref<1x128x16xf32, #tpu.memory_space<vmem>> -> memref<128x16xf32, #tpu.memory_space<vmem>>
        %dma_wait3A_215 = arith.constant 0 : i32
        %dma_wait3A_216 = tpu.memref_slice %arg8[%add3A_208, %dma_wait3A_215] : memref<80x128xi32, #tpu.memory_space<vmem>> -> memref<1x128xi32, #tpu.memory_space<vmem>>
        %dma_wait3A_217 = tpu.memref_squeeze %dma_wait3A_216 : memref<1x128xi32, #tpu.memory_space<vmem>> -> memref<128xi32, #tpu.memory_space<vmem>>
        %dma_wait3A_218 = arith.constant 0 : i32
        %dma_wait3A_219 = arith.constant 0 : i32
        %dma_wait3A_220 = tpu.memref_slice %arg11[%dma_wait3A_218, %dma_wait3A_219] : memref<10008x16xf32, #tpu.memory_space<vmem_shared>> -> memref<10008x16xf32, #tpu.memory_space<vmem_shared>>
        %dma_wait3A_221 = tpu.memref_slice %arg13[%dma_wait3A_210] : memref<2x!tpu.dma_semaphore, #tpu.memory_space<semaphore_mem>> -> memref<1x!tpu.dma_semaphore, #tpu.memory_space<semaphore_mem>>
        %dma_wait3A_222 = tpu.memref_squeeze %dma_wait3A_221 : memref<1x!tpu.dma_semaphore, #tpu.memory_space<semaphore_mem>> -> memref<!tpu.dma_semaphore, #tpu.memory_space<semaphore_mem>>
        tpu.wait_indirect_dma semaphore(%dma_wait3A_222 : memref<!tpu.dma_semaphore, #tpu.memory_space<semaphore_mem>>) src(%dma_wait3A_214 : memref<128x16xf32, #tpu.memory_space<vmem>>) dst(%dma_wait3A_220 : memref<10008x16xf32, #tpu.memory_space<vmem_shared>>)
        %add3A_223 = arith.constant 2 : i32
        %add3A_224 = arith.addi %add3A_208, %add3A_223 : i32
        %dma_start3A_225 = arith.constant 0 : i32
        %dma_start3A_226 = arith.constant 0 : i32
        %dma_start3A_227 = arith.constant 0 : i32
        %dma_start3A_228 = arith.constant 0 : i32
        %dma_start3A_229 = tpu.memref_slice %arg9[%dma_start3A_225, %dma_start3A_227, %dma_start3A_228] : memref<2x128x16xf32, #tpu.memory_space<vmem>> -> memref<1x128x16xf32, #tpu.memory_space<vmem>>
        %dma_start3A_230 = tpu.memref_squeeze %dma_start3A_229 : memref<1x128x16xf32, #tpu.memory_space<vmem>> -> memref<128x16xf32, #tpu.memory_space<vmem>>
        %dma_start3A_231 = arith.constant 0 : i32
        %dma_start3A_232 = tpu.memref_slice %arg7[%add3A_224, %dma_start3A_231] : memref<80x128xi32, #tpu.memory_space<vmem>> -> memref<1x128xi32, #tpu.memory_space<vmem>>
        %dma_start3A_233 = tpu.memref_squeeze %dma_start3A_232 : memref<1x128xi32, #tpu.memory_space<vmem>> -> memref<128xi32, #tpu.memory_space<vmem>>
        %dma_start3A_234 = arith.constant 0 : i32
        %dma_start3A_235 = arith.constant 0 : i32
        %dma_start3A_236 = tpu.memref_slice %arg10[%dma_start3A_234, %dma_start3A_235] : memref<10000x16xf32, #tpu.memory_space<vmem_shared>> -> memref<10000x16xf32, #tpu.memory_space<vmem_shared>>
        %dma_start3A_237 = tpu.memref_slice %arg12[%dma_start3A_226] : memref<2x!tpu.dma_semaphore, #tpu.memory_space<semaphore_mem>> -> memref<1x!tpu.dma_semaphore, #tpu.memory_space<semaphore_mem>>
        %dma_start3A_238 = tpu.memref_squeeze %dma_start3A_237 : memref<1x!tpu.dma_semaphore, #tpu.memory_space<semaphore_mem>> -> memref<!tpu.dma_semaphore, #tpu.memory_space<semaphore_mem>>
        tpu.enqueue_indirect_dma source(%dma_start3A_236 : memref<10000x16xf32, #tpu.memory_space<vmem_shared>>) target(%dma_start3A_230 : memref<128x16xf32, #tpu.memory_space<vmem>>) offsets(%dma_start3A_233 : memref<128xi32, #tpu.memory_space<vmem>>) semaphore(%dma_start3A_238 : memref<!tpu.dma_semaphore, #tpu.memory_space<semaphore_mem>>)
        %mul3A_239 = arith.constant 2 : i32
        %mul3A_240 = arith.muli %scan3A_136, %mul3A_239 : i32
        %add3A_241 = arith.constant 1 : i32
        %add3A_242 = arith.addi %mul3A_240, %add3A_241 : i32
        %dma_wait3A_243 = arith.constant 1 : i32
        %dma_wait3A_244 = arith.constant 1 : i32
        %dma_wait3A_245 = arith.constant 0 : i32
        %dma_wait3A_246 = arith.constant 0 : i32
        %dma_wait3A_247 = tpu.memref_slice %arg9[%dma_wait3A_243, %dma_wait3A_245, %dma_wait3A_246] : memref<2x128x16xf32, #tpu.memory_space<vmem>> -> memref<1x128x16xf32, #tpu.memory_space<vmem>>
        %dma_wait3A_248 = tpu.memref_squeeze %dma_wait3A_247 : memref<1x128x16xf32, #tpu.memory_space<vmem>> -> memref<128x16xf32, #tpu.memory_space<vmem>>
        %dma_wait3A_249 = arith.constant 0 : i32
        %dma_wait3A_250 = tpu.memref_slice %arg8[%add3A_242, %dma_wait3A_249] : memref<80x128xi32, #tpu.memory_space<vmem>> -> memref<1x128xi32, #tpu.memory_space<vmem>>
        %dma_wait3A_251 = tpu.memref_squeeze %dma_wait3A_250 : memref<1x128xi32, #tpu.memory_space<vmem>> -> memref<128xi32, #tpu.memory_space<vmem>>
        %dma_wait3A_252 = arith.constant 0 : i32
        %dma_wait3A_253 = arith.constant 0 : i32
        %dma_wait3A_254 = tpu.memref_slice %arg11[%dma_wait3A_252, %dma_wait3A_253] : memref<10008x16xf32, #tpu.memory_space<vmem_shared>> -> memref<10008x16xf32, #tpu.memory_space<vmem_shared>>
        %dma_wait3A_255 = tpu.memref_slice %arg13[%dma_wait3A_244] : memref<2x!tpu.dma_semaphore, #tpu.memory_space<semaphore_mem>> -> memref<1x!tpu.dma_semaphore, #tpu.memory_space<semaphore_mem>>
        %dma_wait3A_256 = tpu.memref_squeeze %dma_wait3A_255 : memref<1x!tpu.dma_semaphore, #tpu.memory_space<semaphore_mem>> -> memref<!tpu.dma_semaphore, #tpu.memory_space<semaphore_mem>>
        tpu.wait_indirect_dma semaphore(%dma_wait3A_256 : memref<!tpu.dma_semaphore, #tpu.memory_space<semaphore_mem>>) src(%dma_wait3A_248 : memref<128x16xf32, #tpu.memory_space<vmem>>) dst(%dma_wait3A_254 : memref<10008x16xf32, #tpu.memory_space<vmem_shared>>)
        %add3A_257 = arith.constant 2 : i32
        %add3A_258 = arith.addi %add3A_242, %add3A_257 : i32
        %dma_start3A_259 = arith.constant 1 : i32
        %dma_start3A_260 = arith.constant 1 : i32
        %dma_start3A_261 = arith.constant 0 : i32
        %dma_start3A_262 = arith.constant 0 : i32
        %dma_start3A_263 = tpu.memref_slice %arg9[%dma_start3A_259, %dma_start3A_261, %dma_start3A_262] : memref<2x128x16xf32, #tpu.memory_space<vmem>> -> memref<1x128x16xf32, #tpu.memory_space<vmem>>
        %dma_start3A_264 = tpu.memref_squeeze %dma_start3A_263 : memref<1x128x16xf32, #tpu.memory_space<vmem>> -> memref<128x16xf32, #tpu.memory_space<vmem>>
        %dma_start3A_265 = arith.constant 0 : i32
        %dma_start3A_266 = tpu.memref_slice %arg7[%add3A_258, %dma_start3A_265] : memref<80x128xi32, #tpu.memory_space<vmem>> -> memref<1x128xi32, #tpu.memory_space<vmem>>
        %dma_start3A_267 = tpu.memref_squeeze %dma_start3A_266 : memref<1x128xi32, #tpu.memory_space<vmem>> -> memref<128xi32, #tpu.memory_space<vmem>>
        %dma_start3A_268 = arith.constant 0 : i32
        %dma_start3A_269 = arith.constant 0 : i32
        %dma_start3A_270 = tpu.memref_slice %arg10[%dma_start3A_268, %dma_start3A_269] : memref<10000x16xf32, #tpu.memory_space<vmem_shared>> -> memref<10000x16xf32, #tpu.memory_space<vmem_shared>>
        %dma_start3A_271 = tpu.memref_slice %arg12[%dma_start3A_260] : memref<2x!tpu.dma_semaphore, #tpu.memory_space<semaphore_mem>> -> memref<1x!tpu.dma_semaphore, #tpu.memory_space<semaphore_mem>>
        %dma_start3A_272 = tpu.memref_squeeze %dma_start3A_271 : memref<1x!tpu.dma_semaphore, #tpu.memory_space<semaphore_mem>> -> memref<!tpu.dma_semaphore, #tpu.memory_space<semaphore_mem>>
        tpu.enqueue_indirect_dma source(%dma_start3A_270 : memref<10000x16xf32, #tpu.memory_space<vmem_shared>>) target(%dma_start3A_264 : memref<128x16xf32, #tpu.memory_space<vmem>>) offsets(%dma_start3A_267 : memref<128xi32, #tpu.memory_space<vmem>>) semaphore(%dma_start3A_272 : memref<!tpu.dma_semaphore, #tpu.memory_space<semaphore_mem>>)
      } else {
      }
    }
    %scan3A_95 = arith.constant 40 : i32
    %dma_wait3A_96 = arith.constant 0 : i32
    %dma_wait3A_97 = arith.constant 0 : i32
    %dma_wait3A_98 = arith.constant 0 : i32
    %dma_wait3A_99 = arith.constant 0 : i32
    %dma_wait3A_100 = arith.constant 0 : i32
    %dma_wait3A_101 = tpu.memref_slice %arg9[%dma_wait3A_96, %dma_wait3A_99, %dma_wait3A_100] : memref<2x128x16xf32, #tpu.memory_space<vmem>> -> memref<1x128x16xf32, #tpu.memory_space<vmem>>
    %dma_wait3A_102 = tpu.memref_squeeze %dma_wait3A_101 : memref<1x128x16xf32, #tpu.memory_space<vmem>> -> memref<128x16xf32, #tpu.memory_space<vmem>>
    %dma_wait3A_103 = arith.constant 0 : i32
    %dma_wait3A_104 = tpu.memref_slice %arg8[%dma_wait3A_97, %dma_wait3A_103] : memref<80x128xi32, #tpu.memory_space<vmem>> -> memref<1x128xi32, #tpu.memory_space<vmem>>
    %dma_wait3A_105 = tpu.memref_squeeze %dma_wait3A_104 : memref<1x128xi32, #tpu.memory_space<vmem>> -> memref<128xi32, #tpu.memory_space<vmem>>
    %dma_wait3A_106 = arith.constant 0 : i32
    %dma_wait3A_107 = arith.constant 0 : i32
    %dma_wait3A_108 = tpu.memref_slice %arg11[%dma_wait3A_106, %dma_wait3A_107] : memref<10008x16xf32, #tpu.memory_space<vmem_shared>> -> memref<10008x16xf32, #tpu.memory_space<vmem_shared>>
    %dma_wait3A_109 = tpu.memref_slice %arg13[%dma_wait3A_98] : memref<2x!tpu.dma_semaphore, #tpu.memory_space<semaphore_mem>> -> memref<1x!tpu.dma_semaphore, #tpu.memory_space<semaphore_mem>>
    %dma_wait3A_110 = tpu.memref_squeeze %dma_wait3A_109 : memref<1x!tpu.dma_semaphore, #tpu.memory_space<semaphore_mem>> -> memref<!tpu.dma_semaphore, #tpu.memory_space<semaphore_mem>>
    tpu.wait_indirect_dma semaphore(%dma_wait3A_110 : memref<!tpu.dma_semaphore, #tpu.memory_space<semaphore_mem>>) src(%dma_wait3A_102 : memref<128x16xf32, #tpu.memory_space<vmem>>) dst(%dma_wait3A_108 : memref<10008x16xf32, #tpu.memory_space<vmem_shared>>)
    %dma_wait3A_111 = arith.constant 1 : i32
    %dma_wait3A_112 = arith.constant 1 : i32
    %dma_wait3A_113 = arith.constant 1 : i32
    %dma_wait3A_114 = arith.constant 0 : i32
    %dma_wait3A_115 = arith.constant 0 : i32
    %dma_wait3A_116 = tpu.memref_slice %arg9[%dma_wait3A_111, %dma_wait3A_114, %dma_wait3A_115] : memref<2x128x16xf32, #tpu.memory_space<vmem>> -> memref<1x128x16xf32, #tpu.memory_space<vmem>>
    %dma_wait3A_117 = tpu.memref_squeeze %dma_wait3A_116 : memref<1x128x16xf32, #tpu.memory_space<vmem>> -> memref<128x16xf32, #tpu.memory_space<vmem>>
    %dma_wait3A_118 = arith.constant 0 : i32
    %dma_wait3A_119 = tpu.memref_slice %arg8[%dma_wait3A_112, %dma_wait3A_118] : memref<80x128xi32, #tpu.memory_space<vmem>> -> memref<1x128xi32, #tpu.memory_space<vmem>>
    %dma_wait3A_120 = tpu.memref_squeeze %dma_wait3A_119 : memref<1x128xi32, #tpu.memory_space<vmem>> -> memref<128xi32, #tpu.memory_space<vmem>>
    %dma_wait3A_121 = arith.constant 0 : i32
    %dma_wait3A_122 = arith.constant 0 : i32
    %dma_wait3A_123 = tpu.memref_slice %arg11[%dma_wait3A_121, %dma_wait3A_122] : memref<10008x16xf32, #tpu.memory_space<vmem_shared>> -> memref<10008x16xf32, #tpu.memory_space<vmem_shared>>
    %dma_wait3A_124 = tpu.memref_slice %arg13[%dma_wait3A_113] : memref<2x!tpu.dma_semaphore, #tpu.memory_space<semaphore_mem>> -> memref<1x!tpu.dma_semaphore, #tpu.memory_space<semaphore_mem>>
    %dma_wait3A_125 = tpu.memref_squeeze %dma_wait3A_124 : memref<1x!tpu.dma_semaphore, #tpu.memory_space<semaphore_mem>> -> memref<!tpu.dma_semaphore, #tpu.memory_space<semaphore_mem>>
    tpu.wait_indirect_dma semaphore(%dma_wait3A_125 : memref<!tpu.dma_semaphore, #tpu.memory_space<semaphore_mem>>) src(%dma_wait3A_117 : memref<128x16xf32, #tpu.memory_space<vmem>>) dst(%dma_wait3A_123 : memref<10008x16xf32, #tpu.memory_space<vmem_shared>>)
    %barrier3A_126 = arith.constant 0 : index
    tpu.barrier barrier_id(%barrier3A_126)
    %mul3A_127 = arith.constant 624 : i32
    %mul3A_128 = arith.muli %arg1, %mul3A_127 : i32
    %mul3A_129 = arith.constant 624 : i32
    %mul3A_130 = arith.muli %arg1, %mul3A_129 : i32
    "tpu.region"() ({
      %run_scoped3A = tpu.sem_alloc : memref<!tpu.dma_semaphore, #tpu.memory_space<semaphore_mem>>
      %dma_start3A_136 = arith.constant 0 : i32
      %dma_start3A_137 = arith.constant 0 : i32
      %dma_start3A_138 = tpu.memref_slice %arg6[%arg0, %dma_start3A_136, %dma_start3A_137] : memref<2x10000x16xf32, #tpu.memory_space<hbm>> -> memref<1x10000x16xf32, #tpu.memory_space<hbm>>
      %dma_start3A_139 = tpu.memref_squeeze %dma_start3A_138 : memref<1x10000x16xf32, #tpu.memory_space<hbm>> -> memref<10000x16xf32, #tpu.memory_space<hbm>>
      %dma_start3A_140 = arith.constant 0 : i32
      %dma_start3A_141 = tpu.memref_slice %dma_start3A_139[%mul3A_130, %dma_start3A_140] : memref<10000x16xf32, #tpu.memory_space<hbm>> -> memref<624x16xf32, #tpu.memory_space<hbm>>
      %dma_start3A_142 = arith.constant 0 : i32
      %dma_start3A_143 = tpu.memref_slice %arg11[%mul3A_128, %dma_start3A_142] : memref<10008x16xf32, #tpu.memory_space<vmem_shared>> -> memref<624x16xf32, #tpu.memory_space<vmem_shared>>
      tpu.enqueue_dma source(%dma_start3A_143 : memref<624x16xf32, #tpu.memory_space<vmem_shared>>) target(%dma_start3A_141 : memref<624x16xf32, #tpu.memory_space<hbm>>) target_semaphore(%run_scoped3A : memref<!tpu.dma_semaphore, #tpu.memory_space<semaphore_mem>>)
      %dma_wait3A_144 = arith.constant 0 : i32
      %dma_wait3A_145 = arith.constant 0 : i32
      %dma_wait3A_146 = tpu.memref_slice %arg6[%arg0, %dma_wait3A_144, %dma_wait3A_145] : memref<2x10000x16xf32, #tpu.memory_space<hbm>> -> memref<1x10000x16xf32, #tpu.memory_space<hbm>>
      %dma_wait3A_147 = tpu.memref_squeeze %dma_wait3A_146 : memref<1x10000x16xf32, #tpu.memory_space<hbm>> -> memref<10000x16xf32, #tpu.memory_space<hbm>>
      %dma_wait3A_148 = arith.constant 0 : i32
      %dma_wait3A_149 = tpu.memref_slice %dma_wait3A_147[%mul3A_130, %dma_wait3A_148] : memref<10000x16xf32, #tpu.memory_space<hbm>> -> memref<624x16xf32, #tpu.memory_space<hbm>>
      %dma_wait3A_150 = arith.constant 0 : i32
      %dma_wait3A_151 = tpu.memref_slice %arg11[%mul3A_128, %dma_wait3A_150] : memref<10008x16xf32, #tpu.memory_space<vmem_shared>> -> memref<624x16xf32, #tpu.memory_space<vmem_shared>>
      tpu.wait_dma2 semaphore(%run_scoped3A : memref<!tpu.dma_semaphore, #tpu.memory_space<semaphore_mem>>) src(%dma_wait3A_151 : memref<624x16xf32, #tpu.memory_space<vmem_shared>>) dst(%dma_wait3A_149 : memref<624x16xf32, #tpu.memory_space<hbm>>)
      tpu.yield
    }) : () -> ()
    %eq3A_131 = arith.constant 15 : i32
    %eq3A_132 = arith.cmpi eq, %arg1, %eq3A_131 : i32
    %convert_element_type3A_133 = arith.extui %eq3A_132 : i1 to i32
    %cond3A_134 = arith.constant 0 : i32
    %cond3A_135 = arith.cmpi ne, %convert_element_type3A_133, %cond3A_134 : i32
    scf.if %cond3A_135 {
      "tpu.region"() ({
        %run_scoped3A = tpu.sem_alloc : memref<!tpu.dma_semaphore, #tpu.memory_space<semaphore_mem>>
        %dma_start3A_136 = arith.constant 0 : i32
        %dma_start3A_137 = arith.constant 0 : i32
        %dma_start3A_138 = tpu.memref_slice %arg6[%arg0, %dma_start3A_136, %dma_start3A_137] : memref<2x10000x16xf32, #tpu.memory_space<hbm>> -> memref<1x10000x16xf32, #tpu.memory_space<hbm>>
        %dma_start3A_139 = tpu.memref_squeeze %dma_start3A_138 : memref<1x10000x16xf32, #tpu.memory_space<hbm>> -> memref<10000x16xf32, #tpu.memory_space<hbm>>
        %dma_start3A_140 = arith.constant 9984 : i32
        %dma_start3A_141 = arith.constant 0 : i32
        %dma_start3A_142 = tpu.memref_slice %dma_start3A_139[%dma_start3A_140, %dma_start3A_141] : memref<10000x16xf32, #tpu.memory_space<hbm>> -> memref<16x16xf32, #tpu.memory_space<hbm>>
        %dma_start3A_143 = arith.constant 9984 : i32
        %dma_start3A_144 = arith.constant 0 : i32
        %dma_start3A_145 = tpu.memref_slice %arg11[%dma_start3A_143, %dma_start3A_144] : memref<10008x16xf32, #tpu.memory_space<vmem_shared>> -> memref<16x16xf32, #tpu.memory_space<vmem_shared>>
        tpu.enqueue_dma source(%dma_start3A_145 : memref<16x16xf32, #tpu.memory_space<vmem_shared>>) target(%dma_start3A_142 : memref<16x16xf32, #tpu.memory_space<hbm>>) target_semaphore(%run_scoped3A : memref<!tpu.dma_semaphore, #tpu.memory_space<semaphore_mem>>)
        %dma_wait3A_146 = arith.constant 0 : i32
        %dma_wait3A_147 = arith.constant 0 : i32
        %dma_wait3A_148 = tpu.memref_slice %arg6[%arg0, %dma_wait3A_146, %dma_wait3A_147] : memref<2x10000x16xf32, #tpu.memory_space<hbm>> -> memref<1x10000x16xf32, #tpu.memory_space<hbm>>
        %dma_wait3A_149 = tpu.memref_squeeze %dma_wait3A_148 : memref<1x10000x16xf32, #tpu.memory_space<hbm>> -> memref<10000x16xf32, #tpu.memory_space<hbm>>
        %dma_wait3A_150 = arith.constant 9984 : i32
        %dma_wait3A_151 = arith.constant 0 : i32
        %dma_wait3A_152 = tpu.memref_slice %dma_wait3A_149[%dma_wait3A_150, %dma_wait3A_151] : memref<10000x16xf32, #tpu.memory_space<hbm>> -> memref<16x16xf32, #tpu.memory_space<hbm>>
        %dma_wait3A_153 = arith.constant 9984 : i32
        %dma_wait3A_154 = arith.constant 0 : i32
        %dma_wait3A_155 = tpu.memref_slice %arg11[%dma_wait3A_153, %dma_wait3A_154] : memref<10008x16xf32, #tpu.memory_space<vmem_shared>> -> memref<16x16xf32, #tpu.memory_space<vmem_shared>>
        tpu.wait_dma2 semaphore(%run_scoped3A : memref<!tpu.dma_semaphore, #tpu.memory_space<semaphore_mem>>) src(%dma_wait3A_155 : memref<16x16xf32, #tpu.memory_space<vmem_shared>>) dst(%dma_wait3A_152 : memref<16x16xf32, #tpu.memory_space<hbm>>)
        tpu.yield
      }) : () -> ()
    } else {
    }
    return
  }
}

#map = affine_map<(d0, d1) -> (0, 0)>
#map1 = affine_map<(d0, d1) -> (0, 0, 0)>
module attributes {stable_mosaic.version = 14 : i64} {
  func.func @k(%arg0: i32, %arg1: i32, %arg2: memref<2560x128xi32, #tpu.memory_space<hbm>>, %arg3: memref<128x8xf32, #tpu.memory_space<hbm>>, %arg4: memref<10008x8xf32, #tpu.memory_space<hbm>>, %arg5: memref<2x10000x8xf32, #tpu.memory_space<hbm>>, %arg6: memref<80x128xi32, #tpu.memory_space<vmem>>, %arg7: memref<128x8xf32, #tpu.memory_space<vmem>>, %arg8: memref<10008x8xf32, #tpu.memory_space<vmem_shared>>, %arg9: memref<!tpu.dma_semaphore, #tpu.memory_space<semaphore_mem>>, %arg10: memref<2x!tpu.dma_semaphore, #tpu.memory_space<semaphore_mem>>) attributes {dimension_semantics = [#tpu.dimension_semantics<core_parallel>, #tpu.dimension_semantics<subcore_parallel>], iteration_bounds = array<i64: 2, 16>, scalar_prefetch = 0 : i64, scratch_operands = 5 : i64, tpu.core_type = #tpu.core_type<sc_vector_subcore>, window_params = [{transform_indices = #map}, {transform_indices = #map}, {transform_indices = #map}, {transform_indices = #map1}]} {
    %mul3A = arith.constant 16 : i32
    %mul3A_0 = arith.muli %arg0, %mul3A : i32
    %add3A = arith.addi %mul3A_0, %arg1 : i32
    %mul3A_1 = arith.constant 80 : i32
    %mul3A_2 = arith.muli %add3A, %mul3A_1 : i32
    %mul3A_3 = arith.constant 624 : i32
    %mul3A_4 = arith.muli %arg1, %mul3A_3 : i32
    %dma_start3A = arith.constant 0 : i32
    %dma_start3A_5 = tpu.memref_slice %arg10[%dma_start3A] : memref<2x!tpu.dma_semaphore, #tpu.memory_space<semaphore_mem>> -> memref<1x!tpu.dma_semaphore, #tpu.memory_space<semaphore_mem>>
    %dma_start3A_6 = tpu.memref_squeeze %dma_start3A_5 : memref<1x!tpu.dma_semaphore, #tpu.memory_space<semaphore_mem>> -> memref<!tpu.dma_semaphore, #tpu.memory_space<semaphore_mem>>
    %dma_start3A_7 = arith.constant 0 : i32
    %dma_start3A_8 = tpu.memref_slice %arg8[%mul3A_4, %dma_start3A_7] : memref<10008x8xf32, #tpu.memory_space<vmem_shared>> -> memref<624x8xf32, #tpu.memory_space<vmem_shared>>
    %dma_start3A_9 = arith.constant 0 : i32
    %dma_start3A_10 = tpu.memref_slice %arg4[%mul3A_4, %dma_start3A_9] : memref<10008x8xf32, #tpu.memory_space<hbm>> -> memref<624x8xf32, #tpu.memory_space<hbm>>
    tpu.enqueue_dma source(%dma_start3A_10 : memref<624x8xf32, #tpu.memory_space<hbm>>) target(%dma_start3A_8 : memref<624x8xf32, #tpu.memory_space<vmem_shared>>) target_semaphore(%dma_start3A_6 : memref<!tpu.dma_semaphore, #tpu.memory_space<semaphore_mem>>)
    %dma_start3A_11 = arith.constant 1 : i32
    %dma_start3A_12 = arith.constant 0 : i32
    %dma_start3A_13 = tpu.memref_slice %arg2[%mul3A_2, %dma_start3A_12] : memref<2560x128xi32, #tpu.memory_space<hbm>> -> memref<80x128xi32, #tpu.memory_space<hbm>>
    %dma_start3A_14 = tpu.memref_slice %arg10[%dma_start3A_11] : memref<2x!tpu.dma_semaphore, #tpu.memory_space<semaphore_mem>> -> memref<1x!tpu.dma_semaphore, #tpu.memory_space<semaphore_mem>>
    %dma_start3A_15 = tpu.memref_squeeze %dma_start3A_14 : memref<1x!tpu.dma_semaphore, #tpu.memory_space<semaphore_mem>> -> memref<!tpu.dma_semaphore, #tpu.memory_space<semaphore_mem>>
    %dma_start3A_16 = arith.constant 0 : i32
    %dma_start3A_17 = tpu.memref_slice %arg2[%mul3A_2, %dma_start3A_16] : memref<2560x128xi32, #tpu.memory_space<hbm>> -> memref<80x128xi32, #tpu.memory_space<hbm>>
    tpu.enqueue_dma source(%dma_start3A_17 : memref<80x128xi32, #tpu.memory_space<hbm>>) target(%arg6 : memref<80x128xi32, #tpu.memory_space<vmem>>) target_semaphore(%dma_start3A_15 : memref<!tpu.dma_semaphore, #tpu.memory_space<semaphore_mem>>)
    "tpu.region"() ({
      %run_scoped3A = tpu.sem_alloc : memref<!tpu.dma_semaphore, #tpu.memory_space<semaphore_mem>>
      tpu.enqueue_dma source(%arg3 : memref<128x8xf32, #tpu.memory_space<hbm>>) target(%arg7 : memref<128x8xf32, #tpu.memory_space<vmem>>) target_semaphore(%run_scoped3A : memref<!tpu.dma_semaphore, #tpu.memory_space<semaphore_mem>>)
      tpu.wait_dma2 semaphore(%run_scoped3A : memref<!tpu.dma_semaphore, #tpu.memory_space<semaphore_mem>>) src(%arg3 : memref<128x8xf32, #tpu.memory_space<hbm>>) dst(%arg7 : memref<128x8xf32, #tpu.memory_space<vmem>>)
      tpu.yield
    }) : () -> ()
    %eq3A = arith.constant 15 : i32
    %eq3A_18 = arith.cmpi eq, %arg1, %eq3A : i32
    %convert_element_type3A = arith.extui %eq3A_18 : i1 to i32
    %cond3A = arith.constant 0 : i32
    %cond3A_19 = arith.cmpi ne, %convert_element_type3A, %cond3A : i32
    scf.if %cond3A_19 {
      "tpu.region"() ({
        %run_scoped3A = tpu.sem_alloc : memref<!tpu.dma_semaphore, #tpu.memory_space<semaphore_mem>>
        %dma_start3A_160 = arith.constant 9984 : i32
        %dma_start3A_161 = arith.constant 0 : i32
        %dma_start3A_162 = tpu.memref_slice %arg8[%dma_start3A_160, %dma_start3A_161] : memref<10008x8xf32, #tpu.memory_space<vmem_shared>> -> memref<16x8xf32, #tpu.memory_space<vmem_shared>>
        %dma_start3A_163 = arith.constant 9984 : i32
        %dma_start3A_164 = arith.constant 0 : i32
        %dma_start3A_165 = tpu.memref_slice %arg4[%dma_start3A_163, %dma_start3A_164] : memref<10008x8xf32, #tpu.memory_space<hbm>> -> memref<16x8xf32, #tpu.memory_space<hbm>>
        tpu.enqueue_dma source(%dma_start3A_165 : memref<16x8xf32, #tpu.memory_space<hbm>>) target(%dma_start3A_162 : memref<16x8xf32, #tpu.memory_space<vmem_shared>>) target_semaphore(%run_scoped3A : memref<!tpu.dma_semaphore, #tpu.memory_space<semaphore_mem>>)
        %dma_wait3A_166 = arith.constant 9984 : i32
        %dma_wait3A_167 = arith.constant 0 : i32
        %dma_wait3A_168 = tpu.memref_slice %arg8[%dma_wait3A_166, %dma_wait3A_167] : memref<10008x8xf32, #tpu.memory_space<vmem_shared>> -> memref<16x8xf32, #tpu.memory_space<vmem_shared>>
        %dma_wait3A_169 = arith.constant 9984 : i32
        %dma_wait3A_170 = arith.constant 0 : i32
        %dma_wait3A_171 = tpu.memref_slice %arg4[%dma_wait3A_169, %dma_wait3A_170] : memref<10008x8xf32, #tpu.memory_space<hbm>> -> memref<16x8xf32, #tpu.memory_space<hbm>>
        tpu.wait_dma2 semaphore(%run_scoped3A : memref<!tpu.dma_semaphore, #tpu.memory_space<semaphore_mem>>) src(%dma_wait3A_171 : memref<16x8xf32, #tpu.memory_space<hbm>>) dst(%dma_wait3A_168 : memref<16x8xf32, #tpu.memory_space<vmem_shared>>)
        tpu.yield
      }) : () -> ()
      "tpu.region"() ({
        %run_scoped3A = tpu.sem_alloc : memref<!tpu.dma_semaphore, #tpu.memory_space<semaphore_mem>>
        %dma_start3A_160 = arith.constant 10000 : i32
        %dma_start3A_161 = arith.constant 0 : i32
        %dma_start3A_162 = tpu.memref_slice %arg8[%dma_start3A_160, %dma_start3A_161] : memref<10008x8xf32, #tpu.memory_space<vmem_shared>> -> memref<8x8xf32, #tpu.memory_space<vmem_shared>>
        %dma_start3A_163 = arith.constant 10000 : i32
        %dma_start3A_164 = arith.constant 0 : i32
        %dma_start3A_165 = tpu.memref_slice %arg4[%dma_start3A_163, %dma_start3A_164] : memref<10008x8xf32, #tpu.memory_space<hbm>> -> memref<8x8xf32, #tpu.memory_space<hbm>>
        tpu.enqueue_dma source(%dma_start3A_165 : memref<8x8xf32, #tpu.memory_space<hbm>>) target(%dma_start3A_162 : memref<8x8xf32, #tpu.memory_space<vmem_shared>>) target_semaphore(%run_scoped3A : memref<!tpu.dma_semaphore, #tpu.memory_space<semaphore_mem>>)
        %dma_wait3A_166 = arith.constant 10000 : i32
        %dma_wait3A_167 = arith.constant 0 : i32
        %dma_wait3A_168 = tpu.memref_slice %arg8[%dma_wait3A_166, %dma_wait3A_167] : memref<10008x8xf32, #tpu.memory_space<vmem_shared>> -> memref<8x8xf32, #tpu.memory_space<vmem_shared>>
        %dma_wait3A_169 = arith.constant 10000 : i32
        %dma_wait3A_170 = arith.constant 0 : i32
        %dma_wait3A_171 = tpu.memref_slice %arg4[%dma_wait3A_169, %dma_wait3A_170] : memref<10008x8xf32, #tpu.memory_space<hbm>> -> memref<8x8xf32, #tpu.memory_space<hbm>>
        tpu.wait_dma2 semaphore(%run_scoped3A : memref<!tpu.dma_semaphore, #tpu.memory_space<semaphore_mem>>) src(%dma_wait3A_171 : memref<8x8xf32, #tpu.memory_space<hbm>>) dst(%dma_wait3A_168 : memref<8x8xf32, #tpu.memory_space<vmem_shared>>)
        tpu.yield
      }) : () -> ()
    } else {
    }
    %dma_wait3A = arith.constant 0 : i32
    %dma_wait3A_20 = tpu.memref_slice %arg10[%dma_wait3A] : memref<2x!tpu.dma_semaphore, #tpu.memory_space<semaphore_mem>> -> memref<1x!tpu.dma_semaphore, #tpu.memory_space<semaphore_mem>>
    %dma_wait3A_21 = tpu.memref_squeeze %dma_wait3A_20 : memref<1x!tpu.dma_semaphore, #tpu.memory_space<semaphore_mem>> -> memref<!tpu.dma_semaphore, #tpu.memory_space<semaphore_mem>>
    %dma_wait3A_22 = arith.constant 0 : i32
    %dma_wait3A_23 = tpu.memref_slice %arg8[%mul3A_4, %dma_wait3A_22] : memref<10008x8xf32, #tpu.memory_space<vmem_shared>> -> memref<624x8xf32, #tpu.memory_space<vmem_shared>>
    %dma_wait3A_24 = arith.constant 0 : i32
    %dma_wait3A_25 = tpu.memref_slice %arg4[%mul3A_4, %dma_wait3A_24] : memref<10008x8xf32, #tpu.memory_space<hbm>> -> memref<624x8xf32, #tpu.memory_space<hbm>>
    tpu.wait_dma2 semaphore(%dma_wait3A_21 : memref<!tpu.dma_semaphore, #tpu.memory_space<semaphore_mem>>) src(%dma_wait3A_25 : memref<624x8xf32, #tpu.memory_space<hbm>>) dst(%dma_wait3A_23 : memref<624x8xf32, #tpu.memory_space<vmem_shared>>)
    %dma_wait3A_26 = arith.constant 1 : i32
    %dma_wait3A_27 = arith.constant 0 : i32
    %dma_wait3A_28 = tpu.memref_slice %arg2[%mul3A_2, %dma_wait3A_27] : memref<2560x128xi32, #tpu.memory_space<hbm>> -> memref<80x128xi32, #tpu.memory_space<hbm>>
    %dma_wait3A_29 = tpu.memref_slice %arg10[%dma_wait3A_26] : memref<2x!tpu.dma_semaphore, #tpu.memory_space<semaphore_mem>> -> memref<1x!tpu.dma_semaphore, #tpu.memory_space<semaphore_mem>>
    %dma_wait3A_30 = tpu.memref_squeeze %dma_wait3A_29 : memref<1x!tpu.dma_semaphore, #tpu.memory_space<semaphore_mem>> -> memref<!tpu.dma_semaphore, #tpu.memory_space<semaphore_mem>>
    %dma_wait3A_31 = arith.constant 0 : i32
    %dma_wait3A_32 = tpu.memref_slice %arg2[%mul3A_2, %dma_wait3A_31] : memref<2560x128xi32, #tpu.memory_space<hbm>> -> memref<80x128xi32, #tpu.memory_space<hbm>>
    tpu.wait_dma2 semaphore(%dma_wait3A_30 : memref<!tpu.dma_semaphore, #tpu.memory_space<semaphore_mem>>) src(%dma_wait3A_32 : memref<80x128xi32, #tpu.memory_space<hbm>>) dst(%arg6 : memref<80x128xi32, #tpu.memory_space<vmem>>)
    %barrier3A = arith.constant 0 : index
    tpu.barrier barrier_id(%barrier3A)
    %scan3A = arith.constant 0 : i32
    %scan3A_33 = arith.constant 0 : i32
    %scan3A_34 = arith.constant 80 : i32
    %scan3A_35 = arith.addi %scan3A_33, %scan3A_34 : i32
    %scan3A_36 = arith.constant 1 : i32
    scf.for %scan3A_160 = %scan3A_33 to %scan3A_35 step %scan3A_36  : i32 {
      %dma_start3A_161 = arith.constant 0 : i32
      %dma_start3A_162 = tpu.memref_slice %arg6[%scan3A_160, %dma_start3A_161] : memref<80x128xi32, #tpu.memory_space<vmem>> -> memref<1x128xi32, #tpu.memory_space<vmem>>
      %dma_start3A_163 = tpu.memref_squeeze %dma_start3A_162 : memref<1x128xi32, #tpu.memory_space<vmem>> -> memref<128xi32, #tpu.memory_space<vmem>>
      %dma_start3A_164 = arith.constant 0 : i32
      %dma_start3A_165 = arith.constant 0 : i32
      %dma_start3A_166 = tpu.memref_slice %arg8[%dma_start3A_164, %dma_start3A_165] : memref<10008x8xf32, #tpu.memory_space<vmem_shared>> -> memref<10008x8xf32, #tpu.memory_space<vmem_shared>>
      tpu.enqueue_indirect_dma source(%arg7 : memref<128x8xf32, #tpu.memory_space<vmem>>) target(%dma_start3A_166 : memref<10008x8xf32, #tpu.memory_space<vmem_shared>>) offsets(%dma_start3A_163 : memref<128xi32, #tpu.memory_space<vmem>>) semaphore(%arg9 : memref<!tpu.dma_semaphore, #tpu.memory_space<semaphore_mem>>) {add = true}
      %ge3A = arith.constant 16 : i32
      %ge3A_167 = arith.cmpi sge, %scan3A_160, %ge3A : i32
      %convert_element_type3A_168 = arith.extui %ge3A_167 : i1 to i32
      %cond3A_169 = arith.constant 0 : i32
      %cond3A_170 = arith.cmpi ne, %convert_element_type3A_168, %cond3A_169 : i32
      scf.if %cond3A_170 {
        %dma_wait3A_171 = arith.constant 0 : i32
        %dma_wait3A_172 = arith.constant 0 : i32
        %dma_wait3A_173 = tpu.memref_slice %arg6[%dma_wait3A_171, %dma_wait3A_172] : memref<80x128xi32, #tpu.memory_space<vmem>> -> memref<1x128xi32, #tpu.memory_space<vmem>>
        %dma_wait3A_174 = tpu.memref_squeeze %dma_wait3A_173 : memref<1x128xi32, #tpu.memory_space<vmem>> -> memref<128xi32, #tpu.memory_space<vmem>>
        %dma_wait3A_175 = arith.constant 0 : i32
        %dma_wait3A_176 = arith.constant 0 : i32
        %dma_wait3A_177 = tpu.memref_slice %arg8[%dma_wait3A_175, %dma_wait3A_176] : memref<10008x8xf32, #tpu.memory_space<vmem_shared>> -> memref<10008x8xf32, #tpu.memory_space<vmem_shared>>
        tpu.wait_indirect_dma semaphore(%arg9 : memref<!tpu.dma_semaphore, #tpu.memory_space<semaphore_mem>>) src(%arg7 : memref<128x8xf32, #tpu.memory_space<vmem>>) dst(%dma_wait3A_177 : memref<10008x8xf32, #tpu.memory_space<vmem_shared>>)
      } else {
      }
    }
    %scan3A_37 = arith.constant 80 : i32
    %dma_wait3A_38 = arith.constant 0 : i32
    %dma_wait3A_39 = arith.constant 0 : i32
    %dma_wait3A_40 = tpu.memref_slice %arg6[%dma_wait3A_38, %dma_wait3A_39] : memref<80x128xi32, #tpu.memory_space<vmem>> -> memref<1x128xi32, #tpu.memory_space<vmem>>
    %dma_wait3A_41 = tpu.memref_squeeze %dma_wait3A_40 : memref<1x128xi32, #tpu.memory_space<vmem>> -> memref<128xi32, #tpu.memory_space<vmem>>
    %dma_wait3A_42 = arith.constant 0 : i32
    %dma_wait3A_43 = arith.constant 0 : i32
    %dma_wait3A_44 = tpu.memref_slice %arg8[%dma_wait3A_42, %dma_wait3A_43] : memref<10008x8xf32, #tpu.memory_space<vmem_shared>> -> memref<10008x8xf32, #tpu.memory_space<vmem_shared>>
    tpu.wait_indirect_dma semaphore(%arg9 : memref<!tpu.dma_semaphore, #tpu.memory_space<semaphore_mem>>) src(%arg7 : memref<128x8xf32, #tpu.memory_space<vmem>>) dst(%dma_wait3A_44 : memref<10008x8xf32, #tpu.memory_space<vmem_shared>>)
    %dma_wait3A_45 = arith.constant 0 : i32
    %dma_wait3A_46 = arith.constant 0 : i32
    %dma_wait3A_47 = tpu.memref_slice %arg6[%dma_wait3A_45, %dma_wait3A_46] : memref<80x128xi32, #tpu.memory_space<vmem>> -> memref<1x128xi32, #tpu.memory_space<vmem>>
    %dma_wait3A_48 = tpu.memref_squeeze %dma_wait3A_47 : memref<1x128xi32, #tpu.memory_space<vmem>> -> memref<128xi32, #tpu.memory_space<vmem>>
    %dma_wait3A_49 = arith.constant 0 : i32
    %dma_wait3A_50 = arith.constant 0 : i32
    %dma_wait3A_51 = tpu.memref_slice %arg8[%dma_wait3A_49, %dma_wait3A_50] : memref<10008x8xf32, #tpu.memory_space<vmem_shared>> -> memref<10008x8xf32, #tpu.memory_space<vmem_shared>>
    tpu.wait_indirect_dma semaphore(%arg9 : memref<!tpu.dma_semaphore, #tpu.memory_space<semaphore_mem>>) src(%arg7 : memref<128x8xf32, #tpu.memory_space<vmem>>) dst(%dma_wait3A_51 : memref<10008x8xf32, #tpu.memory_space<vmem_shared>>)
    %dma_wait3A_52 = arith.constant 0 : i32
    %dma_wait3A_53 = arith.constant 0 : i32
    %dma_wait3A_54 = tpu.memref_slice %arg6[%dma_wait3A_52, %dma_wait3A_53] : memref<80x128xi32, #tpu.memory_space<vmem>> -> memref<1x128xi32, #tpu.memory_space<vmem>>
    %dma_wait3A_55 = tpu.memref_squeeze %dma_wait3A_54 : memref<1x128xi32, #tpu.memory_space<vmem>> -> memref<128xi32, #tpu.memory_space<vmem>>
    %dma_wait3A_56 = arith.constant 0 : i32
    %dma_wait3A_57 = arith.constant 0 : i32
    %dma_wait3A_58 = tpu.memref_slice %arg8[%dma_wait3A_56, %dma_wait3A_57] : memref<10008x8xf32, #tpu.memory_space<vmem_shared>> -> memref<10008x8xf32, #tpu.memory_space<vmem_shared>>
    tpu.wait_indirect_dma semaphore(%arg9 : memref<!tpu.dma_semaphore, #tpu.memory_space<semaphore_mem>>) src(%arg7 : memref<128x8xf32, #tpu.memory_space<vmem>>) dst(%dma_wait3A_58 : memref<10008x8xf32, #tpu.memory_space<vmem_shared>>)
    %dma_wait3A_59 = arith.constant 0 : i32
    %dma_wait3A_60 = arith.constant 0 : i32
    %dma_wait3A_61 = tpu.memref_slice %arg6[%dma_wait3A_59, %dma_wait3A_60] : memref<80x128xi32, #tpu.memory_space<vmem>> -> memref<1x128xi32, #tpu.memory_space<vmem>>
    %dma_wait3A_62 = tpu.memref_squeeze %dma_wait3A_61 : memref<1x128xi32, #tpu.memory_space<vmem>> -> memref<128xi32, #tpu.memory_space<vmem>>
    %dma_wait3A_63 = arith.constant 0 : i32
    %dma_wait3A_64 = arith.constant 0 : i32
    %dma_wait3A_65 = tpu.memref_slice %arg8[%dma_wait3A_63, %dma_wait3A_64] : memref<10008x8xf32, #tpu.memory_space<vmem_shared>> -> memref<10008x8xf32, #tpu.memory_space<vmem_shared>>
    tpu.wait_indirect_dma semaphore(%arg9 : memref<!tpu.dma_semaphore, #tpu.memory_space<semaphore_mem>>) src(%arg7 : memref<128x8xf32, #tpu.memory_space<vmem>>) dst(%dma_wait3A_65 : memref<10008x8xf32, #tpu.memory_space<vmem_shared>>)
    %dma_wait3A_66 = arith.constant 0 : i32
    %dma_wait3A_67 = arith.constant 0 : i32
    %dma_wait3A_68 = tpu.memref_slice %arg6[%dma_wait3A_66, %dma_wait3A_67] : memref<80x128xi32, #tpu.memory_space<vmem>> -> memref<1x128xi32, #tpu.memory_space<vmem>>
    %dma_wait3A_69 = tpu.memref_squeeze %dma_wait3A_68 : memref<1x128xi32, #tpu.memory_space<vmem>> -> memref<128xi32, #tpu.memory_space<vmem>>
    %dma_wait3A_70 = arith.constant 0 : i32
    %dma_wait3A_71 = arith.constant 0 : i32
    %dma_wait3A_72 = tpu.memref_slice %arg8[%dma_wait3A_70, %dma_wait3A_71] : memref<10008x8xf32, #tpu.memory_space<vmem_shared>> -> memref<10008x8xf32, #tpu.memory_space<vmem_shared>>
    tpu.wait_indirect_dma semaphore(%arg9 : memref<!tpu.dma_semaphore, #tpu.memory_space<semaphore_mem>>) src(%arg7 : memref<128x8xf32, #tpu.memory_space<vmem>>) dst(%dma_wait3A_72 : memref<10008x8xf32, #tpu.memory_space<vmem_shared>>)
    %dma_wait3A_73 = arith.constant 0 : i32
    %dma_wait3A_74 = arith.constant 0 : i32
    %dma_wait3A_75 = tpu.memref_slice %arg6[%dma_wait3A_73, %dma_wait3A_74] : memref<80x128xi32, #tpu.memory_space<vmem>> -> memref<1x128xi32, #tpu.memory_space<vmem>>
    %dma_wait3A_76 = tpu.memref_squeeze %dma_wait3A_75 : memref<1x128xi32, #tpu.memory_space<vmem>> -> memref<128xi32, #tpu.memory_space<vmem>>
    %dma_wait3A_77 = arith.constant 0 : i32
    %dma_wait3A_78 = arith.constant 0 : i32
    %dma_wait3A_79 = tpu.memref_slice %arg8[%dma_wait3A_77, %dma_wait3A_78] : memref<10008x8xf32, #tpu.memory_space<vmem_shared>> -> memref<10008x8xf32, #tpu.memory_space<vmem_shared>>
    tpu.wait_indirect_dma semaphore(%arg9 : memref<!tpu.dma_semaphore, #tpu.memory_space<semaphore_mem>>) src(%arg7 : memref<128x8xf32, #tpu.memory_space<vmem>>) dst(%dma_wait3A_79 : memref<10008x8xf32, #tpu.memory_space<vmem_shared>>)
    %dma_wait3A_80 = arith.constant 0 : i32
    %dma_wait3A_81 = arith.constant 0 : i32
    %dma_wait3A_82 = tpu.memref_slice %arg6[%dma_wait3A_80, %dma_wait3A_81] : memref<80x128xi32, #tpu.memory_space<vmem>> -> memref<1x128xi32, #tpu.memory_space<vmem>>
    %dma_wait3A_83 = tpu.memref_squeeze %dma_wait3A_82 : memref<1x128xi32, #tpu.memory_space<vmem>> -> memref<128xi32, #tpu.memory_space<vmem>>
    %dma_wait3A_84 = arith.constant 0 : i32
    %dma_wait3A_85 = arith.constant 0 : i32
    %dma_wait3A_86 = tpu.memref_slice %arg8[%dma_wait3A_84, %dma_wait3A_85] : memref<10008x8xf32, #tpu.memory_space<vmem_shared>> -> memref<10008x8xf32, #tpu.memory_space<vmem_shared>>
    tpu.wait_indirect_dma semaphore(%arg9 : memref<!tpu.dma_semaphore, #tpu.memory_space<semaphore_mem>>) src(%arg7 : memref<128x8xf32, #tpu.memory_space<vmem>>) dst(%dma_wait3A_86 : memref<10008x8xf32, #tpu.memory_space<vmem_shared>>)
    %dma_wait3A_87 = arith.constant 0 : i32
    %dma_wait3A_88 = arith.constant 0 : i32
    %dma_wait3A_89 = tpu.memref_slice %arg6[%dma_wait3A_87, %dma_wait3A_88] : memref<80x128xi32, #tpu.memory_space<vmem>> -> memref<1x128xi32, #tpu.memory_space<vmem>>
    %dma_wait3A_90 = tpu.memref_squeeze %dma_wait3A_89 : memref<1x128xi32, #tpu.memory_space<vmem>> -> memref<128xi32, #tpu.memory_space<vmem>>
    %dma_wait3A_91 = arith.constant 0 : i32
    %dma_wait3A_92 = arith.constant 0 : i32
    %dma_wait3A_93 = tpu.memref_slice %arg8[%dma_wait3A_91, %dma_wait3A_92] : memref<10008x8xf32, #tpu.memory_space<vmem_shared>> -> memref<10008x8xf32, #tpu.memory_space<vmem_shared>>
    tpu.wait_indirect_dma semaphore(%arg9 : memref<!tpu.dma_semaphore, #tpu.memory_space<semaphore_mem>>) src(%arg7 : memref<128x8xf32, #tpu.memory_space<vmem>>) dst(%dma_wait3A_93 : memref<10008x8xf32, #tpu.memory_space<vmem_shared>>)
    %dma_wait3A_94 = arith.constant 0 : i32
    %dma_wait3A_95 = arith.constant 0 : i32
    %dma_wait3A_96 = tpu.memref_slice %arg6[%dma_wait3A_94, %dma_wait3A_95] : memref<80x128xi32, #tpu.memory_space<vmem>> -> memref<1x128xi32, #tpu.memory_space<vmem>>
    %dma_wait3A_97 = tpu.memref_squeeze %dma_wait3A_96 : memref<1x128xi32, #tpu.memory_space<vmem>> -> memref<128xi32, #tpu.memory_space<vmem>>
    %dma_wait3A_98 = arith.constant 0 : i32
    %dma_wait3A_99 = arith.constant 0 : i32
    %dma_wait3A_100 = tpu.memref_slice %arg8[%dma_wait3A_98, %dma_wait3A_99] : memref<10008x8xf32, #tpu.memory_space<vmem_shared>> -> memref<10008x8xf32, #tpu.memory_space<vmem_shared>>
    tpu.wait_indirect_dma semaphore(%arg9 : memref<!tpu.dma_semaphore, #tpu.memory_space<semaphore_mem>>) src(%arg7 : memref<128x8xf32, #tpu.memory_space<vmem>>) dst(%dma_wait3A_100 : memref<10008x8xf32, #tpu.memory_space<vmem_shared>>)
    %dma_wait3A_101 = arith.constant 0 : i32
    %dma_wait3A_102 = arith.constant 0 : i32
    %dma_wait3A_103 = tpu.memref_slice %arg6[%dma_wait3A_101, %dma_wait3A_102] : memref<80x128xi32, #tpu.memory_space<vmem>> -> memref<1x128xi32, #tpu.memory_space<vmem>>
    %dma_wait3A_104 = tpu.memref_squeeze %dma_wait3A_103 : memref<1x128xi32, #tpu.memory_space<vmem>> -> memref<128xi32, #tpu.memory_space<vmem>>
    %dma_wait3A_105 = arith.constant 0 : i32
    %dma_wait3A_106 = arith.constant 0 : i32
    %dma_wait3A_107 = tpu.memref_slice %arg8[%dma_wait3A_105, %dma_wait3A_106] : memref<10008x8xf32, #tpu.memory_space<vmem_shared>> -> memref<10008x8xf32, #tpu.memory_space<vmem_shared>>
    tpu.wait_indirect_dma semaphore(%arg9 : memref<!tpu.dma_semaphore, #tpu.memory_space<semaphore_mem>>) src(%arg7 : memref<128x8xf32, #tpu.memory_space<vmem>>) dst(%dma_wait3A_107 : memref<10008x8xf32, #tpu.memory_space<vmem_shared>>)
    %dma_wait3A_108 = arith.constant 0 : i32
    %dma_wait3A_109 = arith.constant 0 : i32
    %dma_wait3A_110 = tpu.memref_slice %arg6[%dma_wait3A_108, %dma_wait3A_109] : memref<80x128xi32, #tpu.memory_space<vmem>> -> memref<1x128xi32, #tpu.memory_space<vmem>>
    %dma_wait3A_111 = tpu.memref_squeeze %dma_wait3A_110 : memref<1x128xi32, #tpu.memory_space<vmem>> -> memref<128xi32, #tpu.memory_space<vmem>>
    %dma_wait3A_112 = arith.constant 0 : i32
    %dma_wait3A_113 = arith.constant 0 : i32
    %dma_wait3A_114 = tpu.memref_slice %arg8[%dma_wait3A_112, %dma_wait3A_113] : memref<10008x8xf32, #tpu.memory_space<vmem_shared>> -> memref<10008x8xf32, #tpu.memory_space<vmem_shared>>
    tpu.wait_indirect_dma semaphore(%arg9 : memref<!tpu.dma_semaphore, #tpu.memory_space<semaphore_mem>>) src(%arg7 : memref<128x8xf32, #tpu.memory_space<vmem>>) dst(%dma_wait3A_114 : memref<10008x8xf32, #tpu.memory_space<vmem_shared>>)
    %dma_wait3A_115 = arith.constant 0 : i32
    %dma_wait3A_116 = arith.constant 0 : i32
    %dma_wait3A_117 = tpu.memref_slice %arg6[%dma_wait3A_115, %dma_wait3A_116] : memref<80x128xi32, #tpu.memory_space<vmem>> -> memref<1x128xi32, #tpu.memory_space<vmem>>
    %dma_wait3A_118 = tpu.memref_squeeze %dma_wait3A_117 : memref<1x128xi32, #tpu.memory_space<vmem>> -> memref<128xi32, #tpu.memory_space<vmem>>
    %dma_wait3A_119 = arith.constant 0 : i32
    %dma_wait3A_120 = arith.constant 0 : i32
    %dma_wait3A_121 = tpu.memref_slice %arg8[%dma_wait3A_119, %dma_wait3A_120] : memref<10008x8xf32, #tpu.memory_space<vmem_shared>> -> memref<10008x8xf32, #tpu.memory_space<vmem_shared>>
    tpu.wait_indirect_dma semaphore(%arg9 : memref<!tpu.dma_semaphore, #tpu.memory_space<semaphore_mem>>) src(%arg7 : memref<128x8xf32, #tpu.memory_space<vmem>>) dst(%dma_wait3A_121 : memref<10008x8xf32, #tpu.memory_space<vmem_shared>>)
    %dma_wait3A_122 = arith.constant 0 : i32
    %dma_wait3A_123 = arith.constant 0 : i32
    %dma_wait3A_124 = tpu.memref_slice %arg6[%dma_wait3A_122, %dma_wait3A_123] : memref<80x128xi32, #tpu.memory_space<vmem>> -> memref<1x128xi32, #tpu.memory_space<vmem>>
    %dma_wait3A_125 = tpu.memref_squeeze %dma_wait3A_124 : memref<1x128xi32, #tpu.memory_space<vmem>> -> memref<128xi32, #tpu.memory_space<vmem>>
    %dma_wait3A_126 = arith.constant 0 : i32
    %dma_wait3A_127 = arith.constant 0 : i32
    %dma_wait3A_128 = tpu.memref_slice %arg8[%dma_wait3A_126, %dma_wait3A_127] : memref<10008x8xf32, #tpu.memory_space<vmem_shared>> -> memref<10008x8xf32, #tpu.memory_space<vmem_shared>>
    tpu.wait_indirect_dma semaphore(%arg9 : memref<!tpu.dma_semaphore, #tpu.memory_space<semaphore_mem>>) src(%arg7 : memref<128x8xf32, #tpu.memory_space<vmem>>) dst(%dma_wait3A_128 : memref<10008x8xf32, #tpu.memory_space<vmem_shared>>)
    %dma_wait3A_129 = arith.constant 0 : i32
    %dma_wait3A_130 = arith.constant 0 : i32
    %dma_wait3A_131 = tpu.memref_slice %arg6[%dma_wait3A_129, %dma_wait3A_130] : memref<80x128xi32, #tpu.memory_space<vmem>> -> memref<1x128xi32, #tpu.memory_space<vmem>>
    %dma_wait3A_132 = tpu.memref_squeeze %dma_wait3A_131 : memref<1x128xi32, #tpu.memory_space<vmem>> -> memref<128xi32, #tpu.memory_space<vmem>>
    %dma_wait3A_133 = arith.constant 0 : i32
    %dma_wait3A_134 = arith.constant 0 : i32
    %dma_wait3A_135 = tpu.memref_slice %arg8[%dma_wait3A_133, %dma_wait3A_134] : memref<10008x8xf32, #tpu.memory_space<vmem_shared>> -> memref<10008x8xf32, #tpu.memory_space<vmem_shared>>
    tpu.wait_indirect_dma semaphore(%arg9 : memref<!tpu.dma_semaphore, #tpu.memory_space<semaphore_mem>>) src(%arg7 : memref<128x8xf32, #tpu.memory_space<vmem>>) dst(%dma_wait3A_135 : memref<10008x8xf32, #tpu.memory_space<vmem_shared>>)
    %dma_wait3A_136 = arith.constant 0 : i32
    %dma_wait3A_137 = arith.constant 0 : i32
    %dma_wait3A_138 = tpu.memref_slice %arg6[%dma_wait3A_136, %dma_wait3A_137] : memref<80x128xi32, #tpu.memory_space<vmem>> -> memref<1x128xi32, #tpu.memory_space<vmem>>
    %dma_wait3A_139 = tpu.memref_squeeze %dma_wait3A_138 : memref<1x128xi32, #tpu.memory_space<vmem>> -> memref<128xi32, #tpu.memory_space<vmem>>
    %dma_wait3A_140 = arith.constant 0 : i32
    %dma_wait3A_141 = arith.constant 0 : i32
    %dma_wait3A_142 = tpu.memref_slice %arg8[%dma_wait3A_140, %dma_wait3A_141] : memref<10008x8xf32, #tpu.memory_space<vmem_shared>> -> memref<10008x8xf32, #tpu.memory_space<vmem_shared>>
    tpu.wait_indirect_dma semaphore(%arg9 : memref<!tpu.dma_semaphore, #tpu.memory_space<semaphore_mem>>) src(%arg7 : memref<128x8xf32, #tpu.memory_space<vmem>>) dst(%dma_wait3A_142 : memref<10008x8xf32, #tpu.memory_space<vmem_shared>>)
    %dma_wait3A_143 = arith.constant 0 : i32
    %dma_wait3A_144 = arith.constant 0 : i32
    %dma_wait3A_145 = tpu.memref_slice %arg6[%dma_wait3A_143, %dma_wait3A_144] : memref<80x128xi32, #tpu.memory_space<vmem>> -> memref<1x128xi32, #tpu.memory_space<vmem>>
    %dma_wait3A_146 = tpu.memref_squeeze %dma_wait3A_145 : memref<1x128xi32, #tpu.memory_space<vmem>> -> memref<128xi32, #tpu.memory_space<vmem>>
    %dma_wait3A_147 = arith.constant 0 : i32
    %dma_wait3A_148 = arith.constant 0 : i32
    %dma_wait3A_149 = tpu.memref_slice %arg8[%dma_wait3A_147, %dma_wait3A_148] : memref<10008x8xf32, #tpu.memory_space<vmem_shared>> -> memref<10008x8xf32, #tpu.memory_space<vmem_shared>>
    tpu.wait_indirect_dma semaphore(%arg9 : memref<!tpu.dma_semaphore, #tpu.memory_space<semaphore_mem>>) src(%arg7 : memref<128x8xf32, #tpu.memory_space<vmem>>) dst(%dma_wait3A_149 : memref<10008x8xf32, #tpu.memory_space<vmem_shared>>)
    %barrier3A_150 = arith.constant 0 : index
    tpu.barrier barrier_id(%barrier3A_150)
    %mul3A_151 = arith.constant 624 : i32
    %mul3A_152 = arith.muli %arg1, %mul3A_151 : i32
    %mul3A_153 = arith.constant 624 : i32
    %mul3A_154 = arith.muli %arg1, %mul3A_153 : i32
    "tpu.region"() ({
      %run_scoped3A = tpu.sem_alloc : memref<!tpu.dma_semaphore, #tpu.memory_space<semaphore_mem>>
      %dma_start3A_160 = arith.constant 0 : i32
      %dma_start3A_161 = arith.constant 0 : i32
      %dma_start3A_162 = tpu.memref_slice %arg5[%arg0, %dma_start3A_160, %dma_start3A_161] : memref<2x10000x8xf32, #tpu.memory_space<hbm>> -> memref<1x10000x8xf32, #tpu.memory_space<hbm>>
      %dma_start3A_163 = tpu.memref_squeeze %dma_start3A_162 : memref<1x10000x8xf32, #tpu.memory_space<hbm>> -> memref<10000x8xf32, #tpu.memory_space<hbm>>
      %dma_start3A_164 = arith.constant 0 : i32
      %dma_start3A_165 = tpu.memref_slice %dma_start3A_163[%mul3A_154, %dma_start3A_164] : memref<10000x8xf32, #tpu.memory_space<hbm>> -> memref<624x8xf32, #tpu.memory_space<hbm>>
      %dma_start3A_166 = arith.constant 0 : i32
      %dma_start3A_167 = tpu.memref_slice %arg8[%mul3A_152, %dma_start3A_166] : memref<10008x8xf32, #tpu.memory_space<vmem_shared>> -> memref<624x8xf32, #tpu.memory_space<vmem_shared>>
      tpu.enqueue_dma source(%dma_start3A_167 : memref<624x8xf32, #tpu.memory_space<vmem_shared>>) target(%dma_start3A_165 : memref<624x8xf32, #tpu.memory_space<hbm>>) target_semaphore(%run_scoped3A : memref<!tpu.dma_semaphore, #tpu.memory_space<semaphore_mem>>)
      %dma_wait3A_168 = arith.constant 0 : i32
      %dma_wait3A_169 = arith.constant 0 : i32
      %dma_wait3A_170 = tpu.memref_slice %arg5[%arg0, %dma_wait3A_168, %dma_wait3A_169] : memref<2x10000x8xf32, #tpu.memory_space<hbm>> -> memref<1x10000x8xf32, #tpu.memory_space<hbm>>
      %dma_wait3A_171 = tpu.memref_squeeze %dma_wait3A_170 : memref<1x10000x8xf32, #tpu.memory_space<hbm>> -> memref<10000x8xf32, #tpu.memory_space<hbm>>
      %dma_wait3A_172 = arith.constant 0 : i32
      %dma_wait3A_173 = tpu.memref_slice %dma_wait3A_171[%mul3A_154, %dma_wait3A_172] : memref<10000x8xf32, #tpu.memory_space<hbm>> -> memref<624x8xf32, #tpu.memory_space<hbm>>
      %dma_wait3A_174 = arith.constant 0 : i32
      %dma_wait3A_175 = tpu.memref_slice %arg8[%mul3A_152, %dma_wait3A_174] : memref<10008x8xf32, #tpu.memory_space<vmem_shared>> -> memref<624x8xf32, #tpu.memory_space<vmem_shared>>
      tpu.wait_dma2 semaphore(%run_scoped3A : memref<!tpu.dma_semaphore, #tpu.memory_space<semaphore_mem>>) src(%dma_wait3A_175 : memref<624x8xf32, #tpu.memory_space<vmem_shared>>) dst(%dma_wait3A_173 : memref<624x8xf32, #tpu.memory_space<hbm>>)
      tpu.yield
    }) : () -> ()
    %eq3A_155 = arith.constant 15 : i32
    %eq3A_156 = arith.cmpi eq, %arg1, %eq3A_155 : i32
    %convert_element_type3A_157 = arith.extui %eq3A_156 : i1 to i32
    %cond3A_158 = arith.constant 0 : i32
    %cond3A_159 = arith.cmpi ne, %convert_element_type3A_157, %cond3A_158 : i32
    scf.if %cond3A_159 {
      "tpu.region"() ({
        %run_scoped3A = tpu.sem_alloc : memref<!tpu.dma_semaphore, #tpu.memory_space<semaphore_mem>>
        %dma_start3A_160 = arith.constant 0 : i32
        %dma_start3A_161 = arith.constant 0 : i32
        %dma_start3A_162 = tpu.memref_slice %arg5[%arg0, %dma_start3A_160, %dma_start3A_161] : memref<2x10000x8xf32, #tpu.memory_space<hbm>> -> memref<1x10000x8xf32, #tpu.memory_space<hbm>>
        %dma_start3A_163 = tpu.memref_squeeze %dma_start3A_162 : memref<1x10000x8xf32, #tpu.memory_space<hbm>> -> memref<10000x8xf32, #tpu.memory_space<hbm>>
        %dma_start3A_164 = arith.constant 9984 : i32
        %dma_start3A_165 = arith.constant 0 : i32
        %dma_start3A_166 = tpu.memref_slice %dma_start3A_163[%dma_start3A_164, %dma_start3A_165] : memref<10000x8xf32, #tpu.memory_space<hbm>> -> memref<16x8xf32, #tpu.memory_space<hbm>>
        %dma_start3A_167 = arith.constant 9984 : i32
        %dma_start3A_168 = arith.constant 0 : i32
        %dma_start3A_169 = tpu.memref_slice %arg8[%dma_start3A_167, %dma_start3A_168] : memref<10008x8xf32, #tpu.memory_space<vmem_shared>> -> memref<16x8xf32, #tpu.memory_space<vmem_shared>>
        tpu.enqueue_dma source(%dma_start3A_169 : memref<16x8xf32, #tpu.memory_space<vmem_shared>>) target(%dma_start3A_166 : memref<16x8xf32, #tpu.memory_space<hbm>>) target_semaphore(%run_scoped3A : memref<!tpu.dma_semaphore, #tpu.memory_space<semaphore_mem>>)
        %dma_wait3A_170 = arith.constant 0 : i32
        %dma_wait3A_171 = arith.constant 0 : i32
        %dma_wait3A_172 = tpu.memref_slice %arg5[%arg0, %dma_wait3A_170, %dma_wait3A_171] : memref<2x10000x8xf32, #tpu.memory_space<hbm>> -> memref<1x10000x8xf32, #tpu.memory_space<hbm>>
        %dma_wait3A_173 = tpu.memref_squeeze %dma_wait3A_172 : memref<1x10000x8xf32, #tpu.memory_space<hbm>> -> memref<10000x8xf32, #tpu.memory_space<hbm>>
        %dma_wait3A_174 = arith.constant 9984 : i32
        %dma_wait3A_175 = arith.constant 0 : i32
        %dma_wait3A_176 = tpu.memref_slice %dma_wait3A_173[%dma_wait3A_174, %dma_wait3A_175] : memref<10000x8xf32, #tpu.memory_space<hbm>> -> memref<16x8xf32, #tpu.memory_space<hbm>>
        %dma_wait3A_177 = arith.constant 9984 : i32
        %dma_wait3A_178 = arith.constant 0 : i32
        %dma_wait3A_179 = tpu.memref_slice %arg8[%dma_wait3A_177, %dma_wait3A_178] : memref<10008x8xf32, #tpu.memory_space<vmem_shared>> -> memref<16x8xf32, #tpu.memory_space<vmem_shared>>
        tpu.wait_dma2 semaphore(%run_scoped3A : memref<!tpu.dma_semaphore, #tpu.memory_space<semaphore_mem>>) src(%dma_wait3A_179 : memref<16x8xf32, #tpu.memory_space<vmem_shared>>) dst(%dma_wait3A_176 : memref<16x8xf32, #tpu.memory_space<hbm>>)
        tpu.yield
      }) : () -> ()
    } else {
    }
    return
  }
}

#map = affine_map<(d0, d1) -> (0, 0)>
#map1 = affine_map<(d0, d1) -> (0, 0, 0)>
module attributes {stable_mosaic.version = 14 : i64} {
  func.func @k(%arg0: i32, %arg1: i32, %arg2: memref<10000x64xf32, #tpu.memory_space<hbm>>, %arg3: memref<2560x128xi32, #tpu.memory_space<hbm>>, %arg4: memref<2560x128xi32, #tpu.memory_space<hbm>>, %arg5: memref<10008x64xf32, #tpu.memory_space<hbm>>, %arg6: memref<2x10000x64xf32, #tpu.memory_space<hbm>>, %arg7: memref<80x128xi32, #tpu.memory_space<vmem>>, %arg8: memref<80x128xi32, #tpu.memory_space<vmem>>, %arg9: memref<2x128x64xf32, #tpu.memory_space<vmem>>, %arg10: memref<10000x64xf32, #tpu.memory_space<vmem_shared>>, %arg11: memref<10008x64xf32, #tpu.memory_space<vmem_shared>>, %arg12: memref<2x!tpu.dma_semaphore, #tpu.memory_space<semaphore_mem>>, %arg13: memref<2x!tpu.dma_semaphore, #tpu.memory_space<semaphore_mem>>) attributes {dimension_semantics = [#tpu.dimension_semantics<core_parallel>, #tpu.dimension_semantics<subcore_parallel>], iteration_bounds = array<i64: 2, 16>, scalar_prefetch = 0 : i64, scratch_operands = 7 : i64, tpu.core_type = #tpu.core_type<sc_vector_subcore>, window_params = [{transform_indices = #map}, {transform_indices = #map}, {transform_indices = #map}, {transform_indices = #map}, {transform_indices = #map1}]} {
    %mul3A = arith.constant 16 : i32
    %mul3A_0 = arith.muli %arg0, %mul3A : i32
    %add3A = arith.addi %mul3A_0, %arg1 : i32
    %mul3A_1 = arith.constant 80 : i32
    %mul3A_2 = arith.muli %add3A, %mul3A_1 : i32
    %mul3A_3 = arith.constant 624 : i32
    %mul3A_4 = arith.muli %arg1, %mul3A_3 : i32
    %dma_start3A = arith.constant 0 : i32
    %dma_start3A_5 = tpu.memref_slice %arg13[%dma_start3A] : memref<2x!tpu.dma_semaphore, #tpu.memory_space<semaphore_mem>> -> memref<1x!tpu.dma_semaphore, #tpu.memory_space<semaphore_mem>>
    %dma_start3A_6 = tpu.memref_squeeze %dma_start3A_5 : memref<1x!tpu.dma_semaphore, #tpu.memory_space<semaphore_mem>> -> memref<!tpu.dma_semaphore, #tpu.memory_space<semaphore_mem>>
    %dma_start3A_7 = arith.constant 0 : i32
    %dma_start3A_8 = tpu.memref_slice %arg11[%mul3A_4, %dma_start3A_7] : memref<10008x64xf32, #tpu.memory_space<vmem_shared>> -> memref<624x64xf32, #tpu.memory_space<vmem_shared>>
    %dma_start3A_9 = arith.constant 0 : i32
    %dma_start3A_10 = tpu.memref_slice %arg5[%mul3A_4, %dma_start3A_9] : memref<10008x64xf32, #tpu.memory_space<hbm>> -> memref<624x64xf32, #tpu.memory_space<hbm>>
    tpu.enqueue_dma source(%dma_start3A_10 : memref<624x64xf32, #tpu.memory_space<hbm>>) target(%dma_start3A_8 : memref<624x64xf32, #tpu.memory_space<vmem_shared>>) target_semaphore(%dma_start3A_6 : memref<!tpu.dma_semaphore, #tpu.memory_space<semaphore_mem>>)
    %dma_start3A_11 = arith.constant 1 : i32
    %dma_start3A_12 = tpu.memref_slice %arg13[%dma_start3A_11] : memref<2x!tpu.dma_semaphore, #tpu.memory_space<semaphore_mem>> -> memref<1x!tpu.dma_semaphore, #tpu.memory_space<semaphore_mem>>
    %dma_start3A_13 = tpu.memref_squeeze %dma_start3A_12 : memref<1x!tpu.dma_semaphore, #tpu.memory_space<semaphore_mem>> -> memref<!tpu.dma_semaphore, #tpu.memory_space<semaphore_mem>>
    %dma_start3A_14 = arith.constant 0 : i32
    %dma_start3A_15 = tpu.memref_slice %arg10[%mul3A_4, %dma_start3A_14] : memref<10000x64xf32, #tpu.memory_space<vmem_shared>> -> memref<624x64xf32, #tpu.memory_space<vmem_shared>>
    %dma_start3A_16 = arith.constant 0 : i32
    %dma_start3A_17 = tpu.memref_slice %arg2[%mul3A_4, %dma_start3A_16] : memref<10000x64xf32, #tpu.memory_space<hbm>> -> memref<624x64xf32, #tpu.memory_space<hbm>>
    tpu.enqueue_dma source(%dma_start3A_17 : memref<624x64xf32, #tpu.memory_space<hbm>>) target(%dma_start3A_15 : memref<624x64xf32, #tpu.memory_space<vmem_shared>>) target_semaphore(%dma_start3A_13 : memref<!tpu.dma_semaphore, #tpu.memory_space<semaphore_mem>>)
    %dma_start3A_18 = arith.constant 0 : i32
    %dma_start3A_19 = arith.constant 0 : i32
    %dma_start3A_20 = tpu.memref_slice %arg3[%mul3A_2, %dma_start3A_19] : memref<2560x128xi32, #tpu.memory_space<hbm>> -> memref<80x128xi32, #tpu.memory_space<hbm>>
    %dma_start3A_21 = tpu.memref_slice %arg12[%dma_start3A_18] : memref<2x!tpu.dma_semaphore, #tpu.memory_space<semaphore_mem>> -> memref<1x!tpu.dma_semaphore, #tpu.memory_space<semaphore_mem>>
    %dma_start3A_22 = tpu.memref_squeeze %dma_start3A_21 : memref<1x!tpu.dma_semaphore, #tpu.memory_space<semaphore_mem>> -> memref<!tpu.dma_semaphore, #tpu.memory_space<semaphore_mem>>
    %dma_start3A_23 = arith.constant 0 : i32
    %dma_start3A_24 = tpu.memref_slice %arg3[%mul3A_2, %dma_start3A_23] : memref<2560x128xi32, #tpu.memory_space<hbm>> -> memref<80x128xi32, #tpu.memory_space<hbm>>
    tpu.enqueue_dma source(%dma_start3A_24 : memref<80x128xi32, #tpu.memory_space<hbm>>) target(%arg7 : memref<80x128xi32, #tpu.memory_space<vmem>>) target_semaphore(%dma_start3A_22 : memref<!tpu.dma_semaphore, #tpu.memory_space<semaphore_mem>>)
    %dma_start3A_25 = arith.constant 1 : i32
    %dma_start3A_26 = arith.constant 0 : i32
    %dma_start3A_27 = tpu.memref_slice %arg4[%mul3A_2, %dma_start3A_26] : memref<2560x128xi32, #tpu.memory_space<hbm>> -> memref<80x128xi32, #tpu.memory_space<hbm>>
    %dma_start3A_28 = tpu.memref_slice %arg12[%dma_start3A_25] : memref<2x!tpu.dma_semaphore, #tpu.memory_space<semaphore_mem>> -> memref<1x!tpu.dma_semaphore, #tpu.memory_space<semaphore_mem>>
    %dma_start3A_29 = tpu.memref_squeeze %dma_start3A_28 : memref<1x!tpu.dma_semaphore, #tpu.memory_space<semaphore_mem>> -> memref<!tpu.dma_semaphore, #tpu.memory_space<semaphore_mem>>
    %dma_start3A_30 = arith.constant 0 : i32
    %dma_start3A_31 = tpu.memref_slice %arg4[%mul3A_2, %dma_start3A_30] : memref<2560x128xi32, #tpu.memory_space<hbm>> -> memref<80x128xi32, #tpu.memory_space<hbm>>
    tpu.enqueue_dma source(%dma_start3A_31 : memref<80x128xi32, #tpu.memory_space<hbm>>) target(%arg8 : memref<80x128xi32, #tpu.memory_space<vmem>>) target_semaphore(%dma_start3A_29 : memref<!tpu.dma_semaphore, #tpu.memory_space<semaphore_mem>>)
    %eq3A = arith.constant 15 : i32
    %eq3A_32 = arith.cmpi eq, %arg1, %eq3A : i32
    %convert_element_type3A = arith.extui %eq3A_32 : i1 to i32
    %cond3A = arith.constant 0 : i32
    %cond3A_33 = arith.cmpi ne, %convert_element_type3A, %cond3A : i32
    scf.if %cond3A_33 {
      "tpu.region"() ({
        %run_scoped3A = tpu.sem_alloc : memref<!tpu.dma_semaphore, #tpu.memory_space<semaphore_mem>>
        %dma_start3A_136 = arith.constant 9984 : i32
        %dma_start3A_137 = arith.constant 0 : i32
        %dma_start3A_138 = tpu.memref_slice %arg11[%dma_start3A_136, %dma_start3A_137] : memref<10008x64xf32, #tpu.memory_space<vmem_shared>> -> memref<16x64xf32, #tpu.memory_space<vmem_shared>>
        %dma_start3A_139 = arith.constant 9984 : i32
        %dma_start3A_140 = arith.constant 0 : i32
        %dma_start3A_141 = tpu.memref_slice %arg5[%dma_start3A_139, %dma_start3A_140] : memref<10008x64xf32, #tpu.memory_space<hbm>> -> memref<16x64xf32, #tpu.memory_space<hbm>>
        tpu.enqueue_dma source(%dma_start3A_141 : memref<16x64xf32, #tpu.memory_space<hbm>>) target(%dma_start3A_138 : memref<16x64xf32, #tpu.memory_space<vmem_shared>>) target_semaphore(%run_scoped3A : memref<!tpu.dma_semaphore, #tpu.memory_space<semaphore_mem>>)
        %dma_wait3A_142 = arith.constant 9984 : i32
        %dma_wait3A_143 = arith.constant 0 : i32
        %dma_wait3A_144 = tpu.memref_slice %arg11[%dma_wait3A_142, %dma_wait3A_143] : memref<10008x64xf32, #tpu.memory_space<vmem_shared>> -> memref<16x64xf32, #tpu.memory_space<vmem_shared>>
        %dma_wait3A_145 = arith.constant 9984 : i32
        %dma_wait3A_146 = arith.constant 0 : i32
        %dma_wait3A_147 = tpu.memref_slice %arg5[%dma_wait3A_145, %dma_wait3A_146] : memref<10008x64xf32, #tpu.memory_space<hbm>> -> memref<16x64xf32, #tpu.memory_space<hbm>>
        tpu.wait_dma2 semaphore(%run_scoped3A : memref<!tpu.dma_semaphore, #tpu.memory_space<semaphore_mem>>) src(%dma_wait3A_147 : memref<16x64xf32, #tpu.memory_space<hbm>>) dst(%dma_wait3A_144 : memref<16x64xf32, #tpu.memory_space<vmem_shared>>)
        tpu.yield
      }) : () -> ()
      "tpu.region"() ({
        %run_scoped3A = tpu.sem_alloc : memref<!tpu.dma_semaphore, #tpu.memory_space<semaphore_mem>>
        %dma_start3A_136 = arith.constant 9984 : i32
        %dma_start3A_137 = arith.constant 0 : i32
        %dma_start3A_138 = tpu.memref_slice %arg10[%dma_start3A_136, %dma_start3A_137] : memref<10000x64xf32, #tpu.memory_space<vmem_shared>> -> memref<16x64xf32, #tpu.memory_space<vmem_shared>>
        %dma_start3A_139 = arith.constant 9984 : i32
        %dma_start3A_140 = arith.constant 0 : i32
        %dma_start3A_141 = tpu.memref_slice %arg2[%dma_start3A_139, %dma_start3A_140] : memref<10000x64xf32, #tpu.memory_space<hbm>> -> memref<16x64xf32, #tpu.memory_space<hbm>>
        tpu.enqueue_dma source(%dma_start3A_141 : memref<16x64xf32, #tpu.memory_space<hbm>>) target(%dma_start3A_138 : memref<16x64xf32, #tpu.memory_space<vmem_shared>>) target_semaphore(%run_scoped3A : memref<!tpu.dma_semaphore, #tpu.memory_space<semaphore_mem>>)
        %dma_wait3A_142 = arith.constant 9984 : i32
        %dma_wait3A_143 = arith.constant 0 : i32
        %dma_wait3A_144 = tpu.memref_slice %arg10[%dma_wait3A_142, %dma_wait3A_143] : memref<10000x64xf32, #tpu.memory_space<vmem_shared>> -> memref<16x64xf32, #tpu.memory_space<vmem_shared>>
        %dma_wait3A_145 = arith.constant 9984 : i32
        %dma_wait3A_146 = arith.constant 0 : i32
        %dma_wait3A_147 = tpu.memref_slice %arg2[%dma_wait3A_145, %dma_wait3A_146] : memref<10000x64xf32, #tpu.memory_space<hbm>> -> memref<16x64xf32, #tpu.memory_space<hbm>>
        tpu.wait_dma2 semaphore(%run_scoped3A : memref<!tpu.dma_semaphore, #tpu.memory_space<semaphore_mem>>) src(%dma_wait3A_147 : memref<16x64xf32, #tpu.memory_space<hbm>>) dst(%dma_wait3A_144 : memref<16x64xf32, #tpu.memory_space<vmem_shared>>)
        tpu.yield
      }) : () -> ()
      "tpu.region"() ({
        %run_scoped3A = tpu.sem_alloc : memref<!tpu.dma_semaphore, #tpu.memory_space<semaphore_mem>>
        %dma_start3A_136 = arith.constant 10000 : i32
        %dma_start3A_137 = arith.constant 0 : i32
        %dma_start3A_138 = tpu.memref_slice %arg11[%dma_start3A_136, %dma_start3A_137] : memref<10008x64xf32, #tpu.memory_space<vmem_shared>> -> memref<8x64xf32, #tpu.memory_space<vmem_shared>>
        %dma_start3A_139 = arith.constant 10000 : i32
        %dma_start3A_140 = arith.constant 0 : i32
        %dma_start3A_141 = tpu.memref_slice %arg5[%dma_start3A_139, %dma_start3A_140] : memref<10008x64xf32, #tpu.memory_space<hbm>> -> memref<8x64xf32, #tpu.memory_space<hbm>>
        tpu.enqueue_dma source(%dma_start3A_141 : memref<8x64xf32, #tpu.memory_space<hbm>>) target(%dma_start3A_138 : memref<8x64xf32, #tpu.memory_space<vmem_shared>>) target_semaphore(%run_scoped3A : memref<!tpu.dma_semaphore, #tpu.memory_space<semaphore_mem>>)
        %dma_wait3A_142 = arith.constant 10000 : i32
        %dma_wait3A_143 = arith.constant 0 : i32
        %dma_wait3A_144 = tpu.memref_slice %arg11[%dma_wait3A_142, %dma_wait3A_143] : memref<10008x64xf32, #tpu.memory_space<vmem_shared>> -> memref<8x64xf32, #tpu.memory_space<vmem_shared>>
        %dma_wait3A_145 = arith.constant 10000 : i32
        %dma_wait3A_146 = arith.constant 0 : i32
        %dma_wait3A_147 = tpu.memref_slice %arg5[%dma_wait3A_145, %dma_wait3A_146] : memref<10008x64xf32, #tpu.memory_space<hbm>> -> memref<8x64xf32, #tpu.memory_space<hbm>>
        tpu.wait_dma2 semaphore(%run_scoped3A : memref<!tpu.dma_semaphore, #tpu.memory_space<semaphore_mem>>) src(%dma_wait3A_147 : memref<8x64xf32, #tpu.memory_space<hbm>>) dst(%dma_wait3A_144 : memref<8x64xf32, #tpu.memory_space<vmem_shared>>)
        tpu.yield
      }) : () -> ()
    } else {
    }
    %dma_wait3A = arith.constant 0 : i32
    %dma_wait3A_34 = tpu.memref_slice %arg13[%dma_wait3A] : memref<2x!tpu.dma_semaphore, #tpu.memory_space<semaphore_mem>> -> memref<1x!tpu.dma_semaphore, #tpu.memory_space<semaphore_mem>>
    %dma_wait3A_35 = tpu.memref_squeeze %dma_wait3A_34 : memref<1x!tpu.dma_semaphore, #tpu.memory_space<semaphore_mem>> -> memref<!tpu.dma_semaphore, #tpu.memory_space<semaphore_mem>>
    %dma_wait3A_36 = arith.constant 0 : i32
    %dma_wait3A_37 = tpu.memref_slice %arg11[%mul3A_4, %dma_wait3A_36] : memref<10008x64xf32, #tpu.memory_space<vmem_shared>> -> memref<624x64xf32, #tpu.memory_space<vmem_shared>>
    %dma_wait3A_38 = arith.constant 0 : i32
    %dma_wait3A_39 = tpu.memref_slice %arg5[%mul3A_4, %dma_wait3A_38] : memref<10008x64xf32, #tpu.memory_space<hbm>> -> memref<624x64xf32, #tpu.memory_space<hbm>>
    tpu.wait_dma2 semaphore(%dma_wait3A_35 : memref<!tpu.dma_semaphore, #tpu.memory_space<semaphore_mem>>) src(%dma_wait3A_39 : memref<624x64xf32, #tpu.memory_space<hbm>>) dst(%dma_wait3A_37 : memref<624x64xf32, #tpu.memory_space<vmem_shared>>)
    %dma_wait3A_40 = arith.constant 1 : i32
    %dma_wait3A_41 = tpu.memref_slice %arg13[%dma_wait3A_40] : memref<2x!tpu.dma_semaphore, #tpu.memory_space<semaphore_mem>> -> memref<1x!tpu.dma_semaphore, #tpu.memory_space<semaphore_mem>>
    %dma_wait3A_42 = tpu.memref_squeeze %dma_wait3A_41 : memref<1x!tpu.dma_semaphore, #tpu.memory_space<semaphore_mem>> -> memref<!tpu.dma_semaphore, #tpu.memory_space<semaphore_mem>>
    %dma_wait3A_43 = arith.constant 0 : i32
    %dma_wait3A_44 = tpu.memref_slice %arg10[%mul3A_4, %dma_wait3A_43] : memref<10000x64xf32, #tpu.memory_space<vmem_shared>> -> memref<624x64xf32, #tpu.memory_space<vmem_shared>>
    %dma_wait3A_45 = arith.constant 0 : i32
    %dma_wait3A_46 = tpu.memref_slice %arg2[%mul3A_4, %dma_wait3A_45] : memref<10000x64xf32, #tpu.memory_space<hbm>> -> memref<624x64xf32, #tpu.memory_space<hbm>>
    tpu.wait_dma2 semaphore(%dma_wait3A_42 : memref<!tpu.dma_semaphore, #tpu.memory_space<semaphore_mem>>) src(%dma_wait3A_46 : memref<624x64xf32, #tpu.memory_space<hbm>>) dst(%dma_wait3A_44 : memref<624x64xf32, #tpu.memory_space<vmem_shared>>)
    %dma_wait3A_47 = arith.constant 0 : i32
    %dma_wait3A_48 = arith.constant 0 : i32
    %dma_wait3A_49 = tpu.memref_slice %arg3[%mul3A_2, %dma_wait3A_48] : memref<2560x128xi32, #tpu.memory_space<hbm>> -> memref<80x128xi32, #tpu.memory_space<hbm>>
    %dma_wait3A_50 = tpu.memref_slice %arg12[%dma_wait3A_47] : memref<2x!tpu.dma_semaphore, #tpu.memory_space<semaphore_mem>> -> memref<1x!tpu.dma_semaphore, #tpu.memory_space<semaphore_mem>>
    %dma_wait3A_51 = tpu.memref_squeeze %dma_wait3A_50 : memref<1x!tpu.dma_semaphore, #tpu.memory_space<semaphore_mem>> -> memref<!tpu.dma_semaphore, #tpu.memory_space<semaphore_mem>>
    %dma_wait3A_52 = arith.constant 0 : i32
    %dma_wait3A_53 = tpu.memref_slice %arg3[%mul3A_2, %dma_wait3A_52] : memref<2560x128xi32, #tpu.memory_space<hbm>> -> memref<80x128xi32, #tpu.memory_space<hbm>>
    tpu.wait_dma2 semaphore(%dma_wait3A_51 : memref<!tpu.dma_semaphore, #tpu.memory_space<semaphore_mem>>) src(%dma_wait3A_53 : memref<80x128xi32, #tpu.memory_space<hbm>>) dst(%arg7 : memref<80x128xi32, #tpu.memory_space<vmem>>)
    %dma_wait3A_54 = arith.constant 1 : i32
    %dma_wait3A_55 = arith.constant 0 : i32
    %dma_wait3A_56 = tpu.memref_slice %arg4[%mul3A_2, %dma_wait3A_55] : memref<2560x128xi32, #tpu.memory_space<hbm>> -> memref<80x128xi32, #tpu.memory_space<hbm>>
    %dma_wait3A_57 = tpu.memref_slice %arg12[%dma_wait3A_54] : memref<2x!tpu.dma_semaphore, #tpu.memory_space<semaphore_mem>> -> memref<1x!tpu.dma_semaphore, #tpu.memory_space<semaphore_mem>>
    %dma_wait3A_58 = tpu.memref_squeeze %dma_wait3A_57 : memref<1x!tpu.dma_semaphore, #tpu.memory_space<semaphore_mem>> -> memref<!tpu.dma_semaphore, #tpu.memory_space<semaphore_mem>>
    %dma_wait3A_59 = arith.constant 0 : i32
    %dma_wait3A_60 = tpu.memref_slice %arg4[%mul3A_2, %dma_wait3A_59] : memref<2560x128xi32, #tpu.memory_space<hbm>> -> memref<80x128xi32, #tpu.memory_space<hbm>>
    tpu.wait_dma2 semaphore(%dma_wait3A_58 : memref<!tpu.dma_semaphore, #tpu.memory_space<semaphore_mem>>) src(%dma_wait3A_60 : memref<80x128xi32, #tpu.memory_space<hbm>>) dst(%arg8 : memref<80x128xi32, #tpu.memory_space<vmem>>)
    %barrier3A = arith.constant 0 : index
    tpu.barrier barrier_id(%barrier3A)
    %dma_start3A_61 = arith.constant 0 : i32
    %dma_start3A_62 = arith.constant 0 : i32
    %dma_start3A_63 = arith.constant 0 : i32
    %dma_start3A_64 = arith.constant 0 : i32
    %dma_start3A_65 = arith.constant 0 : i32
    %dma_start3A_66 = tpu.memref_slice %arg9[%dma_start3A_62, %dma_start3A_64, %dma_start3A_65] : memref<2x128x64xf32, #tpu.memory_space<vmem>> -> memref<1x128x64xf32, #tpu.memory_space<vmem>>
    %dma_start3A_67 = tpu.memref_squeeze %dma_start3A_66 : memref<1x128x64xf32, #tpu.memory_space<vmem>> -> memref<128x64xf32, #tpu.memory_space<vmem>>
    %dma_start3A_68 = arith.constant 0 : i32
    %dma_start3A_69 = tpu.memref_slice %arg7[%dma_start3A_61, %dma_start3A_68] : memref<80x128xi32, #tpu.memory_space<vmem>> -> memref<1x128xi32, #tpu.memory_space<vmem>>
    %dma_start3A_70 = tpu.memref_squeeze %dma_start3A_69 : memref<1x128xi32, #tpu.memory_space<vmem>> -> memref<128xi32, #tpu.memory_space<vmem>>
    %dma_start3A_71 = arith.constant 0 : i32
    %dma_start3A_72 = arith.constant 0 : i32
    %dma_start3A_73 = tpu.memref_slice %arg10[%dma_start3A_71, %dma_start3A_72] : memref<10000x64xf32, #tpu.memory_space<vmem_shared>> -> memref<10000x64xf32, #tpu.memory_space<vmem_shared>>
    %dma_start3A_74 = tpu.memref_slice %arg12[%dma_start3A_63] : memref<2x!tpu.dma_semaphore, #tpu.memory_space<semaphore_mem>> -> memref<1x!tpu.dma_semaphore, #tpu.memory_space<semaphore_mem>>
    %dma_start3A_75 = tpu.memref_squeeze %dma_start3A_74 : memref<1x!tpu.dma_semaphore, #tpu.memory_space<semaphore_mem>> -> memref<!tpu.dma_semaphore, #tpu.memory_space<semaphore_mem>>
    tpu.enqueue_indirect_dma source(%dma_start3A_73 : memref<10000x64xf32, #tpu.memory_space<vmem_shared>>) target(%dma_start3A_67 : memref<128x64xf32, #tpu.memory_space<vmem>>) offsets(%dma_start3A_70 : memref<128xi32, #tpu.memory_space<vmem>>) semaphore(%dma_start3A_75 : memref<!tpu.dma_semaphore, #tpu.memory_space<semaphore_mem>>)
    %dma_start3A_76 = arith.constant 1 : i32
    %dma_start3A_77 = arith.constant 1 : i32
    %dma_start3A_78 = arith.constant 1 : i32
    %dma_start3A_79 = arith.constant 0 : i32
    %dma_start3A_80 = arith.constant 0 : i32
    %dma_start3A_81 = tpu.memref_slice %arg9[%dma_start3A_77, %dma_start3A_79, %dma_start3A_80] : memref<2x128x64xf32, #tpu.memory_space<vmem>> -> memref<1x128x64xf32, #tpu.memory_space<vmem>>
    %dma_start3A_82 = tpu.memref_squeeze %dma_start3A_81 : memref<1x128x64xf32, #tpu.memory_space<vmem>> -> memref<128x64xf32, #tpu.memory_space<vmem>>
    %dma_start3A_83 = arith.constant 0 : i32
    %dma_start3A_84 = tpu.memref_slice %arg7[%dma_start3A_76, %dma_start3A_83] : memref<80x128xi32, #tpu.memory_space<vmem>> -> memref<1x128xi32, #tpu.memory_space<vmem>>
    %dma_start3A_85 = tpu.memref_squeeze %dma_start3A_84 : memref<1x128xi32, #tpu.memory_space<vmem>> -> memref<128xi32, #tpu.memory_space<vmem>>
    %dma_start3A_86 = arith.constant 0 : i32
    %dma_start3A_87 = arith.constant 0 : i32
    %dma_start3A_88 = tpu.memref_slice %arg10[%dma_start3A_86, %dma_start3A_87] : memref<10000x64xf32, #tpu.memory_space<vmem_shared>> -> memref<10000x64xf32, #tpu.memory_space<vmem_shared>>
    %dma_start3A_89 = tpu.memref_slice %arg12[%dma_start3A_78] : memref<2x!tpu.dma_semaphore, #tpu.memory_space<semaphore_mem>> -> memref<1x!tpu.dma_semaphore, #tpu.memory_space<semaphore_mem>>
    %dma_start3A_90 = tpu.memref_squeeze %dma_start3A_89 : memref<1x!tpu.dma_semaphore, #tpu.memory_space<semaphore_mem>> -> memref<!tpu.dma_semaphore, #tpu.memory_space<semaphore_mem>>
    tpu.enqueue_indirect_dma source(%dma_start3A_88 : memref<10000x64xf32, #tpu.memory_space<vmem_shared>>) target(%dma_start3A_82 : memref<128x64xf32, #tpu.memory_space<vmem>>) offsets(%dma_start3A_85 : memref<128xi32, #tpu.memory_space<vmem>>) semaphore(%dma_start3A_90 : memref<!tpu.dma_semaphore, #tpu.memory_space<semaphore_mem>>)
    %scan3A = arith.constant 0 : i32
    %scan3A_91 = arith.constant 0 : i32
    %scan3A_92 = arith.constant 40 : i32
    %scan3A_93 = arith.addi %scan3A_91, %scan3A_92 : i32
    %scan3A_94 = arith.constant 1 : i32
    scf.for %scan3A_136 = %scan3A_91 to %scan3A_93 step %scan3A_94  : i32 {
      %mul3A_137 = arith.constant 2 : i32
      %mul3A_138 = arith.muli %scan3A_136, %mul3A_137 : i32
      %add3A_139 = arith.constant 0 : i32
      %add3A_140 = arith.addi %mul3A_138, %add3A_139 : i32
      %dma_wait3A_141 = arith.constant 0 : i32
      %dma_wait3A_142 = arith.constant 0 : i32
      %dma_wait3A_143 = arith.constant 0 : i32
      %dma_wait3A_144 = arith.constant 0 : i32
      %dma_wait3A_145 = tpu.memref_slice %arg9[%dma_wait3A_141, %dma_wait3A_143, %dma_wait3A_144] : memref<2x128x64xf32, #tpu.memory_space<vmem>> -> memref<1x128x64xf32, #tpu.memory_space<vmem>>
      %dma_wait3A_146 = tpu.memref_squeeze %dma_wait3A_145 : memref<1x128x64xf32, #tpu.memory_space<vmem>> -> memref<128x64xf32, #tpu.memory_space<vmem>>
      %dma_wait3A_147 = arith.constant 0 : i32
      %dma_wait3A_148 = tpu.memref_slice %arg7[%add3A_140, %dma_wait3A_147] : memref<80x128xi32, #tpu.memory_space<vmem>> -> memref<1x128xi32, #tpu.memory_space<vmem>>
      %dma_wait3A_149 = tpu.memref_squeeze %dma_wait3A_148 : memref<1x128xi32, #tpu.memory_space<vmem>> -> memref<128xi32, #tpu.memory_space<vmem>>
      %dma_wait3A_150 = arith.constant 0 : i32
      %dma_wait3A_151 = arith.constant 0 : i32
      %dma_wait3A_152 = tpu.memref_slice %arg10[%dma_wait3A_150, %dma_wait3A_151] : memref<10000x64xf32, #tpu.memory_space<vmem_shared>> -> memref<10000x64xf32, #tpu.memory_space<vmem_shared>>
      %dma_wait3A_153 = tpu.memref_slice %arg12[%dma_wait3A_142] : memref<2x!tpu.dma_semaphore, #tpu.memory_space<semaphore_mem>> -> memref<1x!tpu.dma_semaphore, #tpu.memory_space<semaphore_mem>>
      %dma_wait3A_154 = tpu.memref_squeeze %dma_wait3A_153 : memref<1x!tpu.dma_semaphore, #tpu.memory_space<semaphore_mem>> -> memref<!tpu.dma_semaphore, #tpu.memory_space<semaphore_mem>>
      tpu.wait_indirect_dma semaphore(%dma_wait3A_154 : memref<!tpu.dma_semaphore, #tpu.memory_space<semaphore_mem>>) src(%dma_wait3A_152 : memref<10000x64xf32, #tpu.memory_space<vmem_shared>>) dst(%dma_wait3A_146 : memref<128x64xf32, #tpu.memory_space<vmem>>)
      %dma_start3A_155 = arith.constant 0 : i32
      %dma_start3A_156 = arith.constant 0 : i32
      %dma_start3A_157 = arith.constant 0 : i32
      %dma_start3A_158 = arith.constant 0 : i32
      %dma_start3A_159 = tpu.memref_slice %arg9[%dma_start3A_155, %dma_start3A_157, %dma_start3A_158] : memref<2x128x64xf32, #tpu.memory_space<vmem>> -> memref<1x128x64xf32, #tpu.memory_space<vmem>>
      %dma_start3A_160 = tpu.memref_squeeze %dma_start3A_159 : memref<1x128x64xf32, #tpu.memory_space<vmem>> -> memref<128x64xf32, #tpu.memory_space<vmem>>
      %dma_start3A_161 = arith.constant 0 : i32
      %dma_start3A_162 = tpu.memref_slice %arg8[%add3A_140, %dma_start3A_161] : memref<80x128xi32, #tpu.memory_space<vmem>> -> memref<1x128xi32, #tpu.memory_space<vmem>>
      %dma_start3A_163 = tpu.memref_squeeze %dma_start3A_162 : memref<1x128xi32, #tpu.memory_space<vmem>> -> memref<128xi32, #tpu.memory_space<vmem>>
      %dma_start3A_164 = arith.constant 0 : i32
      %dma_start3A_165 = arith.constant 0 : i32
      %dma_start3A_166 = tpu.memref_slice %arg11[%dma_start3A_164, %dma_start3A_165] : memref<10008x64xf32, #tpu.memory_space<vmem_shared>> -> memref<10008x64xf32, #tpu.memory_space<vmem_shared>>
      %dma_start3A_167 = tpu.memref_slice %arg13[%dma_start3A_156] : memref<2x!tpu.dma_semaphore, #tpu.memory_space<semaphore_mem>> -> memref<1x!tpu.dma_semaphore, #tpu.memory_space<semaphore_mem>>
      %dma_start3A_168 = tpu.memref_squeeze %dma_start3A_167 : memref<1x!tpu.dma_semaphore, #tpu.memory_space<semaphore_mem>> -> memref<!tpu.dma_semaphore, #tpu.memory_space<semaphore_mem>>
      tpu.enqueue_indirect_dma source(%dma_start3A_160 : memref<128x64xf32, #tpu.memory_space<vmem>>) target(%dma_start3A_166 : memref<10008x64xf32, #tpu.memory_space<vmem_shared>>) offsets(%dma_start3A_163 : memref<128xi32, #tpu.memory_space<vmem>>) semaphore(%dma_start3A_168 : memref<!tpu.dma_semaphore, #tpu.memory_space<semaphore_mem>>) {add = true}
      %mul3A_169 = arith.constant 2 : i32
      %mul3A_170 = arith.muli %scan3A_136, %mul3A_169 : i32
      %add3A_171 = arith.constant 1 : i32
      %add3A_172 = arith.addi %mul3A_170, %add3A_171 : i32
      %dma_wait3A_173 = arith.constant 1 : i32
      %dma_wait3A_174 = arith.constant 1 : i32
      %dma_wait3A_175 = arith.constant 0 : i32
      %dma_wait3A_176 = arith.constant 0 : i32
      %dma_wait3A_177 = tpu.memref_slice %arg9[%dma_wait3A_173, %dma_wait3A_175, %dma_wait3A_176] : memref<2x128x64xf32, #tpu.memory_space<vmem>> -> memref<1x128x64xf32, #tpu.memory_space<vmem>>
      %dma_wait3A_178 = tpu.memref_squeeze %dma_wait3A_177 : memref<1x128x64xf32, #tpu.memory_space<vmem>> -> memref<128x64xf32, #tpu.memory_space<vmem>>
      %dma_wait3A_179 = arith.constant 0 : i32
      %dma_wait3A_180 = tpu.memref_slice %arg7[%add3A_172, %dma_wait3A_179] : memref<80x128xi32, #tpu.memory_space<vmem>> -> memref<1x128xi32, #tpu.memory_space<vmem>>
      %dma_wait3A_181 = tpu.memref_squeeze %dma_wait3A_180 : memref<1x128xi32, #tpu.memory_space<vmem>> -> memref<128xi32, #tpu.memory_space<vmem>>
      %dma_wait3A_182 = arith.constant 0 : i32
      %dma_wait3A_183 = arith.constant 0 : i32
      %dma_wait3A_184 = tpu.memref_slice %arg10[%dma_wait3A_182, %dma_wait3A_183] : memref<10000x64xf32, #tpu.memory_space<vmem_shared>> -> memref<10000x64xf32, #tpu.memory_space<vmem_shared>>
      %dma_wait3A_185 = tpu.memref_slice %arg12[%dma_wait3A_174] : memref<2x!tpu.dma_semaphore, #tpu.memory_space<semaphore_mem>> -> memref<1x!tpu.dma_semaphore, #tpu.memory_space<semaphore_mem>>
      %dma_wait3A_186 = tpu.memref_squeeze %dma_wait3A_185 : memref<1x!tpu.dma_semaphore, #tpu.memory_space<semaphore_mem>> -> memref<!tpu.dma_semaphore, #tpu.memory_space<semaphore_mem>>
      tpu.wait_indirect_dma semaphore(%dma_wait3A_186 : memref<!tpu.dma_semaphore, #tpu.memory_space<semaphore_mem>>) src(%dma_wait3A_184 : memref<10000x64xf32, #tpu.memory_space<vmem_shared>>) dst(%dma_wait3A_178 : memref<128x64xf32, #tpu.memory_space<vmem>>)
      %dma_start3A_187 = arith.constant 1 : i32
      %dma_start3A_188 = arith.constant 1 : i32
      %dma_start3A_189 = arith.constant 0 : i32
      %dma_start3A_190 = arith.constant 0 : i32
      %dma_start3A_191 = tpu.memref_slice %arg9[%dma_start3A_187, %dma_start3A_189, %dma_start3A_190] : memref<2x128x64xf32, #tpu.memory_space<vmem>> -> memref<1x128x64xf32, #tpu.memory_space<vmem>>
      %dma_start3A_192 = tpu.memref_squeeze %dma_start3A_191 : memref<1x128x64xf32, #tpu.memory_space<vmem>> -> memref<128x64xf32, #tpu.memory_space<vmem>>
      %dma_start3A_193 = arith.constant 0 : i32
      %dma_start3A_194 = tpu.memref_slice %arg8[%add3A_172, %dma_start3A_193] : memref<80x128xi32, #tpu.memory_space<vmem>> -> memref<1x128xi32, #tpu.memory_space<vmem>>
      %dma_start3A_195 = tpu.memref_squeeze %dma_start3A_194 : memref<1x128xi32, #tpu.memory_space<vmem>> -> memref<128xi32, #tpu.memory_space<vmem>>
      %dma_start3A_196 = arith.constant 0 : i32
      %dma_start3A_197 = arith.constant 0 : i32
      %dma_start3A_198 = tpu.memref_slice %arg11[%dma_start3A_196, %dma_start3A_197] : memref<10008x64xf32, #tpu.memory_space<vmem_shared>> -> memref<10008x64xf32, #tpu.memory_space<vmem_shared>>
      %dma_start3A_199 = tpu.memref_slice %arg13[%dma_start3A_188] : memref<2x!tpu.dma_semaphore, #tpu.memory_space<semaphore_mem>> -> memref<1x!tpu.dma_semaphore, #tpu.memory_space<semaphore_mem>>
      %dma_start3A_200 = tpu.memref_squeeze %dma_start3A_199 : memref<1x!tpu.dma_semaphore, #tpu.memory_space<semaphore_mem>> -> memref<!tpu.dma_semaphore, #tpu.memory_space<semaphore_mem>>
      tpu.enqueue_indirect_dma source(%dma_start3A_192 : memref<128x64xf32, #tpu.memory_space<vmem>>) target(%dma_start3A_198 : memref<10008x64xf32, #tpu.memory_space<vmem_shared>>) offsets(%dma_start3A_195 : memref<128xi32, #tpu.memory_space<vmem>>) semaphore(%dma_start3A_200 : memref<!tpu.dma_semaphore, #tpu.memory_space<semaphore_mem>>) {add = true}
      %lt3A = arith.constant 39 : i32
      %lt3A_201 = arith.cmpi slt, %scan3A_136, %lt3A : i32
      %convert_element_type3A_202 = arith.extui %lt3A_201 : i1 to i32
      %cond3A_203 = arith.constant 0 : i32
      %cond3A_204 = arith.cmpi ne, %convert_element_type3A_202, %cond3A_203 : i32
      scf.if %cond3A_204 {
        %mul3A_205 = arith.constant 2 : i32
        %mul3A_206 = arith.muli %scan3A_136, %mul3A_205 : i32
        %add3A_207 = arith.constant 0 : i32
        %add3A_208 = arith.addi %mul3A_206, %add3A_207 : i32
        %dma_wait3A_209 = arith.constant 0 : i32
        %dma_wait3A_210 = arith.constant 0 : i32
        %dma_wait3A_211 = arith.constant 0 : i32
        %dma_wait3A_212 = arith.constant 0 : i32
        %dma_wait3A_213 = tpu.memref_slice %arg9[%dma_wait3A_209, %dma_wait3A_211, %dma_wait3A_212] : memref<2x128x64xf32, #tpu.memory_space<vmem>> -> memref<1x128x64xf32, #tpu.memory_space<vmem>>
        %dma_wait3A_214 = tpu.memref_squeeze %dma_wait3A_213 : memref<1x128x64xf32, #tpu.memory_space<vmem>> -> memref<128x64xf32, #tpu.memory_space<vmem>>
        %dma_wait3A_215 = arith.constant 0 : i32
        %dma_wait3A_216 = tpu.memref_slice %arg8[%add3A_208, %dma_wait3A_215] : memref<80x128xi32, #tpu.memory_space<vmem>> -> memref<1x128xi32, #tpu.memory_space<vmem>>
        %dma_wait3A_217 = tpu.memref_squeeze %dma_wait3A_216 : memref<1x128xi32, #tpu.memory_space<vmem>> -> memref<128xi32, #tpu.memory_space<vmem>>
        %dma_wait3A_218 = arith.constant 0 : i32
        %dma_wait3A_219 = arith.constant 0 : i32
        %dma_wait3A_220 = tpu.memref_slice %arg11[%dma_wait3A_218, %dma_wait3A_219] : memref<10008x64xf32, #tpu.memory_space<vmem_shared>> -> memref<10008x64xf32, #tpu.memory_space<vmem_shared>>
        %dma_wait3A_221 = tpu.memref_slice %arg13[%dma_wait3A_210] : memref<2x!tpu.dma_semaphore, #tpu.memory_space<semaphore_mem>> -> memref<1x!tpu.dma_semaphore, #tpu.memory_space<semaphore_mem>>
        %dma_wait3A_222 = tpu.memref_squeeze %dma_wait3A_221 : memref<1x!tpu.dma_semaphore, #tpu.memory_space<semaphore_mem>> -> memref<!tpu.dma_semaphore, #tpu.memory_space<semaphore_mem>>
        tpu.wait_indirect_dma semaphore(%dma_wait3A_222 : memref<!tpu.dma_semaphore, #tpu.memory_space<semaphore_mem>>) src(%dma_wait3A_214 : memref<128x64xf32, #tpu.memory_space<vmem>>) dst(%dma_wait3A_220 : memref<10008x64xf32, #tpu.memory_space<vmem_shared>>)
        %add3A_223 = arith.constant 2 : i32
        %add3A_224 = arith.addi %add3A_208, %add3A_223 : i32
        %dma_start3A_225 = arith.constant 0 : i32
        %dma_start3A_226 = arith.constant 0 : i32
        %dma_start3A_227 = arith.constant 0 : i32
        %dma_start3A_228 = arith.constant 0 : i32
        %dma_start3A_229 = tpu.memref_slice %arg9[%dma_start3A_225, %dma_start3A_227, %dma_start3A_228] : memref<2x128x64xf32, #tpu.memory_space<vmem>> -> memref<1x128x64xf32, #tpu.memory_space<vmem>>
        %dma_start3A_230 = tpu.memref_squeeze %dma_start3A_229 : memref<1x128x64xf32, #tpu.memory_space<vmem>> -> memref<128x64xf32, #tpu.memory_space<vmem>>
        %dma_start3A_231 = arith.constant 0 : i32
        %dma_start3A_232 = tpu.memref_slice %arg7[%add3A_224, %dma_start3A_231] : memref<80x128xi32, #tpu.memory_space<vmem>> -> memref<1x128xi32, #tpu.memory_space<vmem>>
        %dma_start3A_233 = tpu.memref_squeeze %dma_start3A_232 : memref<1x128xi32, #tpu.memory_space<vmem>> -> memref<128xi32, #tpu.memory_space<vmem>>
        %dma_start3A_234 = arith.constant 0 : i32
        %dma_start3A_235 = arith.constant 0 : i32
        %dma_start3A_236 = tpu.memref_slice %arg10[%dma_start3A_234, %dma_start3A_235] : memref<10000x64xf32, #tpu.memory_space<vmem_shared>> -> memref<10000x64xf32, #tpu.memory_space<vmem_shared>>
        %dma_start3A_237 = tpu.memref_slice %arg12[%dma_start3A_226] : memref<2x!tpu.dma_semaphore, #tpu.memory_space<semaphore_mem>> -> memref<1x!tpu.dma_semaphore, #tpu.memory_space<semaphore_mem>>
        %dma_start3A_238 = tpu.memref_squeeze %dma_start3A_237 : memref<1x!tpu.dma_semaphore, #tpu.memory_space<semaphore_mem>> -> memref<!tpu.dma_semaphore, #tpu.memory_space<semaphore_mem>>
        tpu.enqueue_indirect_dma source(%dma_start3A_236 : memref<10000x64xf32, #tpu.memory_space<vmem_shared>>) target(%dma_start3A_230 : memref<128x64xf32, #tpu.memory_space<vmem>>) offsets(%dma_start3A_233 : memref<128xi32, #tpu.memory_space<vmem>>) semaphore(%dma_start3A_238 : memref<!tpu.dma_semaphore, #tpu.memory_space<semaphore_mem>>)
        %mul3A_239 = arith.constant 2 : i32
        %mul3A_240 = arith.muli %scan3A_136, %mul3A_239 : i32
        %add3A_241 = arith.constant 1 : i32
        %add3A_242 = arith.addi %mul3A_240, %add3A_241 : i32
        %dma_wait3A_243 = arith.constant 1 : i32
        %dma_wait3A_244 = arith.constant 1 : i32
        %dma_wait3A_245 = arith.constant 0 : i32
        %dma_wait3A_246 = arith.constant 0 : i32
        %dma_wait3A_247 = tpu.memref_slice %arg9[%dma_wait3A_243, %dma_wait3A_245, %dma_wait3A_246] : memref<2x128x64xf32, #tpu.memory_space<vmem>> -> memref<1x128x64xf32, #tpu.memory_space<vmem>>
        %dma_wait3A_248 = tpu.memref_squeeze %dma_wait3A_247 : memref<1x128x64xf32, #tpu.memory_space<vmem>> -> memref<128x64xf32, #tpu.memory_space<vmem>>
        %dma_wait3A_249 = arith.constant 0 : i32
        %dma_wait3A_250 = tpu.memref_slice %arg8[%add3A_242, %dma_wait3A_249] : memref<80x128xi32, #tpu.memory_space<vmem>> -> memref<1x128xi32, #tpu.memory_space<vmem>>
        %dma_wait3A_251 = tpu.memref_squeeze %dma_wait3A_250 : memref<1x128xi32, #tpu.memory_space<vmem>> -> memref<128xi32, #tpu.memory_space<vmem>>
        %dma_wait3A_252 = arith.constant 0 : i32
        %dma_wait3A_253 = arith.constant 0 : i32
        %dma_wait3A_254 = tpu.memref_slice %arg11[%dma_wait3A_252, %dma_wait3A_253] : memref<10008x64xf32, #tpu.memory_space<vmem_shared>> -> memref<10008x64xf32, #tpu.memory_space<vmem_shared>>
        %dma_wait3A_255 = tpu.memref_slice %arg13[%dma_wait3A_244] : memref<2x!tpu.dma_semaphore, #tpu.memory_space<semaphore_mem>> -> memref<1x!tpu.dma_semaphore, #tpu.memory_space<semaphore_mem>>
        %dma_wait3A_256 = tpu.memref_squeeze %dma_wait3A_255 : memref<1x!tpu.dma_semaphore, #tpu.memory_space<semaphore_mem>> -> memref<!tpu.dma_semaphore, #tpu.memory_space<semaphore_mem>>
        tpu.wait_indirect_dma semaphore(%dma_wait3A_256 : memref<!tpu.dma_semaphore, #tpu.memory_space<semaphore_mem>>) src(%dma_wait3A_248 : memref<128x64xf32, #tpu.memory_space<vmem>>) dst(%dma_wait3A_254 : memref<10008x64xf32, #tpu.memory_space<vmem_shared>>)
        %add3A_257 = arith.constant 2 : i32
        %add3A_258 = arith.addi %add3A_242, %add3A_257 : i32
        %dma_start3A_259 = arith.constant 1 : i32
        %dma_start3A_260 = arith.constant 1 : i32
        %dma_start3A_261 = arith.constant 0 : i32
        %dma_start3A_262 = arith.constant 0 : i32
        %dma_start3A_263 = tpu.memref_slice %arg9[%dma_start3A_259, %dma_start3A_261, %dma_start3A_262] : memref<2x128x64xf32, #tpu.memory_space<vmem>> -> memref<1x128x64xf32, #tpu.memory_space<vmem>>
        %dma_start3A_264 = tpu.memref_squeeze %dma_start3A_263 : memref<1x128x64xf32, #tpu.memory_space<vmem>> -> memref<128x64xf32, #tpu.memory_space<vmem>>
        %dma_start3A_265 = arith.constant 0 : i32
        %dma_start3A_266 = tpu.memref_slice %arg7[%add3A_258, %dma_start3A_265] : memref<80x128xi32, #tpu.memory_space<vmem>> -> memref<1x128xi32, #tpu.memory_space<vmem>>
        %dma_start3A_267 = tpu.memref_squeeze %dma_start3A_266 : memref<1x128xi32, #tpu.memory_space<vmem>> -> memref<128xi32, #tpu.memory_space<vmem>>
        %dma_start3A_268 = arith.constant 0 : i32
        %dma_start3A_269 = arith.constant 0 : i32
        %dma_start3A_270 = tpu.memref_slice %arg10[%dma_start3A_268, %dma_start3A_269] : memref<10000x64xf32, #tpu.memory_space<vmem_shared>> -> memref<10000x64xf32, #tpu.memory_space<vmem_shared>>
        %dma_start3A_271 = tpu.memref_slice %arg12[%dma_start3A_260] : memref<2x!tpu.dma_semaphore, #tpu.memory_space<semaphore_mem>> -> memref<1x!tpu.dma_semaphore, #tpu.memory_space<semaphore_mem>>
        %dma_start3A_272 = tpu.memref_squeeze %dma_start3A_271 : memref<1x!tpu.dma_semaphore, #tpu.memory_space<semaphore_mem>> -> memref<!tpu.dma_semaphore, #tpu.memory_space<semaphore_mem>>
        tpu.enqueue_indirect_dma source(%dma_start3A_270 : memref<10000x64xf32, #tpu.memory_space<vmem_shared>>) target(%dma_start3A_264 : memref<128x64xf32, #tpu.memory_space<vmem>>) offsets(%dma_start3A_267 : memref<128xi32, #tpu.memory_space<vmem>>) semaphore(%dma_start3A_272 : memref<!tpu.dma_semaphore, #tpu.memory_space<semaphore_mem>>)
      } else {
      }
    }
    %scan3A_95 = arith.constant 40 : i32
    %dma_wait3A_96 = arith.constant 0 : i32
    %dma_wait3A_97 = arith.constant 0 : i32
    %dma_wait3A_98 = arith.constant 0 : i32
    %dma_wait3A_99 = arith.constant 0 : i32
    %dma_wait3A_100 = arith.constant 0 : i32
    %dma_wait3A_101 = tpu.memref_slice %arg9[%dma_wait3A_96, %dma_wait3A_99, %dma_wait3A_100] : memref<2x128x64xf32, #tpu.memory_space<vmem>> -> memref<1x128x64xf32, #tpu.memory_space<vmem>>
    %dma_wait3A_102 = tpu.memref_squeeze %dma_wait3A_101 : memref<1x128x64xf32, #tpu.memory_space<vmem>> -> memref<128x64xf32, #tpu.memory_space<vmem>>
    %dma_wait3A_103 = arith.constant 0 : i32
    %dma_wait3A_104 = tpu.memref_slice %arg8[%dma_wait3A_97, %dma_wait3A_103] : memref<80x128xi32, #tpu.memory_space<vmem>> -> memref<1x128xi32, #tpu.memory_space<vmem>>
    %dma_wait3A_105 = tpu.memref_squeeze %dma_wait3A_104 : memref<1x128xi32, #tpu.memory_space<vmem>> -> memref<128xi32, #tpu.memory_space<vmem>>
    %dma_wait3A_106 = arith.constant 0 : i32
    %dma_wait3A_107 = arith.constant 0 : i32
    %dma_wait3A_108 = tpu.memref_slice %arg11[%dma_wait3A_106, %dma_wait3A_107] : memref<10008x64xf32, #tpu.memory_space<vmem_shared>> -> memref<10008x64xf32, #tpu.memory_space<vmem_shared>>
    %dma_wait3A_109 = tpu.memref_slice %arg13[%dma_wait3A_98] : memref<2x!tpu.dma_semaphore, #tpu.memory_space<semaphore_mem>> -> memref<1x!tpu.dma_semaphore, #tpu.memory_space<semaphore_mem>>
    %dma_wait3A_110 = tpu.memref_squeeze %dma_wait3A_109 : memref<1x!tpu.dma_semaphore, #tpu.memory_space<semaphore_mem>> -> memref<!tpu.dma_semaphore, #tpu.memory_space<semaphore_mem>>
    tpu.wait_indirect_dma semaphore(%dma_wait3A_110 : memref<!tpu.dma_semaphore, #tpu.memory_space<semaphore_mem>>) src(%dma_wait3A_102 : memref<128x64xf32, #tpu.memory_space<vmem>>) dst(%dma_wait3A_108 : memref<10008x64xf32, #tpu.memory_space<vmem_shared>>)
    %dma_wait3A_111 = arith.constant 1 : i32
    %dma_wait3A_112 = arith.constant 1 : i32
    %dma_wait3A_113 = arith.constant 1 : i32
    %dma_wait3A_114 = arith.constant 0 : i32
    %dma_wait3A_115 = arith.constant 0 : i32
    %dma_wait3A_116 = tpu.memref_slice %arg9[%dma_wait3A_111, %dma_wait3A_114, %dma_wait3A_115] : memref<2x128x64xf32, #tpu.memory_space<vmem>> -> memref<1x128x64xf32, #tpu.memory_space<vmem>>
    %dma_wait3A_117 = tpu.memref_squeeze %dma_wait3A_116 : memref<1x128x64xf32, #tpu.memory_space<vmem>> -> memref<128x64xf32, #tpu.memory_space<vmem>>
    %dma_wait3A_118 = arith.constant 0 : i32
    %dma_wait3A_119 = tpu.memref_slice %arg8[%dma_wait3A_112, %dma_wait3A_118] : memref<80x128xi32, #tpu.memory_space<vmem>> -> memref<1x128xi32, #tpu.memory_space<vmem>>
    %dma_wait3A_120 = tpu.memref_squeeze %dma_wait3A_119 : memref<1x128xi32, #tpu.memory_space<vmem>> -> memref<128xi32, #tpu.memory_space<vmem>>
    %dma_wait3A_121 = arith.constant 0 : i32
    %dma_wait3A_122 = arith.constant 0 : i32
    %dma_wait3A_123 = tpu.memref_slice %arg11[%dma_wait3A_121, %dma_wait3A_122] : memref<10008x64xf32, #tpu.memory_space<vmem_shared>> -> memref<10008x64xf32, #tpu.memory_space<vmem_shared>>
    %dma_wait3A_124 = tpu.memref_slice %arg13[%dma_wait3A_113] : memref<2x!tpu.dma_semaphore, #tpu.memory_space<semaphore_mem>> -> memref<1x!tpu.dma_semaphore, #tpu.memory_space<semaphore_mem>>
    %dma_wait3A_125 = tpu.memref_squeeze %dma_wait3A_124 : memref<1x!tpu.dma_semaphore, #tpu.memory_space<semaphore_mem>> -> memref<!tpu.dma_semaphore, #tpu.memory_space<semaphore_mem>>
    tpu.wait_indirect_dma semaphore(%dma_wait3A_125 : memref<!tpu.dma_semaphore, #tpu.memory_space<semaphore_mem>>) src(%dma_wait3A_117 : memref<128x64xf32, #tpu.memory_space<vmem>>) dst(%dma_wait3A_123 : memref<10008x64xf32, #tpu.memory_space<vmem_shared>>)
    %barrier3A_126 = arith.constant 0 : index
    tpu.barrier barrier_id(%barrier3A_126)
    %mul3A_127 = arith.constant 624 : i32
    %mul3A_128 = arith.muli %arg1, %mul3A_127 : i32
    %mul3A_129 = arith.constant 624 : i32
    %mul3A_130 = arith.muli %arg1, %mul3A_129 : i32
    "tpu.region"() ({
      %run_scoped3A = tpu.sem_alloc : memref<!tpu.dma_semaphore, #tpu.memory_space<semaphore_mem>>
      %dma_start3A_136 = arith.constant 0 : i32
      %dma_start3A_137 = arith.constant 0 : i32
      %dma_start3A_138 = tpu.memref_slice %arg6[%arg0, %dma_start3A_136, %dma_start3A_137] : memref<2x10000x64xf32, #tpu.memory_space<hbm>> -> memref<1x10000x64xf32, #tpu.memory_space<hbm>>
      %dma_start3A_139 = tpu.memref_squeeze %dma_start3A_138 : memref<1x10000x64xf32, #tpu.memory_space<hbm>> -> memref<10000x64xf32, #tpu.memory_space<hbm>>
      %dma_start3A_140 = arith.constant 0 : i32
      %dma_start3A_141 = tpu.memref_slice %dma_start3A_139[%mul3A_130, %dma_start3A_140] : memref<10000x64xf32, #tpu.memory_space<hbm>> -> memref<624x64xf32, #tpu.memory_space<hbm>>
      %dma_start3A_142 = arith.constant 0 : i32
      %dma_start3A_143 = tpu.memref_slice %arg11[%mul3A_128, %dma_start3A_142] : memref<10008x64xf32, #tpu.memory_space<vmem_shared>> -> memref<624x64xf32, #tpu.memory_space<vmem_shared>>
      tpu.enqueue_dma source(%dma_start3A_143 : memref<624x64xf32, #tpu.memory_space<vmem_shared>>) target(%dma_start3A_141 : memref<624x64xf32, #tpu.memory_space<hbm>>) target_semaphore(%run_scoped3A : memref<!tpu.dma_semaphore, #tpu.memory_space<semaphore_mem>>)
      %dma_wait3A_144 = arith.constant 0 : i32
      %dma_wait3A_145 = arith.constant 0 : i32
      %dma_wait3A_146 = tpu.memref_slice %arg6[%arg0, %dma_wait3A_144, %dma_wait3A_145] : memref<2x10000x64xf32, #tpu.memory_space<hbm>> -> memref<1x10000x64xf32, #tpu.memory_space<hbm>>
      %dma_wait3A_147 = tpu.memref_squeeze %dma_wait3A_146 : memref<1x10000x64xf32, #tpu.memory_space<hbm>> -> memref<10000x64xf32, #tpu.memory_space<hbm>>
      %dma_wait3A_148 = arith.constant 0 : i32
      %dma_wait3A_149 = tpu.memref_slice %dma_wait3A_147[%mul3A_130, %dma_wait3A_148] : memref<10000x64xf32, #tpu.memory_space<hbm>> -> memref<624x64xf32, #tpu.memory_space<hbm>>
      %dma_wait3A_150 = arith.constant 0 : i32
      %dma_wait3A_151 = tpu.memref_slice %arg11[%mul3A_128, %dma_wait3A_150] : memref<10008x64xf32, #tpu.memory_space<vmem_shared>> -> memref<624x64xf32, #tpu.memory_space<vmem_shared>>
      tpu.wait_dma2 semaphore(%run_scoped3A : memref<!tpu.dma_semaphore, #tpu.memory_space<semaphore_mem>>) src(%dma_wait3A_151 : memref<624x64xf32, #tpu.memory_space<vmem_shared>>) dst(%dma_wait3A_149 : memref<624x64xf32, #tpu.memory_space<hbm>>)
      tpu.yield
    }) : () -> ()
    %eq3A_131 = arith.constant 15 : i32
    %eq3A_132 = arith.cmpi eq, %arg1, %eq3A_131 : i32
    %convert_element_type3A_133 = arith.extui %eq3A_132 : i1 to i32
    %cond3A_134 = arith.constant 0 : i32
    %cond3A_135 = arith.cmpi ne, %convert_element_type3A_133, %cond3A_134 : i32
    scf.if %cond3A_135 {
      "tpu.region"() ({
        %run_scoped3A = tpu.sem_alloc : memref<!tpu.dma_semaphore, #tpu.memory_space<semaphore_mem>>
        %dma_start3A_136 = arith.constant 0 : i32
        %dma_start3A_137 = arith.constant 0 : i32
        %dma_start3A_138 = tpu.memref_slice %arg6[%arg0, %dma_start3A_136, %dma_start3A_137] : memref<2x10000x64xf32, #tpu.memory_space<hbm>> -> memref<1x10000x64xf32, #tpu.memory_space<hbm>>
        %dma_start3A_139 = tpu.memref_squeeze %dma_start3A_138 : memref<1x10000x64xf32, #tpu.memory_space<hbm>> -> memref<10000x64xf32, #tpu.memory_space<hbm>>
        %dma_start3A_140 = arith.constant 9984 : i32
        %dma_start3A_141 = arith.constant 0 : i32
        %dma_start3A_142 = tpu.memref_slice %dma_start3A_139[%dma_start3A_140, %dma_start3A_141] : memref<10000x64xf32, #tpu.memory_space<hbm>> -> memref<16x64xf32, #tpu.memory_space<hbm>>
        %dma_start3A_143 = arith.constant 9984 : i32
        %dma_start3A_144 = arith.constant 0 : i32
        %dma_start3A_145 = tpu.memref_slice %arg11[%dma_start3A_143, %dma_start3A_144] : memref<10008x64xf32, #tpu.memory_space<vmem_shared>> -> memref<16x64xf32, #tpu.memory_space<vmem_shared>>
        tpu.enqueue_dma source(%dma_start3A_145 : memref<16x64xf32, #tpu.memory_space<vmem_shared>>) target(%dma_start3A_142 : memref<16x64xf32, #tpu.memory_space<hbm>>) target_semaphore(%run_scoped3A : memref<!tpu.dma_semaphore, #tpu.memory_space<semaphore_mem>>)
        %dma_wait3A_146 = arith.constant 0 : i32
        %dma_wait3A_147 = arith.constant 0 : i32
        %dma_wait3A_148 = tpu.memref_slice %arg6[%arg0, %dma_wait3A_146, %dma_wait3A_147] : memref<2x10000x64xf32, #tpu.memory_space<hbm>> -> memref<1x10000x64xf32, #tpu.memory_space<hbm>>
        %dma_wait3A_149 = tpu.memref_squeeze %dma_wait3A_148 : memref<1x10000x64xf32, #tpu.memory_space<hbm>> -> memref<10000x64xf32, #tpu.memory_space<hbm>>
        %dma_wait3A_150 = arith.constant 9984 : i32
        %dma_wait3A_151 = arith.constant 0 : i32
        %dma_wait3A_152 = tpu.memref_slice %dma_wait3A_149[%dma_wait3A_150, %dma_wait3A_151] : memref<10000x64xf32, #tpu.memory_space<hbm>> -> memref<16x64xf32, #tpu.memory_space<hbm>>
        %dma_wait3A_153 = arith.constant 9984 : i32
        %dma_wait3A_154 = arith.constant 0 : i32
        %dma_wait3A_155 = tpu.memref_slice %arg11[%dma_wait3A_153, %dma_wait3A_154] : memref<10008x64xf32, #tpu.memory_space<vmem_shared>> -> memref<16x64xf32, #tpu.memory_space<vmem_shared>>
        tpu.wait_dma2 semaphore(%run_scoped3A : memref<!tpu.dma_semaphore, #tpu.memory_space<semaphore_mem>>) src(%dma_wait3A_155 : memref<16x64xf32, #tpu.memory_space<vmem_shared>>) dst(%dma_wait3A_152 : memref<16x64xf32, #tpu.memory_space<hbm>>)
        tpu.yield
      }) : () -> ()
    } else {
    }
    return
  }
}

module attributes {stable_mosaic.version = 14 : i64} {
  func.func @_tc1_body(%arg0: memref<10000x128xf32, #tpu.memory_space<vmem>>, %arg1: memref<128x16xf32, #tpu.memory_space<vmem>>, %arg2: memref<2x10000x8xf32, #tpu.memory_space<vmem>>, %arg3: memref<10000x16xf32, #tpu.memory_space<vmem>>, %arg4: memref<10000x8xf32, #tpu.memory_space<vmem>>) attributes {dimension_semantics = [], scalar_prefetch = 0 : i64, scratch_operands = 0 : i64, tpu.core_type = #tpu.core_type<tc>} {
    %get3A = arith.constant 0 : index
    %get3A_0 = arith.constant 0 : index
    %get3A_1 = arith.constant 0 : index
    %get3A_2 = vector.load %arg2[%get3A, %get3A_0, %get3A_1] : memref<2x10000x8xf32, #tpu.memory_space<vmem>>, vector<1x10000x8xf32>
    %get3A_3 = vector.shape_cast %get3A_2 : vector<1x10000x8xf32> to vector<10000x8xf32>
    %add3A = arith.constant 1.000000e+00 : f32
    %add3A_4 = vector.broadcast %add3A : f32 to vector<10000x8xf32>
    %add3A_5 = arith.addf %add3A_4, %get3A_3 : vector<10000x8xf32>
    %get3A_6 = arith.constant 1 : index
    %get3A_7 = arith.constant 0 : index
    %get3A_8 = arith.constant 0 : index
    %get3A_9 = vector.load %arg2[%get3A_6, %get3A_7, %get3A_8] : memref<2x10000x8xf32, #tpu.memory_space<vmem>>, vector<1x10000x8xf32>
    %get3A_10 = vector.shape_cast %get3A_9 : vector<1x10000x8xf32> to vector<10000x8xf32>
    %add3A_11 = arith.addf %add3A_5, %get3A_10 : vector<10000x8xf32>
    %rsqrt3A = math.rsqrt %add3A_11 : vector<10000x8xf32>
    %get3A_12 = arith.constant 0 : index
    %get3A_13 = arith.constant 0 : index
    %get3A_14 = vector.load %arg0[%get3A_12, %get3A_13] : memref<10000x128xf32, #tpu.memory_space<vmem>>, vector<10000x128xf32>
    %get3A_15 = arith.constant 0 : index
    %get3A_16 = arith.constant 0 : index
    %get3A_17 = vector.load %arg1[%get3A_15, %get3A_16] : memref<128x16xf32, #tpu.memory_space<vmem>>, vector<128x16xf32>
    %dot_general3A = arith.constant dense<0.000000e+00> : vector<10000x16xf32>
    %dot_general3A_18 = tpu.matmul %get3A_14, %get3A_17, %dot_general3A {dimension_numbers = #tpu.dot_dimension_numbers<[1], [0], [0], [1], [0, 0, 1, 1], [], []>, transpose_lhs_hint = false} : vector<10000x128xf32>, vector<128x16xf32>, vector<10000x16xf32> -> vector<10000x16xf32>
    %slice3A = vector.extract_strided_slice %rsqrt3A {offsets = [0, 0], sizes = [10000, 1], strides = [1, 1]} : vector<10000x8xf32> to vector<10000x1xf32>
    %mul3A = vector.broadcast %slice3A : vector<10000x1xf32> to vector<10000x16xf32>
    %mul3A_19 = arith.mulf %dot_general3A_18, %mul3A : vector<10000x16xf32>
    %swap3A = arith.constant 0 : index
    %swap3A_20 = arith.constant 0 : index
    %swap3A_21 = vector.load %arg3[%swap3A, %swap3A_20] : memref<10000x16xf32, #tpu.memory_space<vmem>>, vector<10000x16xf32>
    tpu.vector_store %arg3[%swap3A, %swap3A_20], %mul3A_19 {strides = array<i32>} : memref<10000x16xf32, #tpu.memory_space<vmem>>, vector<10000x16xf32>,
    %swap3A_22 = arith.constant 0 : index
    %swap3A_23 = arith.constant 0 : index
    %swap3A_24 = vector.load %arg4[%swap3A_22, %swap3A_23] : memref<10000x8xf32, #tpu.memory_space<vmem>>, vector<10000x8xf32>
    tpu.vector_store %arg4[%swap3A_22, %swap3A_23], %rsqrt3A {strides = array<i32>} : memref<10000x8xf32, #tpu.memory_space<vmem>>, vector<10000x8xf32>,
    return
  }
}

module attributes {stable_mosaic.version = 14 : i64} {
  func.func @_tc2_body(%arg0: memref<2x10000x16xf32, #tpu.memory_space<vmem>>, %arg1: memref<10000x16xf32, #tpu.memory_space<vmem>>, %arg2: memref<10000x8xf32, #tpu.memory_space<vmem>>, %arg3: memref<16x64xf32, #tpu.memory_space<vmem>>, %arg4: memref<1x16xf32, #tpu.memory_space<vmem>>, %arg5: memref<10000x64xf32, #tpu.memory_space<vmem>>) attributes {dimension_semantics = [], scalar_prefetch = 0 : i64, scratch_operands = 0 : i64, tpu.core_type = #tpu.core_type<tc>} {
    %get3A = arith.constant 0 : index
    %get3A_0 = arith.constant 0 : index
    %get3A_1 = vector.load %arg2[%get3A, %get3A_0] : memref<10000x8xf32, #tpu.memory_space<vmem>>, vector<10000x8xf32>
    %slice3A = vector.extract_strided_slice %get3A_1 {offsets = [0, 0], sizes = [10000, 1], strides = [1, 1]} : vector<10000x8xf32> to vector<10000x1xf32>
    %get3A_2 = arith.constant 0 : index
    %get3A_3 = arith.constant 0 : index
    %get3A_4 = arith.constant 0 : index
    %get3A_5 = vector.load %arg0[%get3A_2, %get3A_3, %get3A_4] : memref<2x10000x16xf32, #tpu.memory_space<vmem>>, vector<1x10000x16xf32>
    %get3A_6 = vector.shape_cast %get3A_5 : vector<1x10000x16xf32> to vector<10000x16xf32>
    %get3A_7 = arith.constant 1 : index
    %get3A_8 = arith.constant 0 : index
    %get3A_9 = arith.constant 0 : index
    %get3A_10 = vector.load %arg0[%get3A_7, %get3A_8, %get3A_9] : memref<2x10000x16xf32, #tpu.memory_space<vmem>>, vector<1x10000x16xf32>
    %get3A_11 = vector.shape_cast %get3A_10 : vector<1x10000x16xf32> to vector<10000x16xf32>
    %add3A = arith.addf %get3A_6, %get3A_11 : vector<10000x16xf32>
    %get3A_12 = arith.constant 0 : index
    %get3A_13 = arith.constant 0 : index
    %get3A_14 = vector.load %arg1[%get3A_12, %get3A_13] : memref<10000x16xf32, #tpu.memory_space<vmem>>, vector<10000x16xf32>
    %add3A_15 = arith.addf %add3A, %get3A_14 : vector<10000x16xf32>
    %mul3A = vector.broadcast %slice3A : vector<10000x1xf32> to vector<10000x16xf32>
    %mul3A_16 = arith.mulf %mul3A, %add3A_15 : vector<10000x16xf32>
    %get3A_17 = arith.constant 0 : index
    %get3A_18 = arith.constant 0 : index
    %get3A_19 = vector.load %arg4[%get3A_17, %get3A_18] : memref<1x16xf32, #tpu.memory_space<vmem>>, vector<1x16xf32>
    %add3A_20 = vector.broadcast %get3A_19 : vector<1x16xf32> to vector<10000x16xf32>
    %add3A_21 = arith.addf %mul3A_16, %add3A_20 : vector<10000x16xf32>
    %max3A = arith.constant 0.000000e+00 : f32
    %max3A_22 = vector.broadcast %max3A : f32 to vector<10000x16xf32>
    %max3A_23 = arith.maximumf %add3A_21, %max3A_22 : vector<10000x16xf32>
    %get3A_24 = arith.constant 0 : index
    %get3A_25 = arith.constant 0 : index
    %get3A_26 = vector.load %arg3[%get3A_24, %get3A_25] : memref<16x64xf32, #tpu.memory_space<vmem>>, vector<16x64xf32>
    %dot_general3A = arith.constant dense<0.000000e+00> : vector<10000x64xf32>
    %dot_general3A_27 = tpu.matmul %max3A_23, %get3A_26, %dot_general3A {dimension_numbers = #tpu.dot_dimension_numbers<[1], [0], [0], [1], [0, 0, 1, 1], [], []>, transpose_lhs_hint = false} : vector<10000x16xf32>, vector<16x64xf32>, vector<10000x64xf32> -> vector<10000x64xf32>
    %mul3A_28 = vector.broadcast %slice3A : vector<10000x1xf32> to vector<10000x64xf32>
    %mul3A_29 = arith.mulf %dot_general3A_27, %mul3A_28 : vector<10000x64xf32>
    %swap3A = arith.constant 0 : index
    %swap3A_30 = arith.constant 0 : index
    %swap3A_31 = vector.load %arg5[%swap3A, %swap3A_30] : memref<10000x64xf32, #tpu.memory_space<vmem>>, vector<10000x64xf32>
    tpu.vector_store %arg5[%swap3A, %swap3A_30], %mul3A_29 {strides = array<i32>} : memref<10000x64xf32, #tpu.memory_space<vmem>>, vector<10000x64xf32>,
    return
  }
}

module attributes {stable_mosaic.version = 14 : i64} {
  func.func @_tc3_body(%arg0: memref<2x10000x64xf32, #tpu.memory_space<vmem>>, %arg1: memref<10000x64xf32, #tpu.memory_space<vmem>>, %arg2: memref<10000x8xf32, #tpu.memory_space<vmem>>, %arg3: memref<1x64xf32, #tpu.memory_space<vmem>>, %arg4: memref<64x64xf32, #tpu.memory_space<vmem>>, %arg5: memref<1x64xf32, #tpu.memory_space<vmem>>, %arg6: memref<64x1xf32, #tpu.memory_space<vmem>>, %arg7: memref<1x1xf32, #tpu.memory_space<vmem>>, %arg8: memref<10000x1xf32, #tpu.memory_space<vmem>>) attributes {dimension_semantics = [], scalar_prefetch = 0 : i64, scratch_operands = 0 : i64, tpu.core_type = #tpu.core_type<tc>} {
    %get3A = arith.constant 0 : index
    %get3A_0 = arith.constant 0 : index
    %get3A_1 = vector.load %arg2[%get3A, %get3A_0] : memref<10000x8xf32, #tpu.memory_space<vmem>>, vector<10000x8xf32>
    %slice3A = vector.extract_strided_slice %get3A_1 {offsets = [0, 0], sizes = [10000, 1], strides = [1, 1]} : vector<10000x8xf32> to vector<10000x1xf32>
    %get3A_2 = arith.constant 0 : index
    %get3A_3 = arith.constant 0 : index
    %get3A_4 = arith.constant 0 : index
    %get3A_5 = vector.load %arg0[%get3A_2, %get3A_3, %get3A_4] : memref<2x10000x64xf32, #tpu.memory_space<vmem>>, vector<1x10000x64xf32>
    %get3A_6 = vector.shape_cast %get3A_5 : vector<1x10000x64xf32> to vector<10000x64xf32>
    %get3A_7 = arith.constant 1 : index
    %get3A_8 = arith.constant 0 : index
    %get3A_9 = arith.constant 0 : index
    %get3A_10 = vector.load %arg0[%get3A_7, %get3A_8, %get3A_9] : memref<2x10000x64xf32, #tpu.memory_space<vmem>>, vector<1x10000x64xf32>
    %get3A_11 = vector.shape_cast %get3A_10 : vector<1x10000x64xf32> to vector<10000x64xf32>
    %add3A = arith.addf %get3A_6, %get3A_11 : vector<10000x64xf32>
    %get3A_12 = arith.constant 0 : index
    %get3A_13 = arith.constant 0 : index
    %get3A_14 = vector.load %arg1[%get3A_12, %get3A_13] : memref<10000x64xf32, #tpu.memory_space<vmem>>, vector<10000x64xf32>
    %add3A_15 = arith.addf %add3A, %get3A_14 : vector<10000x64xf32>
    %mul3A = vector.broadcast %slice3A : vector<10000x1xf32> to vector<10000x64xf32>
    %mul3A_16 = arith.mulf %mul3A, %add3A_15 : vector<10000x64xf32>
    %get3A_17 = arith.constant 0 : index
    %get3A_18 = arith.constant 0 : index
    %get3A_19 = vector.load %arg3[%get3A_17, %get3A_18] : memref<1x64xf32, #tpu.memory_space<vmem>>, vector<1x64xf32>
    %add3A_20 = vector.broadcast %get3A_19 : vector<1x64xf32> to vector<10000x64xf32>
    %add3A_21 = arith.addf %mul3A_16, %add3A_20 : vector<10000x64xf32>
    %max3A = arith.constant 0.000000e+00 : f32
    %max3A_22 = vector.broadcast %max3A : f32 to vector<10000x64xf32>
    %max3A_23 = arith.maximumf %add3A_21, %max3A_22 : vector<10000x64xf32>
    %get3A_24 = arith.constant 0 : index
    %get3A_25 = arith.constant 0 : index
    %get3A_26 = vector.load %arg4[%get3A_24, %get3A_25] : memref<64x64xf32, #tpu.memory_space<vmem>>, vector<64x64xf32>
    %dot_general3A = arith.constant dense<0.000000e+00> : vector<10000x64xf32>
    %dot_general3A_27 = tpu.matmul %max3A_23, %get3A_26, %dot_general3A {dimension_numbers = #tpu.dot_dimension_numbers<[1], [0], [0], [1], [0, 0, 1, 1], [], []>, transpose_lhs_hint = false} : vector<10000x64xf32>, vector<64x64xf32>, vector<10000x64xf32> -> vector<10000x64xf32>
    %get3A_28 = arith.constant 0 : index
    %get3A_29 = arith.constant 0 : index
    %get3A_30 = vector.load %arg5[%get3A_28, %get3A_29] : memref<1x64xf32, #tpu.memory_space<vmem>>, vector<1x64xf32>
    %add3A_31 = vector.broadcast %get3A_30 : vector<1x64xf32> to vector<10000x64xf32>
    %add3A_32 = arith.addf %dot_general3A_27, %add3A_31 : vector<10000x64xf32>
    %max3A_33 = arith.constant 0.000000e+00 : f32
    %max3A_34 = vector.broadcast %max3A_33 : f32 to vector<10000x64xf32>
    %max3A_35 = arith.maximumf %add3A_32, %max3A_34 : vector<10000x64xf32>
    %get3A_36 = arith.constant 0 : index
    %get3A_37 = arith.constant 0 : index
    %get3A_38 = vector.load %arg6[%get3A_36, %get3A_37] : memref<64x1xf32, #tpu.memory_space<vmem>>, vector<64x1xf32>
    %dot_general3A_39 = arith.constant dense<0.000000e+00> : vector<10000x1xf32>
    %dot_general3A_40 = tpu.matmul %max3A_35, %get3A_38, %dot_general3A_39 {dimension_numbers = #tpu.dot_dimension_numbers<[1], [0], [0], [1], [0, 0, 1, 1], [], []>, transpose_lhs_hint = false} : vector<10000x64xf32>, vector<64x1xf32>, vector<10000x1xf32> -> vector<10000x1xf32>
    %get3A_41 = arith.constant 0 : index
    %get3A_42 = arith.constant 0 : index
    %get3A_43 = vector.load %arg7[%get3A_41, %get3A_42] : memref<1x1xf32, #tpu.memory_space<vmem>>, vector<1x1xf32>
    %add3A_44 = vector.broadcast %get3A_43 : vector<1x1xf32> to vector<10000x1xf32>
    %add3A_45 = arith.addf %dot_general3A_40, %add3A_44 : vector<10000x1xf32>
    %swap3A = arith.constant 0 : index
    %swap3A_46 = arith.constant 0 : index
    %swap3A_47 = vector.load %arg8[%swap3A, %swap3A_46] : memref<10000x1xf32, #tpu.memory_space<vmem>>, vector<10000x1xf32>
    tpu.vector_store %arg8[%swap3A, %swap3A_46], %add3A_45 {strides = array<i32>} : memref<10000x1xf32, #tpu.memory_space<vmem>>, vector<10000x1xf32>,
    return
  }
}

</mosaic_0001>

<sc_bundles>
// kernel: kernel.11.cloned.1.call-start
scs
__scs_entry_jumppad:
0x0: {  	(pc) =	sbr.rel $0x88, $3  }
0x1: {  	(tag) =	ssettag $0x0;
	lr =	simm.s32 $0x1  }
0x2: {  	[smem:$0x3F97] =	sst lr;
	_ =	strace $0xD0000000  }
0x3: {  	_ = 	snop  }
0x4: {  	_ = 	snop  }
0x5: {  	_ = 	snop  }
0x6: {  	_ = 	snop  }
0x7: {  	_ = 	snop  }
__scs_overlays_trampoline_lowered:
0x8: {  	[smem:$0x3FA6] =	sst s0  }
0x9: {  	[smem:$0x3FA7] =	sst s1  }
0xa: {  	[smem:$0x3FA8] =	sst s2  }
0xb: {  	[smem:$0x3FA9] =	sst s3  }
0xc: {  	[smem:$0x3FAA] =	sst s4  }
0xd: {  	[smem:$0x3FAB] =	sst s5  }
0xe: {  	[smem:$0x3FAC] =	sst s6  }
0xf: {  	[smem:$0x3FAD] =	sst s7  }
0x10: {  	[smem:$0x3FAE] =	sst s8  }
0x11: {  	[smem:$0x3FAF] =	sst s9;
	s0 =	simm.s32 @!p0 $0x0  }
0x12: {  	s1 =	sld [smem:$0x3F95];
	s0 =	simm.s32 @p0 $0x1  }
0x13: {  	[smem:$0x3FB0] =	sst s0;
	s0 =	simm.s32 @!p1 $0x0  }
0x14: {  	s2 =	sld [smem:$0x3F94];
	s0 =	simm.s32 @p1 $0x1  }
0x15: {  	[smem:$0x3FB1] =	sst s0;
	s0 =	simm.s32 @!p2 $0x0  }
0x16: {  	s3 =	sld [smem:$0x3FDB];
	s0 =	simm.s32 @p2 $0x1  }
0x17: {  	s4 =	simm.s32 $0x1BF5;
	[smem:$0x3FB3] =	sst s0  }
0x18: {  	s0 =	sld [smem:$0x3F96];
	_ =	swait.ge [sflag:s4], $0x0  }
0x19: {  	s7 =	sld [smem:$0x3F97]  }
0x1a: {  	s8 =	sadd.s32 $0xFFFFE003, lr  }
0x1b: {  	s9 =	sadd.s32 $0xFFFFFEF7, lr;
	s5 =	simm.s32 $0xFFFFFFFF;
	p2 =	slt.u32 s8, $0xFFFFF086  }
0x1c: {  	p1 =	slt.u32 s9, $0xF7A;
	s5 =	simm.s32 @!p2 $0x0  }
0x1d: {  	s5 =	simm.s32 @p1 $0x1;
	p0 =	seq.s32 s7, s2  }
0x1e: {  	s7 =	smul.u32 @!p0 $0xF7A, s2;
	p2 =	seq.s32 @!p0 s5, $0x0  }
0x1f: {  	s9 =	smul.u32 $0xF7A, s1;
	s8 =	simm.s32 @!p0 $0x1BF5;
	p2 =	por !p2, p0  }
0x20: {  	[sflag:s8] =	ssyncset.s32 @!p0 $0xFFFFF086;
	s6 =	sadd.s32 @!p0 s3, s7;
	s7 =	simm.s32 @!p0 $0x108  }
0x21: {  	s3 =	sadd.s32 s3, s9;
	s6 =	sadd.s32 @!p0 $0x88, s6;
	s7 =	simm.s32 @p2 $0x1082  }
0x22: {  	[simem:s7], [sflag:s8] =	dma.local @!p0 [hbm:s6], $0xF7A  }
0x23: {  	s9 =	sor.u32 $0xD0000000, s2;
	s6 =	simm.s32 $0x108;
	_ =	swait.ge @!p0 [sflag:s8], $0x0  }
0x24: {  	s3 =	sadd.s32 $0x88, s3;
	s6 =	simm.s32 @!p1 $0x1082;
	[sflag:s4] =	ssyncset.s32 $0xFFFFF086  }
0x25: {  	[simem:s6], [sflag:s4] =	dma.local [hbm:s3], $0xF7A  }
0x26: {  	[smem:$0x3F97] =	sst s1;
	(tag) =	ssettag s2;
	_ =	strace s9  }
0x27: {  	s1 =	sld [smem:$0x3FA7]  }
0x28: {  	s2 =	sld [smem:$0x3FA8]  }
0x29: {  	s4 =	sld [smem:$0x3FAA]  }
0x2a: {  	p0 =	seq.s32 s5, $0x0;
	s5 =	sld [smem:$0x3FAB]  }
0x2b: {  	s6 =	sld [smem:$0x3FAC]  }
0x2c: {  	s7 =	sld [smem:$0x3FAD]  }
0x2d: {  	s3 =	simm.s32 $0x108;
	s8 =	sld [smem:$0x3FAE]  }
0x2e: {  	s3 =	simm.s32 @!p0 $0x1082;
	s9 =	sld [smem:$0x3FAF]  }
0x2f: {  	lr =	sadd.s32 s0, s3;
	s0 =	sld [smem:$0x3FA6]  }
0x30: {  	s3 =	sld [smem:$0x3FA9]  }
0x31: {  	[smem:$0x3FB2] =	sst s10  }
0x32: {  	s10 =	sld [smem:$0x3FB0];
	_ =	sdelay $0x3  }
0x33: {  	p0 =	seq.s32 s10, $0x1;
	s10 =	sld [smem:$0x3FB2];
	_ =	sdelay $0x3  }
0x34: {  	[smem:$0x3FB2] =	sst s10  }
0x35: {  	s10 =	sld [smem:$0x3FB1];
	_ =	sdelay $0x3  }
0x36: {  	p1 =	seq.s32 s10, $0x1;
	s10 =	sld [smem:$0x3FB2];
	_ =	sdelay $0x3  }
0x37: {  	[smem:$0x3FB2] =	sst s10  }
0x38: {  	s10 =	sld [smem:$0x3FB3]  }
0x39: {  	_ = 	snop;
	(pc) =	sbr.ind lr, $3  }
0x3a: {  	_ = 	snop  }
0x3b: {  	_ = 	snop  }
0x3c: {  	p2 =	seq.s32 s10, $0x1;
	s10 =	sld [smem:$0x3FB2]  }
0x3d: {  	_ =	shalt  }
0x3e: {  	_ =	shalt  }
0x3f: {  	_ =	shalt  }
0x40: {  	_ =	shalt  }
0x41: {  	_ =	shalt  }
0x42: {  	_ =	shalt  }
0x43: {  	_ =	shalt  }
0x44: {  	_ =	shalt  }
0x45: {  	_ =	shalt  }
0x46: {  	_ =	shalt  }
0x47: {  	_ =	shalt  }
0x48: {  	_ =	shalt  }
0x49: {  	_ =	shalt  }
0x4a: {  	_ =	shalt  }
0x4b: {  	_ =	shalt  }
0x4c: {  	_ =	shalt  }
0x4d: {  	_ =	shalt  }
0x4e: {  	_ =	shalt  }
0x4f: {  	_ =	shalt  }
0x50: {  	_ =	shalt  }
0x51: {  	_ =	shalt  }
0x52: {  	_ =	shalt  }
0x53: {  	_ =	shalt  }
0x54: {  	_ =	shalt  }
0x55: {  	_ =	shalt  }
0x56: {  	_ =	shalt  }
0x57: {  	_ =	shalt  }
0x58: {  	_ =	shalt  }
0x59: {  	_ =	shalt  }
0x5a: {  	_ =	shalt  }
0x5b: {  	_ =	shalt  }
0x5c: {  	_ =	shalt  }
0x5d: {  	_ =	shalt  }
0x5e: {  	_ =	shalt  }
0x5f: {  	_ =	shalt  }
0x60: {  	_ =	shalt  }
0x61: {  	_ =	shalt  }
0x62: {  	_ =	shalt  }
0x63: {  	_ =	shalt  }
0x64: {  	_ =	shalt  }
0x65: {  	_ =	shalt  }
0x66: {  	_ =	shalt  }
0x67: {  	_ =	shalt  }
0x68: {  	_ =	shalt  }
0x69: {  	_ =	shalt  }
0x6a: {  	_ =	shalt  }
0x6b: {  	_ =	shalt  }
0x6c: {  	_ =	shalt  }
0x6d: {  	_ =	shalt  }
0x6e: {  	_ =	shalt  }
0x6f: {  	_ =	shalt  }
0x70: {  	_ =	shalt  }
0x71: {  	_ =	shalt  }
0x72: {  	_ =	shalt  }
0x73: {  	_ =	shalt  }
0x74: {  	_ =	shalt  }
0x75: {  	_ =	shalt  }
0x76: {  	_ =	shalt  }
0x77: {  	_ =	shalt  }
0x78: {  	_ =	shalt  }
0x79: {  	_ =	shalt  }
0x7a: {  	_ =	shalt  }
0x7b: {  	_ =	shalt  }
0x7c: {  	_ =	shalt  }
0x7d: {  	_ =	shalt  }
0x7e: {  	_ =	shalt  }
0x7f: {  	_ =	shalt  }
0x80: {  	_ =	shalt  }
0x81: {  	_ =	shalt  }
0x82: {  	_ =	shalt  }
0x83: {  	_ =	shalt  }
0x84: {  	_ =	shalt  }
0x85: {  	_ =	shalt  }
0x86: {  	_ =	shalt  }
0x87: {  	_ =	shalt  }
.Lfunc_end0:
.L_simem_size_0:
called_computation.1_lowered:
.L_overlay_start_0:
0x88: {  	s2 =	sld [smem:$0x3FD9]  }
0x89: {  	s3 =	sld [smem:$0x3FFE];
	_ =	sdelay $0x1  }
0x8a: {  	s1 =	srdreg.scid  }
0x8b: {  	s0 =	sand.u32 $0x1, s1  }
0x8c: {  	s16 =	sshll.u32 s0, $0xA;
	s2 =	sadd.s32 s3, s2  }
0x8d: {  	s2 =	sadd.s32 s2, s16  }
0x8e: {  	[smem:$0x3FBE] =	sst s2  }
0x8f: {  	_ = 	snop  }
0x90: {  	(tm) =	ssettm $0x1  }
0x91: {  	s17 =	sld [smem:$0x3FFB];
	_ =	sdelay $0x3  }
0x92: {  	_ =	strace s17  }
0x93: {  	s2 =	sld [smem:$0x3FFC];
	_ =	sdelay $0x3  }
0x94: {  	_ =	strace s2  }
0x95: {  	s2 =	sld [smem:$0x3FFD];
	_ =	sdelay $0x3  }
0x96: {  	_ =	strace s2  }
0x97: {  	_ =	strace $0x8FFFFFFF  }
0x98: {  	s18 =	sld [smem:$0x3FDB];
	_ =	sdelay $0x1  }
0x99: {  	s19 =	simm.s32 $_scs_section_size  }
0x9a: {  	s4 =	simm.s32 $_size__tile_overlayer_lowered;
	s5 =	simm.s32 $_tile_overlayer_lowered  }
0x9b: {  	s22 =	simm.s32 $0x1BFF;
	s21 =	sshll.u32 s5, $0x1;
	s2 =	sadd.s32 s19, s18  }
0x9c: {  	s6 =	simm.s32 $0x0;
	s20 =	sshll.u32 s4, $0x1;
	s4 =	sadd.s32 s21, s2  }
0x9d: {  	[timem:s6], [sflag:s22] =	dma.local [hbm:s4], s20  }
0x9e: {  	_ =	swait.ge [sflag:s22], s20  }
0x9f: {  	s3 =	ssub.s32 $0x0, s20;
	[sflag:s22] =	ssyncset.done $0x0  }
0xa0: {  	[sflag:s22] =	ssyncadd.s32 s3;
	_ =	sdelay $0x1  }
0xa1: {  	s23 =	simm.s32 $0x1B8B  }
0xa2: {  	_ =	swait.ge [sflag:s23], $0x1  }
0xa3: {  	[sflag:s23] =	ssyncset.done $0x0  }
0xa4: {  	s25 =	simm.s32 $0x1B8E;
	s24 =	sld [smem:$0x3FFE];
	[sflag:s23] =	ssyncadd.s32 $0xFFFFFFFF  }
0xa5: {  	s26 =	simm.s32 $execute0_lowered;
	[smem:$0x3FD2] =	sst s25  }
0xa6: {  	s4 =	sshll.u32 s26, $0x1;
	_ =	strace $0x80000049;
	[dreg:$0x1] =	wrdreg $0xFFFFFFFF  }
0xa7: {  	s28 =	simm.s32 $_size_execute0_lowered;
	s2 =	sadd.s32 s2, s4;
	[dreg:$0x0] =	wrdreg $0x0  }
0xa8: {  	s4 =	sshll.u32 s28, $0x1;
	[dreg:$0x2] =	wrdreg s2  }
0xa9: {  	[dreg:$0x3] =	wrdreg s4  }
0xaa: {  	[dreg:$0x4] =	wrdreg $0xC0  }
0xab: {  	_ =	task [dreg:s6], $0x5FFFF  }
0xac: {  	[dreg:$0x1] =	wrdreg $0xFFFFFFFF  }
0xad: {  	[dreg:$0x0] =	wrdreg $0x60  }
0xae: {  	[dreg:$0x2] =	wrdreg s24  }
0xaf: {  	[dreg:$0x3] =	wrdreg $0x87100  }
0xb0: {  	[dreg:$0x4] =	wrdreg $0x60000  }
0xb1: {  	[dreg:$0x5] =	wrdreg $0x9  }
0xb2: {  	_ =	task.clear_ibuf [dreg:s6], $0x6FFFF;
	_ =	strace $0x90000049  }
0xb3: {  	s29 =	simm.s32 $0x9;
	_ =	strace $0x8000004B  }
0xb4: {  	_ =	swait.ge [sflag:s29], $0x1  }
0xb5: {  	[sflag:s29] =	ssyncadd.s32 $0xFFFFFFFF  }
0xb6: {  	_ =	strace $0x9000004B  }
0xb7: {  	_ =	sfence  }
0xb8: {  	s30 =	sld [smem:$0x0];
	_ =	sdelay $0x2  }
0xb9: {  	s31 =	sshll.u32 s1, $0xD;
	s1 =	sshrl.u32 s1, $0x2  }
0xba: {  	s3 =	sand.u32 $0x4000, s31;
	s1 =	sadd.s32 s1, s30  }
0xbb: {  	s0 =	sor.u32 s3, s0;
	s1 =	sshll.u32 s1, $0x11  }
0xbc: {  	s0 =	sor.u32 s1, s0  }
0xbd: {  	s0 =	sadd.s32 $0x8F2B, s0  }
0xbe: {  	[sflag:s0] =	ssyncadd.remote.s32 $0x1  }
0xbf: {  	_ =	sfence.sel $0xFFFF  }
0xc0: {  	[dreg:$0x0] =	wrdreg $0xFFFFFFFF;
	(pc) =	sbr.abs _section_cstart, $3  }
0xc1: {  	[dreg:$0x1] =	wrdreg $0xFFFFFFFF  }
0xc2: {  	_ =	task.clear_ibuf [dreg:s6], $0x2FFFF;
	_ =	strace $0x9FFFFFFF  }
0xc3: {  	(tm) =	ssettm $0x7FFFFFFF  }
tec
execute0_lowered:
.L_overlay_start_1:
0x0: {  	(tag) =	ssettag $0x1  }
0x1: {  	s0 =	srdreg.scid;
	s1 =	rddreg [dreg:$0x0]  }
0x2: {  	s2 =	rddreg [dreg:$0x1];
	s18 =	stileid.u32  }
0x3: {  	s3 =	rddreg [dreg:$0x2];
	s24 =	simm.s32 $0x3;
	s28 =	simm.s32 $0x2  }
0x4: {  	s29 =	simm.s32 $0x80;
	s30 =	simm.s32 $0x5000;
	s31 =	simm.s32 $0x5800  }
0x5: {  	s0 =	sand.u32 $0x1, s0;
	s5 =	smul.u32 $0x2700, s18;
	s20 =	sadd.s32 $0x27000, s2  }
0x6: {  	s12 =	sadd.s32 $0x21C00, s1;
	s22 =	sadd.s32 $0x27000, s3;
	s13 =	sadd.s32 $0x10400, s1  }
0x7: {  	s23 =	sadd.s32 $0x27100, s2;
	s14 =	sadd.s32 $0x21C20, s1;
	p0 =	sne.s32 s18, $0xF  }
0x8: {  	s4 =	sshll.u32 s0, $0x4;
	s7 =	smul.u32 $0x4E20, s0;
	s0 =	ssub.s32 $0x2, s0  }
0x9: {  	s21 =	sshrl.u32 @!p0 s20, $0x3;
	s22 =	sshrl.u32 @!p0 s22, $0x3;
	s23 =	sshrl.u32 @!p0 s23, $0x3  }
0xa: {  	s20 =	simm.s32 $0x5;
	s6 =	sor.u32 s18, s4;
	s4 =	simm.s32 $0x0  }
0xb: {  	s8 =	sshrl.u32 s5, $0x3;
	s25 =	sshrl.u32 s0, $0x1;
	s17 =	sadd.s32 s5, s2  }
0xc: {  	s5 =	sadd.s32 s5, s3;
	s6 =	smul.u32 $0x500, s6;
	[smem:$0x7FF] =	sst s4  }
0xd: {  	s9 =	sadd.s32 s8, s1;
	s15 =	sadd.s32 s7, s1;
	s0 =	ssub.s32 s0, s25  }
0xe: {  	s17 =	sshrl.u32 s17, $0x3;
	s19 =	sshrl.u32 s5, $0x3;
	s25 =	simm.s32 $0x4  }
0xf: {  	_ =	strace $0x8000004A;
	[dreg:$0x4] =	wrdreg s8;
	s26 =	sadd.s32 $0x1CE00, s9  }
0x10: {  	s9 =	sadd.s32 $0xB600, s9;
	s15 =	sadd.s32 $0x21E00, s15;
	s16 =	smax.u32 s0, $0x1  }
0x11: {  	s11 =	sadd.s32 s6, s1;
	s6 =	sshll.u32 s18, $0x6;
	[dreg:$0x5] =	wrdreg s26  }
0x12: {  	s26 =	simm.s32 $0x1;
	s1 =	simm.s32 $0x0;
	s8 =	sor.u32 $0x1C03, s6  }
0x13: {  	s10 =	sadd.s32 $0x12E00, s11;
	s11 =	sadd.s32 $0x1600, s11;
	s18 =	sor.u32 $0x1C04, s6  }
.LBB2_1:
0x14: {  	s0 =	rddreg [dreg:$0x5]  }
0x15: {  	[spmem:s17], [sflag:s8] =	dma.local [hbm:s0], $0x4E0  }
0x16: {  	[spmem:s19], [sflag:s18] =	dma.local [hbm:s9], $0x4E0  }
0x17: {  	[tilespmem:s4], [sflag:$0x1] =	stream.linear.gather [hbm4b:s10+s4], $0x2800, $0x38;
	[tilespmem:$0xAE28] =	vst v63  }
0x18: {  	s5 =	simm.s32 $0x2800  }
0x19: {  	[tilespmem:s5], [sflag:$0x2] =	stream.linear.gather [hbm4b:s11+s4], $0x2800, $0x38;
	[tilespmem:$0xAE28] =	vst v63  }
0x1a: {  	s0 =	simm.s32 @!p0 $0x1FC5;
	s5 =	simm.s32 @!p0 $0x5  }
0x1b: {  	[spmem:s21], [sflag:s0] =	dma.local @!p0 [hbm:s12], $0x20  }
0x1c: {  	_ =	swait.ge @!p0 [sflag:s5], $0x20  }
0x1d: {  	[sflag:s5] =	ssyncset.done @!p0 $0x0  }
0x1e: {  	[sflag:s5] =	ssyncadd.s32 @!p0 $0xFFFFFFE0  }
0x1f: {  	[spmem:s22], [sflag:s0] =	dma.local @!p0 [hbm:s13], $0x20  }
0x20: {  	_ =	swait.ge @!p0 [sflag:s5], $0x20  }
0x21: {  	[sflag:s5] =	ssyncset.done @!p0 $0x0  }
0x22: {  	[sflag:s5] =	ssyncadd.s32 @!p0 $0xFFFFFFE0  }
0x23: {  	[spmem:s23], [sflag:s0] =	dma.local @!p0 [hbm:s14], $0x10  }
0x24: {  	_ =	swait.ge @!p0 [sflag:s5], $0x10  }
0x25: {  	[sflag:s5] =	ssyncset.done @!p0 $0x0  }
0x26: {  	[sflag:s5] =	ssyncadd.s32 @!p0 $0xFFFFFFF0  }
0x27: {  	_ =	swait.ge [sflag:s24], $0x4E0  }
0x28: {  	[sflag:s24] =	ssyncset.done $0x0  }
0x29: {  	[sflag:s24] =	ssyncadd.s32 $0xFFFFFB20  }
0x2a: {  	_ =	swait.ge [sflag:s25], $0x4E0  }
0x2b: {  	[sflag:s25] =	ssyncset.done $0x0  }
0x2c: {  	[sflag:s25] =	ssyncadd.s32 $0xFFFFFB20  }
0x2d: {  	_ =	swait.ge [sflag:s26], $0x2800  }
0x2e: {  	[sflag:s26] =	ssyncset.done $0x0  }
0x2f: {  	[sflag:s26] =	ssyncadd.s32 $0xFFFFD800  }
0x30: {  	_ =	swait.ge [sflag:s28], $0x2800  }
0x31: {  	[sflag:s28] =	ssyncset.done $0x0  }
0x32: {  	[sflag:s28] =	ssyncadd.s32 $0xFFFFD800  }
0x33: {  	[bflag:$0x0] =	sbarrier.arrive $0xFFFF  }
0x34: {  	[tilespmem:s30], [sflag:$0x1] =	stream.indirect.gather [spmem:s3], $0x10, s4, s29, $0xb8;
	[tilespmem:$0xAE28] =	vst v63  }
0x35: {  	_ = 	snop  }
0x36: {  	[tilespmem:s31], [sflag:$0x2] =	stream.indirect.gather [spmem:s3], $0x10, s29, s29, $0xb8;
	[tilespmem:$0xAE28] =	vst v63  }
0x37: {  	_ =	swait.ge [sflag:s26], $0x800  }
0x38: {  	[sflag:s26] =	ssyncset.done $0x0  }
0x39: {  	s7 =	simm.s32 $0x2800;
	[sflag:s26] =	ssyncadd.s32 $0xFFFFF800  }
0x3a: {  	[spmem:s2] =	stream.indirect.scatter.add.f32 [tilespmem:s30], [sflag:$0x3], $0x10, s7, s29, $0xb8;
	[tilespmem:$0xAE28] =	vst v63  }
0x3b: {  	_ =	swait.ge [sflag:s28], $0x800  }
0x3c: {  	[sflag:s28] =	ssyncset.done $0x0  }
0x3d: {  	s5 =	simm.s32 $0x2880;
	[sflag:s28] =	ssyncadd.s32 $0xFFFFF800  }
0x3e: {  	[spmem:s2] =	stream.indirect.scatter.add.f32 [tilespmem:s31], [sflag:$0x4], $0x10, s5, s29, $0xb8;
	[tilespmem:$0xAE28] =	vst v63  }
0x3f: {  	_ =	swait.ge [sflag:s24], $0x800  }
0x40: {  	[sflag:s24] =	ssyncset.done $0x0  }
0x41: {  	s7 =	simm.s32 $0x100;
	[sflag:s24] =	ssyncadd.s32 $0xFFFFF800  }
0x42: {  	[tilespmem:s30], [sflag:$0x1] =	stream.indirect.gather [spmem:s3], $0x10, s7, s29, $0xb8;
	[tilespmem:$0xAE28] =	vst v63  }
0x43: {  	_ =	swait.ge [sflag:s25], $0x800  }
0x44: {  	[sflag:s25] =	ssyncset.done $0x0  }
0x45: {  	s0 =	simm.s32 $0x400;
	s5 =	simm.s32 $0x180;
	[sflag:s25] =	ssyncadd.s32 $0xFFFFF800  }
.LBB2_2:
0x46: {  	[tilespmem:s31], [sflag:$0x2] =	stream.indirect.gather [spmem:s3], $0x10, s5, s29, $0xb8;
	[tilespmem:$0xAE28] =	vst v63  }
0x47: {  	s5 =	smov.u32 s0  }
0x48: {  	p1 =	sne.s32 s0, $0x9800;
	s0 =	sadd.s32 $0x400, s0;
	_ =	swait.ge [sflag:s26], $0x800  }
0x49: {  	s5 =	sshra.s32 s5, $0x2;
	[sflag:s26] =	ssyncset.done $0x0  }
0x4a: {  	s7 =	sadd.s32 $0x2800, s5;
	[sflag:s26] =	ssyncadd.s32 $0xFFFFF800  }
0x4b: {  	[spmem:s2] =	stream.indirect.scatter.add.f32 [tilespmem:s30], [sflag:$0x3], $0x10, s7, s29, $0xb8;
	[tilespmem:$0xAE28] =	vst v63  }
0x4c: {  	_ =	swait.ge [sflag:s28], $0x800  }
0x4d: {  	[sflag:s28] =	ssyncset.done $0x0  }
0x4e: {  	s7 =	sadd.s32 $0x2880, s5;
	[sflag:s28] =	ssyncadd.s32 $0xFFFFF800  }
0x4f: {  	[spmem:s2] =	stream.indirect.scatter.add.f32 [tilespmem:s31], [sflag:$0x4], $0x10, s7, s29, $0xb8;
	[tilespmem:$0xAE28] =	vst v63  }
0x50: {  	_ =	swait.ge [sflag:s24], $0x800  }
0x51: {  	[sflag:s24] =	ssyncset.done $0x0  }
.Ltmp0:
0x52: {  	s7 =	sadd.s32 $0x100, s5;
	[sflag:s24] =	ssyncadd.s32 $0xFFFFF800;
	(pc) =	sbr.rel @p1 .LBB2_2-.Ltmp0, $4  }
0x53: {  	[tilespmem:s30], [sflag:$0x1] =	stream.indirect.gather [spmem:s3], $0x10, s7, s29, $0xb8;
	[tilespmem:$0xAE28] =	vst v63  }
0x54: {  	_ =	swait.ge [sflag:s25], $0x800  }
0x55: {  	[sflag:s25] =	ssyncset.done $0x0  }
0x56: {  	s5 =	sadd.s32 $0x180, s5;
	[sflag:s25] =	ssyncadd.s32 $0xFFFFF800  }
0x57: {  	[tilespmem:s31], [sflag:$0x2] =	stream.indirect.gather [spmem:s3], $0x10, s5, s29, $0xb8;
	[tilespmem:$0xAE28] =	vst v63  }
0x58: {  	_ =	swait.ge [sflag:s26], $0x800  }
0x59: {  	[sflag:s26] =	ssyncset.done $0x0  }
0x5a: {  	s0 =	simm.s32 $0x4F00;
	[sflag:s26] =	ssyncadd.s32 $0xFFFFF800  }
0x5b: {  	[spmem:s2] =	stream.indirect.scatter.add.f32 [tilespmem:s30], [sflag:$0x3], $0x10, s0, s29, $0xb8;
	[tilespmem:$0xAE28] =	vst v63  }
0x5c: {  	_ =	swait.ge [sflag:s28], $0x800  }
0x5d: {  	[sflag:s28] =	ssyncset.done $0x0  }
0x5e: {  	s5 =	simm.s32 $0x4F80;
	[sflag:s28] =	ssyncadd.s32 $0xFFFFF800  }
0x5f: {  	[spmem:s2] =	stream.indirect.scatter.add.f32 [tilespmem:s31], [sflag:$0x4], $0x10, s5, s29, $0xb8;
	[tilespmem:$0xAE28] =	vst v63  }
0x60: {  	_ =	swait.ge [sflag:s24], $0x800  }
0x61: {  	[sflag:s24] =	ssyncset.done $0x0  }
0x62: {  	[sflag:s24] =	ssyncadd.s32 $0xFFFFF800  }
0x63: {  	_ =	swait.ge [sflag:s25], $0x800  }
0x64: {  	[sflag:s25] =	ssyncset.done $0x0  }
0x65: {  	[sflag:s25] =	ssyncadd.s32 $0xFFFFF800  }
0x66: {  	[bflag:$0x0] =	sbarrier.arrive $0xFFFF  }
0x67: {  	s7 =	rddreg [dreg:$0x4]  }
0x68: {  	s5 =	sor.u32 $0x1C05, s6;
	s0 =	sadd.s32 s7, s15  }
0x69: {  	[hbm:s0], [sflag:s5] =	dma.local [spmem:s17], $0x4E0  }
0x6a: {  	_ =	swait.ge [sflag:s20], $0x4E0  }
0x6b: {  	s1 =	sadd.s32 $0x1, s1;
	[sflag:s20] =	ssyncset.done $0x0  }
0x6c: {  	p1 =	sne.s32 s1, s16;
	s0 =	sadd.s32 @!p0 $0x4E00, s15;
	[sflag:s20] =	ssyncadd.s32 $0xFFFFFB20  }
0x6d: {  	[hbm:s0], [sflag:s5] =	dma.local @!p0 [spmem:s21], $0x20  }
.Ltmp1:
0x6e: {  	_ = 	snop;
	(pc) =	sbr.rel @p1 .LBB2_1-.Ltmp1, $4  }
0x6f: {  	s0 =	simm.s32 @!p0 $0x5  }
0x70: {  	_ =	swait.ge @!p0 [sflag:s0], $0x20  }
0x71: {  	[sflag:s0] =	ssyncset.done @!p0 $0x0  }
0x72: {  	[sflag:s0] =	ssyncadd.s32 @!p0 $0xFFFFFFE0  }
0x73: {  	_ =	sfence.sel $0x180000  }
0x74: {  	[bflag:$0x0] =	sbarrier.arrive $0xFFFF  }
0x75: {  	_ =	strace $0x9000004A  }
0x76: {  	s0 =	stileid.u32;
	[bflag:$0x2] =	sbarrier.arrive $0xFFFF  }
0x77: {  	p0 =	sne.s32 s0, $0x0;
	s0 =	rddreg [dreg:$0x3]  }
0x78: {  	s0 =	sadd.s32 @!p0 $0x100000, s0  }
0x79: {  	[sflag:s0] =	ssyncadd.tile.s32 @!p0 $0x1;
	_ =	shalt  }
.Lfunc_end2:
_tile_overlayer_lowered:
.L_overlay_start_2:
0x7a: {  	(tag) =	ssettag $0x2  }
0x7b: {  	s0 =	rddreg [dreg:$0x0];
	s2 =	stileid.u32  }
0x7c: {  	s1 =	rddreg [dreg:$0x1];
	p0 =	sne.s32 s2, $0x0  }
0x7d: {  	s3 =	rddreg [dreg:$0x2];
	[bflag:$0x3] =	sbarrier.arrive $0xFFFF;
	s2 =	simm.s32 @!p0 $0x1C05  }
0x7e: {  	[timem:s3], [sflag:s2] =	dma.local @!p0 [hbm:s0], s1  }
0x7f: {  	s0 =	simm.s32 @!p0 $0x5  }
0x80: {  	_ =	swait.ge @!p0 [sflag:s0], s1  }
0x81: {  	s1 =	ssub.s32 @!p0 $0x0, s1;
	[sflag:s0] =	ssyncset.done @!p0 $0x0  }
0x82: {  	[sflag:s0] =	ssyncadd.s32 @!p0 s1  }
0x83: {  	[bflag:$0x3] =	sbarrier.arrive $0xFFFF  }
0x84: {  	_ =	shalt  }

// kernel: kernel.14.cloned.1.call-start
scs
__scs_entry_jumppad:
0x0: {  	(pc) =	sbr.rel $0x88, $3  }
0x1: {  	(tag) =	ssettag $0x0;
	lr =	simm.s32 $0x1  }
0x2: {  	[smem:$0x3F97] =	sst lr;
	_ =	strace $0xD0000000  }
0x3: {  	_ = 	snop  }
0x4: {  	_ = 	snop  }
0x5: {  	_ = 	snop  }
0x6: {  	_ = 	snop  }
0x7: {  	_ = 	snop  }
__scs_overlays_trampoline_lowered:
0x8: {  	[smem:$0x3FA6] =	sst s0  }
0x9: {  	[smem:$0x3FA7] =	sst s1  }
0xa: {  	[smem:$0x3FA8] =	sst s2  }
0xb: {  	[smem:$0x3FA9] =	sst s3  }
0xc: {  	[smem:$0x3FAA] =	sst s4  }
0xd: {  	[smem:$0x3FAB] =	sst s5  }
0xe: {  	[smem:$0x3FAC] =	sst s6  }
0xf: {  	[smem:$0x3FAD] =	sst s7  }
0x10: {  	[smem:$0x3FAE] =	sst s8  }
0x11: {  	[smem:$0x3FAF] =	sst s9;
	s0 =	simm.s32 @!p0 $0x0  }
0x12: {  	s1 =	sld [smem:$0x3F95];
	s0 =	simm.s32 @p0 $0x1  }
0x13: {  	[smem:$0x3FB0] =	sst s0;
	s0 =	simm.s32 @!p1 $0x0  }
0x14: {  	s2 =	sld [smem:$0x3F94];
	s0 =	simm.s32 @p1 $0x1  }
0x15: {  	[smem:$0x3FB1] =	sst s0;
	s0 =	simm.s32 @!p2 $0x0  }
0x16: {  	s3 =	sld [smem:$0x3FDB];
	s0 =	simm.s32 @p2 $0x1  }
0x17: {  	s4 =	simm.s32 $0x1BF5;
	[smem:$0x3FB3] =	sst s0  }
0x18: {  	s0 =	sld [smem:$0x3F96];
	_ =	swait.ge [sflag:s4], $0x0  }
0x19: {  	s7 =	sld [smem:$0x3F97]  }
0x1a: {  	s8 =	sadd.s32 $0xFFFFE003, lr  }
0x1b: {  	s9 =	sadd.s32 $0xFFFFFEF7, lr;
	s5 =	simm.s32 $0xFFFFFFFF;
	p2 =	slt.u32 s8, $0xFFFFF086  }
0x1c: {  	p1 =	slt.u32 s9, $0xF7A;
	s5 =	simm.s32 @!p2 $0x0  }
0x1d: {  	s5 =	simm.s32 @p1 $0x1;
	p0 =	seq.s32 s7, s2  }
0x1e: {  	s7 =	smul.u32 @!p0 $0xF7A, s2;
	p2 =	seq.s32 @!p0 s5, $0x0  }
0x1f: {  	s9 =	smul.u32 $0xF7A, s1;
	s8 =	simm.s32 @!p0 $0x1BF5;
	p2 =	por !p2, p0  }
0x20: {  	[sflag:s8] =	ssyncset.s32 @!p0 $0xFFFFF086;
	s6 =	sadd.s32 @!p0 s3, s7;
	s7 =	simm.s32 @!p0 $0x108  }
0x21: {  	s3 =	sadd.s32 s3, s9;
	s6 =	sadd.s32 @!p0 $0x88, s6;
	s7 =	simm.s32 @p2 $0x1082  }
0x22: {  	[simem:s7], [sflag:s8] =	dma.local @!p0 [hbm:s6], $0xF7A  }
0x23: {  	s9 =	sor.u32 $0xD0000000, s2;
	s6 =	simm.s32 $0x108;
	_ =	swait.ge @!p0 [sflag:s8], $0x0  }
0x24: {  	s3 =	sadd.s32 $0x88, s3;
	s6 =	simm.s32 @!p1 $0x1082;
	[sflag:s4] =	ssyncset.s32 $0xFFFFF086  }
0x25: {  	[simem:s6], [sflag:s4] =	dma.local [hbm:s3], $0xF7A  }
0x26: {  	[smem:$0x3F97] =	sst s1;
	(tag) =	ssettag s2;
	_ =	strace s9  }
0x27: {  	s1 =	sld [smem:$0x3FA7]  }
0x28: {  	s2 =	sld [smem:$0x3FA8]  }
0x29: {  	s4 =	sld [smem:$0x3FAA]  }
0x2a: {  	p0 =	seq.s32 s5, $0x0;
	s5 =	sld [smem:$0x3FAB]  }
0x2b: {  	s6 =	sld [smem:$0x3FAC]  }
0x2c: {  	s7 =	sld [smem:$0x3FAD]  }
0x2d: {  	s3 =	simm.s32 $0x108;
	s8 =	sld [smem:$0x3FAE]  }
0x2e: {  	s3 =	simm.s32 @!p0 $0x1082;
	s9 =	sld [smem:$0x3FAF]  }
0x2f: {  	lr =	sadd.s32 s0, s3;
	s0 =	sld [smem:$0x3FA6]  }
0x30: {  	s3 =	sld [smem:$0x3FA9]  }
0x31: {  	[smem:$0x3FB2] =	sst s10  }
0x32: {  	s10 =	sld [smem:$0x3FB0];
	_ =	sdelay $0x3  }
0x33: {  	p0 =	seq.s32 s10, $0x1;
	s10 =	sld [smem:$0x3FB2];
	_ =	sdelay $0x3  }
0x34: {  	[smem:$0x3FB2] =	sst s10  }
0x35: {  	s10 =	sld [smem:$0x3FB1];
	_ =	sdelay $0x3  }
0x36: {  	p1 =	seq.s32 s10, $0x1;
	s10 =	sld [smem:$0x3FB2];
	_ =	sdelay $0x3  }
0x37: {  	[smem:$0x3FB2] =	sst s10  }
0x38: {  	s10 =	sld [smem:$0x3FB3]  }
0x39: {  	_ = 	snop;
	(pc) =	sbr.ind lr, $3  }
0x3a: {  	_ = 	snop  }
0x3b: {  	_ = 	snop  }
0x3c: {  	p2 =	seq.s32 s10, $0x1;
	s10 =	sld [smem:$0x3FB2]  }
0x3d: {  	_ =	shalt  }
0x3e: {  	_ =	shalt  }
0x3f: {  	_ =	shalt  }
0x40: {  	_ =	shalt  }
0x41: {  	_ =	shalt  }
0x42: {  	_ =	shalt  }
0x43: {  	_ =	shalt  }
0x44: {  	_ =	shalt  }
0x45: {  	_ =	shalt  }
0x46: {  	_ =	shalt  }
0x47: {  	_ =	shalt  }
0x48: {  	_ =	shalt  }
0x49: {  	_ =	shalt  }
0x4a: {  	_ =	shalt  }
0x4b: {  	_ =	shalt  }
0x4c: {  	_ =	shalt  }
0x4d: {  	_ =	shalt  }
0x4e: {  	_ =	shalt  }
0x4f: {  	_ =	shalt  }
0x50: {  	_ =	shalt  }
0x51: {  	_ =	shalt  }
0x52: {  	_ =	shalt  }
0x53: {  	_ =	shalt  }
0x54: {  	_ =	shalt  }
0x55: {  	_ =	shalt  }
0x56: {  	_ =	shalt  }
0x57: {  	_ =	shalt  }
0x58: {  	_ =	shalt  }
0x59: {  	_ =	shalt  }
0x5a: {  	_ =	shalt  }
0x5b: {  	_ =	shalt  }
0x5c: {  	_ =	shalt  }
0x5d: {  	_ =	shalt  }
0x5e: {  	_ =	shalt  }
0x5f: {  	_ =	shalt  }
0x60: {  	_ =	shalt  }
0x61: {  	_ =	shalt  }
0x62: {  	_ =	shalt  }
0x63: {  	_ =	shalt  }
0x64: {  	_ =	shalt  }
0x65: {  	_ =	shalt  }
0x66: {  	_ =	shalt  }
0x67: {  	_ =	shalt  }
0x68: {  	_ =	shalt  }
0x69: {  	_ =	shalt  }
0x6a: {  	_ =	shalt  }
0x6b: {  	_ =	shalt  }
0x6c: {  	_ =	shalt  }
0x6d: {  	_ =	shalt  }
0x6e: {  	_ =	shalt  }
0x6f: {  	_ =	shalt  }
0x70: {  	_ =	shalt  }
0x71: {  	_ =	shalt  }
0x72: {  	_ =	shalt  }
0x73: {  	_ =	shalt  }
0x74: {  	_ =	shalt  }
0x75: {  	_ =	shalt  }
0x76: {  	_ =	shalt  }
0x77: {  	_ =	shalt  }
0x78: {  	_ =	shalt  }
0x79: {  	_ =	shalt  }
0x7a: {  	_ =	shalt  }
0x7b: {  	_ =	shalt  }
0x7c: {  	_ =	shalt  }
0x7d: {  	_ =	shalt  }
0x7e: {  	_ =	shalt  }
0x7f: {  	_ =	shalt  }
0x80: {  	_ =	shalt  }
0x81: {  	_ =	shalt  }
0x82: {  	_ =	shalt  }
0x83: {  	_ =	shalt  }
0x84: {  	_ =	shalt  }
0x85: {  	_ =	shalt  }
0x86: {  	_ =	shalt  }
0x87: {  	_ =	shalt  }
.Lfunc_end0:
.L_simem_size_0:
called_computation.2_lowered:
.L_overlay_start_0:
0x88: {  	s2 =	sld [smem:$0x3FD9]  }
0x89: {  	s3 =	sld [smem:$0x3FFE];
	_ =	sdelay $0x1  }
0x8a: {  	s1 =	srdreg.scid  }
0x8b: {  	s0 =	sand.u32 $0x1, s1  }
0x8c: {  	s16 =	sshll.u32 s0, $0xA;
	s2 =	sadd.s32 s3, s2  }
0x8d: {  	s2 =	sadd.s32 s2, s16  }
0x8e: {  	[smem:$0x3FBE] =	sst s2  }
0x8f: {  	_ = 	snop  }
0x90: {  	(tm) =	ssettm $0x1  }
0x91: {  	s17 =	sld [smem:$0x3FFB];
	_ =	sdelay $0x3  }
0x92: {  	_ =	strace s17  }
0x93: {  	s2 =	sld [smem:$0x3FFC];
	_ =	sdelay $0x3  }
0x94: {  	_ =	strace s2  }
0x95: {  	s2 =	sld [smem:$0x3FFD];
	_ =	sdelay $0x3  }
0x96: {  	_ =	strace s2  }
0x97: {  	_ =	strace $0x8FFFFFFF  }
0x98: {  	s18 =	sld [smem:$0x3FDB];
	_ =	sdelay $0x1  }
0x99: {  	s19 =	simm.s32 $_scs_section_size  }
0x9a: {  	s4 =	simm.s32 $_size__tile_overlayer_lowered;
	s5 =	simm.s32 $_tile_overlayer_lowered  }
0x9b: {  	s22 =	simm.s32 $0x1BFF;
	s21 =	sshll.u32 s5, $0x1;
	s2 =	sadd.s32 s19, s18  }
0x9c: {  	s6 =	simm.s32 $0x0;
	s20 =	sshll.u32 s4, $0x1;
	s4 =	sadd.s32 s21, s2  }
0x9d: {  	[timem:s6], [sflag:s22] =	dma.local [hbm:s4], s20  }
0x9e: {  	_ =	swait.ge [sflag:s22], s20  }
0x9f: {  	s3 =	ssub.s32 $0x0, s20;
	[sflag:s22] =	ssyncset.done $0x0  }
0xa0: {  	[sflag:s22] =	ssyncadd.s32 s3;
	_ =	sdelay $0x1  }
0xa1: {  	s23 =	simm.s32 $0x1B8B  }
0xa2: {  	_ =	swait.ge [sflag:s23], $0x1  }
0xa3: {  	[sflag:s23] =	ssyncset.done $0x0  }
0xa4: {  	s25 =	simm.s32 $0x1B8E;
	s24 =	sld [smem:$0x3FFE];
	[sflag:s23] =	ssyncadd.s32 $0xFFFFFFFF  }
0xa5: {  	s26 =	simm.s32 $execute0_lowered;
	[smem:$0x3FD2] =	sst s25  }
0xa6: {  	s4 =	sshll.u32 s26, $0x1;
	_ =	strace $0x8000004C;
	[dreg:$0x1] =	wrdreg $0xFFFFFFFF  }
0xa7: {  	s28 =	simm.s32 $_size_execute0_lowered;
	s2 =	sadd.s32 s2, s4;
	[dreg:$0x0] =	wrdreg $0x0  }
0xa8: {  	s4 =	sshll.u32 s28, $0x1;
	[dreg:$0x2] =	wrdreg s2  }
0xa9: {  	[dreg:$0x3] =	wrdreg s4  }
0xaa: {  	[dreg:$0x4] =	wrdreg $0xC0  }
0xab: {  	_ =	task [dreg:s6], $0x5FFFF  }
0xac: {  	[dreg:$0x1] =	wrdreg $0xFFFFFFFF  }
0xad: {  	[dreg:$0x0] =	wrdreg $0x60  }
0xae: {  	[dreg:$0x2] =	wrdreg s24  }
0xaf: {  	[dreg:$0x3] =	wrdreg $0x12C400  }
0xb0: {  	[dreg:$0x4] =	wrdreg $0x90000  }
0xb1: {  	[dreg:$0x5] =	wrdreg $0x9  }
0xb2: {  	_ =	task.clear_ibuf [dreg:s6], $0x6FFFF;
	_ =	strace $0x9000004C  }
0xb3: {  	s29 =	simm.s32 $0x9;
	_ =	strace $0x8000004E  }
0xb4: {  	_ =	swait.ge [sflag:s29], $0x1  }
0xb5: {  	[sflag:s29] =	ssyncadd.s32 $0xFFFFFFFF  }
0xb6: {  	_ =	strace $0x9000004E  }
0xb7: {  	_ =	sfence  }
0xb8: {  	s30 =	sld [smem:$0x0];
	_ =	sdelay $0x2  }
0xb9: {  	s31 =	sshll.u32 s1, $0xD;
	s1 =	sshrl.u32 s1, $0x2  }
0xba: {  	s3 =	sand.u32 $0x4000, s31;
	s1 =	sadd.s32 s1, s30  }
0xbb: {  	s0 =	sor.u32 s3, s0;
	s1 =	sshll.u32 s1, $0x11  }
0xbc: {  	s0 =	sor.u32 s1, s0  }
0xbd: {  	s0 =	sadd.s32 $0x8F2B, s0  }
0xbe: {  	[sflag:s0] =	ssyncadd.remote.s32 $0x1  }
0xbf: {  	_ =	sfence.sel $0xFFFF  }
0xc0: {  	[dreg:$0x0] =	wrdreg $0xFFFFFFFF;
	(pc) =	sbr.abs _section_cstart, $3  }
0xc1: {  	[dreg:$0x1] =	wrdreg $0xFFFFFFFF  }
0xc2: {  	_ =	task.clear_ibuf [dreg:s6], $0x2FFFF;
	_ =	strace $0x9FFFFFFF  }
0xc3: {  	(tm) =	ssettm $0x7FFFFFFF  }
tec
execute0_lowered:
.L_overlay_start_1:
0x0: {  	(tag) =	ssettag $0x1  }
0x1: {  	s0 =	srdreg.scid;
	s1 =	rddreg [dreg:$0x0]  }
0x2: {  	s2 =	rddreg [dreg:$0x1];
	s18 =	stileid.u32  }
0x3: {  	s3 =	rddreg [dreg:$0x2];
	s24 =	simm.s32 $0x3;
	s28 =	simm.s32 $0x2  }
0x4: {  	s29 =	simm.s32 $0x80;
	s30 =	simm.s32 $0x5000;
	s31 =	simm.s32 $0x7000  }
0x5: {  	s0 =	sand.u32 $0x1, s0;
	s5 =	smul.u32 $0x9C00, s18;
	s20 =	sadd.s32 $0x9C000, s2  }
0x6: {  	s12 =	sadd.s32 $0x44000, s1;
	s22 =	sadd.s32 $0x9C000, s3;
	s13 =	sadd.s32 $0x30600, s1  }
0x7: {  	s23 =	sadd.s32 $0x9C400, s2;
	s14 =	sadd.s32 $0x44080, s1;
	p0 =	sne.s32 s18, $0xF  }
0x8: {  	s4 =	sshll.u32 s0, $0x4;
	s7 =	smul.u32 $0x13880, s0;
	s0 =	ssub.s32 $0x2, s0  }
0x9: {  	s21 =	sshrl.u32 @!p0 s20, $0x3;
	s22 =	sshrl.u32 @!p0 s22, $0x3;
	s23 =	sshrl.u32 @!p0 s23, $0x3  }
0xa: {  	s20 =	simm.s32 $0x5;
	s6 =	sor.u32 s18, s4;
	s4 =	simm.s32 $0x0  }
0xb: {  	s8 =	sshrl.u32 s5, $0x3;
	s25 =	sshrl.u32 s0, $0x1;
	s17 =	sadd.s32 s5, s2  }
0xc: {  	s5 =	sadd.s32 s5, s3;
	s6 =	smul.u32 $0x500, s6;
	[smem:$0x7FF] =	sst s4  }
0xd: {  	s9 =	sadd.s32 s8, s1;
	s15 =	sadd.s32 s7, s1;
	s0 =	ssub.s32 s0, s25  }
0xe: {  	s17 =	sshrl.u32 s17, $0x3;
	s19 =	sshrl.u32 s5, $0x3;
	s25 =	simm.s32 $0x4  }
0xf: {  	_ =	strace $0x8000004D;
	[dreg:$0x4] =	wrdreg s8;
	s26 =	sadd.s32 $0x30800, s9  }
0x10: {  	s9 =	sadd.s32 $0x1CE00, s9;
	s15 =	sadd.s32 $0x44200, s15;
	s16 =	smax.u32 s0, $0x1  }
0x11: {  	s11 =	sadd.s32 s6, s1;
	s6 =	sshll.u32 s18, $0x6;
	[dreg:$0x5] =	wrdreg s26  }
0x12: {  	s26 =	simm.s32 $0x1;
	s1 =	simm.s32 $0x0;
	s8 =	sor.u32 $0x1C03, s6  }
0x13: {  	s10 =	sadd.s32 $0x12E00, s11;
	s11 =	sadd.s32 $0x1600, s11;
	s18 =	sor.u32 $0x1C04, s6  }
.LBB2_1:
0x14: {  	s0 =	rddreg [dreg:$0x5]  }
0x15: {  	[spmem:s17], [sflag:s8] =	dma.local [hbm:s0], $0x1380  }
0x16: {  	[spmem:s19], [sflag:s18] =	dma.local [hbm:s9], $0x1380  }
0x17: {  	[tilespmem:s4], [sflag:$0x1] =	stream.linear.gather [hbm4b:s10+s4], $0x2800, $0x38;
	[tilespmem:$0x1C8A0] =	vst v63  }
0x18: {  	s5 =	simm.s32 $0x2800  }
0x19: {  	[tilespmem:s5], [sflag:$0x2] =	stream.linear.gather [hbm4b:s11+s4], $0x2800, $0x38;
	[tilespmem:$0x1C8A0] =	vst v63  }
0x1a: {  	s0 =	simm.s32 @!p0 $0x1FC5;
	s5 =	simm.s32 @!p0 $0x5  }
0x1b: {  	[spmem:s21], [sflag:s0] =	dma.local @!p0 [hbm:s12], $0x80  }
0x1c: {  	_ =	swait.ge @!p0 [sflag:s5], $0x80  }
0x1d: {  	[sflag:s5] =	ssyncset.done @!p0 $0x0  }
0x1e: {  	[sflag:s5] =	ssyncadd.s32 @!p0 $0xFFFFFF80  }
0x1f: {  	[spmem:s22], [sflag:s0] =	dma.local @!p0 [hbm:s13], $0x80  }
0x20: {  	_ =	swait.ge @!p0 [sflag:s5], $0x80  }
0x21: {  	[sflag:s5] =	ssyncset.done @!p0 $0x0  }
0x22: {  	[sflag:s5] =	ssyncadd.s32 @!p0 $0xFFFFFF80  }
0x23: {  	[spmem:s23], [sflag:s0] =	dma.local @!p0 [hbm:s14], $0x40  }
0x24: {  	_ =	swait.ge @!p0 [sflag:s5], $0x40  }
0x25: {  	[sflag:s5] =	ssyncset.done @!p0 $0x0  }
0x26: {  	[sflag:s5] =	ssyncadd.s32 @!p0 $0xFFFFFFC0  }
0x27: {  	_ =	swait.ge [sflag:s24], $0x1380  }
0x28: {  	[sflag:s24] =	ssyncset.done $0x0  }
0x29: {  	[sflag:s24] =	ssyncadd.s32 $0xFFFFEC80  }
0x2a: {  	_ =	swait.ge [sflag:s25], $0x1380  }
0x2b: {  	[sflag:s25] =	ssyncset.done $0x0  }
0x2c: {  	[sflag:s25] =	ssyncadd.s32 $0xFFFFEC80  }
0x2d: {  	_ =	swait.ge [sflag:s26], $0x2800  }
0x2e: {  	[sflag:s26] =	ssyncset.done $0x0  }
0x2f: {  	[sflag:s26] =	ssyncadd.s32 $0xFFFFD800  }
0x30: {  	_ =	swait.ge [sflag:s28], $0x2800  }
0x31: {  	[sflag:s28] =	ssyncset.done $0x0  }
0x32: {  	[sflag:s28] =	ssyncadd.s32 $0xFFFFD800  }
0x33: {  	[bflag:$0x0] =	sbarrier.arrive $0xFFFF  }
0x34: {  	[tilespmem:s30], [sflag:$0x1] =	stream.indirect.gather [spmem:s3], $0x40, s4, s29, $0xb8;
	[tilespmem:$0x1C8A0] =	vst v63  }
0x35: {  	_ = 	snop  }
0x36: {  	[tilespmem:s31], [sflag:$0x2] =	stream.indirect.gather [spmem:s3], $0x40, s29, s29, $0xb8;
	[tilespmem:$0x1C8A0] =	vst v63  }
0x37: {  	_ =	swait.ge [sflag:s26], $0x2000  }
0x38: {  	[sflag:s26] =	ssyncset.done $0x0  }
0x39: {  	s7 =	simm.s32 $0x2800;
	[sflag:s26] =	ssyncadd.s32 $0xFFFFE000  }
0x3a: {  	[spmem:s2] =	stream.indirect.scatter.add.f32 [tilespmem:s30], [sflag:$0x3], $0x40, s7, s29, $0xb8;
	[tilespmem:$0x1C8A0] =	vst v63  }
0x3b: {  	_ =	swait.ge [sflag:s28], $0x2000  }
0x3c: {  	[sflag:s28] =	ssyncset.done $0x0  }
0x3d: {  	s5 =	simm.s32 $0x2880;
	[sflag:s28] =	ssyncadd.s32 $0xFFFFE000  }
0x3e: {  	[spmem:s2] =	stream.indirect.scatter.add.f32 [tilespmem:s31], [sflag:$0x4], $0x40, s5, s29, $0xb8;
	[tilespmem:$0x1C8A0] =	vst v63  }
0x3f: {  	_ =	swait.ge [sflag:s24], $0x2000  }
0x40: {  	[sflag:s24] =	ssyncset.done $0x0  }
0x41: {  	s7 =	simm.s32 $0x100;
	[sflag:s24] =	ssyncadd.s32 $0xFFFFE000  }
0x42: {  	[tilespmem:s30], [sflag:$0x1] =	stream.indirect.gather [spmem:s3], $0x40, s7, s29, $0xb8;
	[tilespmem:$0x1C8A0] =	vst v63  }
0x43: {  	_ =	swait.ge [sflag:s25], $0x2000  }
0x44: {  	[sflag:s25] =	ssyncset.done $0x0  }
0x45: {  	s0 =	simm.s32 $0x400;
	s5 =	simm.s32 $0x180;
	[sflag:s25] =	ssyncadd.s32 $0xFFFFE000  }
.LBB2_2:
0x46: {  	[tilespmem:s31], [sflag:$0x2] =	stream.indirect.gather [spmem:s3], $0x40, s5, s29, $0xb8;
	[tilespmem:$0x1C8A0] =	vst v63  }
0x47: {  	s5 =	smov.u32 s0  }
0x48: {  	p1 =	sne.s32 s0, $0x9800;
	s0 =	sadd.s32 $0x400, s0;
	_ =	swait.ge [sflag:s26], $0x2000  }
0x49: {  	s5 =	sshra.s32 s5, $0x2;
	[sflag:s26] =	ssyncset.done $0x0  }
0x4a: {  	s7 =	sadd.s32 $0x2800, s5;
	[sflag:s26] =	ssyncadd.s32 $0xFFFFE000  }
0x4b: {  	[spmem:s2] =	stream.indirect.scatter.add.f32 [tilespmem:s30], [sflag:$0x3], $0x40, s7, s29, $0xb8;
	[tilespmem:$0x1C8A0] =	vst v63  }
0x4c: {  	_ =	swait.ge [sflag:s28], $0x2000  }
0x4d: {  	[sflag:s28] =	ssyncset.done $0x0  }
0x4e: {  	s7 =	sadd.s32 $0x2880, s5;
	[sflag:s28] =	ssyncadd.s32 $0xFFFFE000  }
0x4f: {  	[spmem:s2] =	stream.indirect.scatter.add.f32 [tilespmem:s31], [sflag:$0x4], $0x40, s7, s29, $0xb8;
	[tilespmem:$0x1C8A0] =	vst v63  }
0x50: {  	_ =	swait.ge [sflag:s24], $0x2000  }
0x51: {  	[sflag:s24] =	ssyncset.done $0x0  }
.Ltmp0:
0x52: {  	s7 =	sadd.s32 $0x100, s5;
	[sflag:s24] =	ssyncadd.s32 $0xFFFFE000;
	(pc) =	sbr.rel @p1 .LBB2_2-.Ltmp0, $4  }
0x53: {  	[tilespmem:s30], [sflag:$0x1] =	stream.indirect.gather [spmem:s3], $0x40, s7, s29, $0xb8;
	[tilespmem:$0x1C8A0] =	vst v63  }
0x54: {  	_ =	swait.ge [sflag:s25], $0x2000  }
0x55: {  	[sflag:s25] =	ssyncset.done $0x0  }
0x56: {  	s5 =	sadd.s32 $0x180, s5;
	[sflag:s25] =	ssyncadd.s32 $0xFFFFE000  }
0x57: {  	[tilespmem:s31], [sflag:$0x2] =	stream.indirect.gather [spmem:s3], $0x40, s5, s29, $0xb8;
	[tilespmem:$0x1C8A0] =	vst v63  }
0x58: {  	_ =	swait.ge [sflag:s26], $0x2000  }
0x59: {  	[sflag:s26] =	ssyncset.done $0x0  }
0x5a: {  	s0 =	simm.s32 $0x4F00;
	[sflag:s26] =	ssyncadd.s32 $0xFFFFE000  }
0x5b: {  	[spmem:s2] =	stream.indirect.scatter.add.f32 [tilespmem:s30], [sflag:$0x3], $0x40, s0, s29, $0xb8;
	[tilespmem:$0x1C8A0] =	vst v63  }
0x5c: {  	_ =	swait.ge [sflag:s28], $0x2000  }
0x5d: {  	[sflag:s28] =	ssyncset.done $0x0  }
0x5e: {  	s5 =	simm.s32 $0x4F80;
	[sflag:s28] =	ssyncadd.s32 $0xFFFFE000  }
0x5f: {  	[spmem:s2] =	stream.indirect.scatter.add.f32 [tilespmem:s31], [sflag:$0x4], $0x40, s5, s29, $0xb8;
	[tilespmem:$0x1C8A0] =	vst v63  }
0x60: {  	_ =	swait.ge [sflag:s24], $0x2000  }
0x61: {  	[sflag:s24] =	ssyncset.done $0x0  }
0x62: {  	[sflag:s24] =	ssyncadd.s32 $0xFFFFE000  }
0x63: {  	_ =	swait.ge [sflag:s25], $0x2000  }
0x64: {  	[sflag:s25] =	ssyncset.done $0x0  }
0x65: {  	[sflag:s25] =	ssyncadd.s32 $0xFFFFE000  }
0x66: {  	[bflag:$0x0] =	sbarrier.arrive $0xFFFF  }
0x67: {  	s7 =	rddreg [dreg:$0x4]  }
0x68: {  	s5 =	sor.u32 $0x1C05, s6;
	s0 =	sadd.s32 s7, s15  }
0x69: {  	[hbm:s0], [sflag:s5] =	dma.local [spmem:s17], $0x1380  }
0x6a: {  	_ =	swait.ge [sflag:s20], $0x1380  }
0x6b: {  	s1 =	sadd.s32 $0x1, s1;
	[sflag:s20] =	ssyncset.done $0x0  }
0x6c: {  	p1 =	sne.s32 s1, s16;
	s0 =	sadd.s32 @!p0 $0x13800, s15;
	[sflag:s20] =	ssyncadd.s32 $0xFFFFEC80  }
0x6d: {  	[hbm:s0], [sflag:s5] =	dma.local @!p0 [spmem:s21], $0x80  }
.Ltmp1:
0x6e: {  	_ = 	snop;
	(pc) =	sbr.rel @p1 .LBB2_1-.Ltmp1, $4  }
0x6f: {  	s0 =	simm.s32 @!p0 $0x5  }
0x70: {  	_ =	swait.ge @!p0 [sflag:s0], $0x80  }
0x71: {  	[sflag:s0] =	ssyncset.done @!p0 $0x0  }
0x72: {  	[sflag:s0] =	ssyncadd.s32 @!p0 $0xFFFFFF80  }
0x73: {  	_ =	sfence.sel $0x180000  }
0x74: {  	[bflag:$0x0] =	sbarrier.arrive $0xFFFF  }
0x75: {  	_ =	strace $0x9000004D  }
0x76: {  	s0 =	stileid.u32;
	[bflag:$0x2] =	sbarrier.arrive $0xFFFF  }
0x77: {  	p0 =	sne.s32 s0, $0x0;
	s0 =	rddreg [dreg:$0x3]  }
0x78: {  	s0 =	sadd.s32 @!p0 $0x100000, s0  }
0x79: {  	[sflag:s0] =	ssyncadd.tile.s32 @!p0 $0x1;
	_ =	shalt  }
.Lfunc_end2:
_tile_overlayer_lowered:
.L_overlay_start_2:
0x7a: {  	(tag) =	ssettag $0x2  }
0x7b: {  	s0 =	rddreg [dreg:$0x0];
	s2 =	stileid.u32  }
0x7c: {  	s1 =	rddreg [dreg:$0x1];
	p0 =	sne.s32 s2, $0x0  }
0x7d: {  	s3 =	rddreg [dreg:$0x2];
	[bflag:$0x3] =	sbarrier.arrive $0xFFFF;
	s2 =	simm.s32 @!p0 $0x1C05  }
0x7e: {  	[timem:s3], [sflag:s2] =	dma.local @!p0 [hbm:s0], s1  }
0x7f: {  	s0 =	simm.s32 @!p0 $0x5  }
0x80: {  	_ =	swait.ge @!p0 [sflag:s0], s1  }
0x81: {  	s1 =	ssub.s32 @!p0 $0x0, s1;
	[sflag:s0] =	ssyncset.done @!p0 $0x0  }
0x82: {  	[sflag:s0] =	ssyncadd.s32 @!p0 s1  }
0x83: {  	[bflag:$0x3] =	sbarrier.arrive $0xFFFF  }
0x84: {  	_ =	shalt  }

// kernel: kernel.8.cloned.1.call-start
scs
__scs_entry_jumppad:
0x0: {  	(pc) =	sbr.rel $0x88, $3  }
0x1: {  	(tag) =	ssettag $0x0;
	lr =	simm.s32 $0x1  }
0x2: {  	[smem:$0x3F97] =	sst lr;
	_ =	strace $0xD0000000  }
0x3: {  	_ = 	snop  }
0x4: {  	_ = 	snop  }
0x5: {  	_ = 	snop  }
0x6: {  	_ = 	snop  }
0x7: {  	_ = 	snop  }
__scs_overlays_trampoline_lowered:
0x8: {  	[smem:$0x3FA6] =	sst s0  }
0x9: {  	[smem:$0x3FA7] =	sst s1  }
0xa: {  	[smem:$0x3FA8] =	sst s2  }
0xb: {  	[smem:$0x3FA9] =	sst s3  }
0xc: {  	[smem:$0x3FAA] =	sst s4  }
0xd: {  	[smem:$0x3FAB] =	sst s5  }
0xe: {  	[smem:$0x3FAC] =	sst s6  }
0xf: {  	[smem:$0x3FAD] =	sst s7  }
0x10: {  	[smem:$0x3FAE] =	sst s8  }
0x11: {  	[smem:$0x3FAF] =	sst s9;
	s0 =	simm.s32 @!p0 $0x0  }
0x12: {  	s1 =	sld [smem:$0x3F95];
	s0 =	simm.s32 @p0 $0x1  }
0x13: {  	[smem:$0x3FB0] =	sst s0;
	s0 =	simm.s32 @!p1 $0x0  }
0x14: {  	s2 =	sld [smem:$0x3F94];
	s0 =	simm.s32 @p1 $0x1  }
0x15: {  	[smem:$0x3FB1] =	sst s0;
	s0 =	simm.s32 @!p2 $0x0  }
0x16: {  	s3 =	sld [smem:$0x3FDB];
	s0 =	simm.s32 @p2 $0x1  }
0x17: {  	s4 =	simm.s32 $0x1BF5;
	[smem:$0x3FB3] =	sst s0  }
0x18: {  	s0 =	sld [smem:$0x3F96];
	_ =	swait.ge [sflag:s4], $0x0  }
0x19: {  	s7 =	sld [smem:$0x3F97]  }
0x1a: {  	s8 =	sadd.s32 $0xFFFFE003, lr  }
0x1b: {  	s9 =	sadd.s32 $0xFFFFFEF7, lr;
	s5 =	simm.s32 $0xFFFFFFFF;
	p2 =	slt.u32 s8, $0xFFFFF086  }
0x1c: {  	p1 =	slt.u32 s9, $0xF7A;
	s5 =	simm.s32 @!p2 $0x0  }
0x1d: {  	s5 =	simm.s32 @p1 $0x1;
	p0 =	seq.s32 s7, s2  }
0x1e: {  	s7 =	smul.u32 @!p0 $0xF7A, s2;
	p2 =	seq.s32 @!p0 s5, $0x0  }
0x1f: {  	s9 =	smul.u32 $0xF7A, s1;
	s8 =	simm.s32 @!p0 $0x1BF5;
	p2 =	por !p2, p0  }
0x20: {  	[sflag:s8] =	ssyncset.s32 @!p0 $0xFFFFF086;
	s6 =	sadd.s32 @!p0 s3, s7;
	s7 =	simm.s32 @!p0 $0x108  }
0x21: {  	s3 =	sadd.s32 s3, s9;
	s6 =	sadd.s32 @!p0 $0x88, s6;
	s7 =	simm.s32 @p2 $0x1082  }
0x22: {  	[simem:s7], [sflag:s8] =	dma.local @!p0 [hbm:s6], $0xF7A  }
0x23: {  	s9 =	sor.u32 $0xD0000000, s2;
	s6 =	simm.s32 $0x108;
	_ =	swait.ge @!p0 [sflag:s8], $0x0  }
0x24: {  	s3 =	sadd.s32 $0x88, s3;
	s6 =	simm.s32 @!p1 $0x1082;
	[sflag:s4] =	ssyncset.s32 $0xFFFFF086  }
0x25: {  	[simem:s6], [sflag:s4] =	dma.local [hbm:s3], $0xF7A  }
0x26: {  	[smem:$0x3F97] =	sst s1;
	(tag) =	ssettag s2;
	_ =	strace s9  }
0x27: {  	s1 =	sld [smem:$0x3FA7]  }
0x28: {  	s2 =	sld [smem:$0x3FA8]  }
0x29: {  	s4 =	sld [smem:$0x3FAA]  }
0x2a: {  	p0 =	seq.s32 s5, $0x0;
	s5 =	sld [smem:$0x3FAB]  }
0x2b: {  	s6 =	sld [smem:$0x3FAC]  }
0x2c: {  	s7 =	sld [smem:$0x3FAD]  }
0x2d: {  	s3 =	simm.s32 $0x108;
	s8 =	sld [smem:$0x3FAE]  }
0x2e: {  	s3 =	simm.s32 @!p0 $0x1082;
	s9 =	sld [smem:$0x3FAF]  }
0x2f: {  	lr =	sadd.s32 s0, s3;
	s0 =	sld [smem:$0x3FA6]  }
0x30: {  	s3 =	sld [smem:$0x3FA9]  }
0x31: {  	[smem:$0x3FB2] =	sst s10  }
0x32: {  	s10 =	sld [smem:$0x3FB0];
	_ =	sdelay $0x3  }
0x33: {  	p0 =	seq.s32 s10, $0x1;
	s10 =	sld [smem:$0x3FB2];
	_ =	sdelay $0x3  }
0x34: {  	[smem:$0x3FB2] =	sst s10  }
0x35: {  	s10 =	sld [smem:$0x3FB1];
	_ =	sdelay $0x3  }
0x36: {  	p1 =	seq.s32 s10, $0x1;
	s10 =	sld [smem:$0x3FB2];
	_ =	sdelay $0x3  }
0x37: {  	[smem:$0x3FB2] =	sst s10  }
0x38: {  	s10 =	sld [smem:$0x3FB3]  }
0x39: {  	_ = 	snop;
	(pc) =	sbr.ind lr, $3  }
0x3a: {  	_ = 	snop  }
0x3b: {  	_ = 	snop  }
0x3c: {  	p2 =	seq.s32 s10, $0x1;
	s10 =	sld [smem:$0x3FB2]  }
0x3d: {  	_ =	shalt  }
0x3e: {  	_ =	shalt  }
0x3f: {  	_ =	shalt  }
0x40: {  	_ =	shalt  }
0x41: {  	_ =	shalt  }
0x42: {  	_ =	shalt  }
0x43: {  	_ =	shalt  }
0x44: {  	_ =	shalt  }
0x45: {  	_ =	shalt  }
0x46: {  	_ =	shalt  }
0x47: {  	_ =	shalt  }
0x48: {  	_ =	shalt  }
0x49: {  	_ =	shalt  }
0x4a: {  	_ =	shalt  }
0x4b: {  	_ =	shalt  }
0x4c: {  	_ =	shalt  }
0x4d: {  	_ =	shalt  }
0x4e: {  	_ =	shalt  }
0x4f: {  	_ =	shalt  }
0x50: {  	_ =	shalt  }
0x51: {  	_ =	shalt  }
0x52: {  	_ =	shalt  }
0x53: {  	_ =	shalt  }
0x54: {  	_ =	shalt  }
0x55: {  	_ =	shalt  }
0x56: {  	_ =	shalt  }
0x57: {  	_ =	shalt  }
0x58: {  	_ =	shalt  }
0x59: {  	_ =	shalt  }
0x5a: {  	_ =	shalt  }
0x5b: {  	_ =	shalt  }
0x5c: {  	_ =	shalt  }
0x5d: {  	_ =	shalt  }
0x5e: {  	_ =	shalt  }
0x5f: {  	_ =	shalt  }
0x60: {  	_ =	shalt  }
0x61: {  	_ =	shalt  }
0x62: {  	_ =	shalt  }
0x63: {  	_ =	shalt  }
0x64: {  	_ =	shalt  }
0x65: {  	_ =	shalt  }
0x66: {  	_ =	shalt  }
0x67: {  	_ =	shalt  }
0x68: {  	_ =	shalt  }
0x69: {  	_ =	shalt  }
0x6a: {  	_ =	shalt  }
0x6b: {  	_ =	shalt  }
0x6c: {  	_ =	shalt  }
0x6d: {  	_ =	shalt  }
0x6e: {  	_ =	shalt  }
0x6f: {  	_ =	shalt  }
0x70: {  	_ =	shalt  }
0x71: {  	_ =	shalt  }
0x72: {  	_ =	shalt  }
0x73: {  	_ =	shalt  }
0x74: {  	_ =	shalt  }
0x75: {  	_ =	shalt  }
0x76: {  	_ =	shalt  }
0x77: {  	_ =	shalt  }
0x78: {  	_ =	shalt  }
0x79: {  	_ =	shalt  }
0x7a: {  	_ =	shalt  }
0x7b: {  	_ =	shalt  }
0x7c: {  	_ =	shalt  }
0x7d: {  	_ =	shalt  }
0x7e: {  	_ =	shalt  }
0x7f: {  	_ =	shalt  }
0x80: {  	_ =	shalt  }
0x81: {  	_ =	shalt  }
0x82: {  	_ =	shalt  }
0x83: {  	_ =	shalt  }
0x84: {  	_ =	shalt  }
0x85: {  	_ =	shalt  }
0x86: {  	_ =	shalt  }
0x87: {  	_ =	shalt  }
.Lfunc_end0:
.L_simem_size_0:
called_computation_lowered:
.L_overlay_start_0:
0x88: {  	s2 =	sld [smem:$0x3FD9]  }
0x89: {  	s3 =	sld [smem:$0x3FFE];
	_ =	sdelay $0x1  }
0x8a: {  	s1 =	srdreg.scid  }
0x8b: {  	s0 =	sand.u32 $0x1, s1  }
0x8c: {  	s17 =	sshll.u32 s0, $0xA;
	s2 =	sadd.s32 s3, s2  }
0x8d: {  	s2 =	sadd.s32 s2, s17  }
0x8e: {  	[smem:$0x3FBE] =	sst s2  }
0x8f: {  	_ = 	snop  }
0x90: {  	s2 =	sld [smem:$0x3FD0];
	(tm) =	ssettm $0x1  }
0x91: {  	s18 =	sld [smem:$0x3FFB];
	_ =	sdelay $0x3  }
0x92: {  	_ =	strace s18  }
0x93: {  	s3 =	sld [smem:$0x3FFC];
	_ =	sdelay $0x3  }
0x94: {  	_ =	strace s3  }
0x95: {  	s3 =	sld [smem:$0x3FFD];
	_ =	sdelay $0x3  }
0x96: {  	_ =	strace s3  }
0x97: {  	_ =	strace $0x8FFFFFFF  }
0x98: {  	s19 =	sld [smem:$0x3FDB];
	_ =	sdelay $0x1  }
0x99: {  	s4 =	simm.s32 $_scs_section_size  }
0x9a: {  	s5 =	simm.s32 $_size__tile_overlayer_lowered;
	s6 =	simm.s32 $_tile_overlayer_lowered  }
0x9b: {  	s22 =	simm.s32 $0x1BFF;
	s21 =	sshll.u32 s6, $0x1;
	s3 =	sadd.s32 s4, s19  }
0x9c: {  	s7 =	simm.s32 $0x0;
	s20 =	sshll.u32 s5, $0x1;
	s5 =	sadd.s32 s21, s3  }
0x9d: {  	[timem:s7], [sflag:s22] =	dma.local [hbm:s5], s20  }
0x9e: {  	_ =	swait.ge [sflag:s22], s20  }
0x9f: {  	s4 =	ssub.s32 $0x0, s20;
	[sflag:s22] =	ssyncset.done $0x0  }
0xa0: {  	[sflag:s22] =	ssyncadd.s32 s4;
	_ =	sdelay $0x1  }
0xa1: {  	s23 =	simm.s32 $0x1B8B  }
0xa2: {  	_ =	swait.ge [sflag:s23], $0x1  }
0xa3: {  	[sflag:s23] =	ssyncset.done $0x0  }
0xa4: {  	s25 =	simm.s32 $0x1B8E;
	s24 =	sld [smem:$0x3FFE];
	[sflag:s23] =	ssyncadd.s32 $0xFFFFFFFF  }
0xa5: {  	s26 =	simm.s32 $execute0_lowered;
	[smem:$0x3FD2] =	sst s25  }
0xa6: {  	s5 =	sshll.u32 s26, $0x1;
	_ =	strace $0x80000046;
	[dreg:$0x1] =	wrdreg $0xFFFFFFFF  }
0xa7: {  	s28 =	simm.s32 $_size_execute0_lowered;
	s3 =	sadd.s32 s3, s5;
	[dreg:$0x0] =	wrdreg $0x0  }
0xa8: {  	s5 =	sshll.u32 s28, $0x1;
	[dreg:$0x2] =	wrdreg s3  }
0xa9: {  	[dreg:$0x3] =	wrdreg s5  }
0xaa: {  	[dreg:$0x4] =	wrdreg $0xC0  }
0xab: {  	_ =	task [dreg:s7], $0x5FFFF  }
0xac: {  	[dreg:$0x1] =	wrdreg $0xFFFFFFFF  }
0xad: {  	[dreg:$0x0] =	wrdreg $0x60  }
0xae: {  	[dreg:$0x2] =	wrdreg s24  }
0xaf: {  	[dreg:$0x3] =	wrdreg s2  }
0xb0: {  	[dreg:$0x4] =	wrdreg $0x2C000  }
0xb1: {  	[dreg:$0x5] =	wrdreg $0x9  }
0xb2: {  	_ =	task.clear_ibuf [dreg:s7], $0x6FFFF;
	_ =	strace $0x90000046  }
0xb3: {  	s29 =	simm.s32 $0x9;
	_ =	strace $0x80000048  }
0xb4: {  	_ =	swait.ge [sflag:s29], $0x1  }
0xb5: {  	[sflag:s29] =	ssyncadd.s32 $0xFFFFFFFF  }
0xb6: {  	_ =	strace $0x90000048  }
0xb7: {  	_ =	sfence  }
0xb8: {  	s30 =	sld [smem:$0x0];
	_ =	sdelay $0x2  }
0xb9: {  	s31 =	sshll.u32 s1, $0xD;
	s1 =	sshrl.u32 s1, $0x2  }
0xba: {  	s3 =	sand.u32 $0x4000, s31;
	s1 =	sadd.s32 s1, s30  }
0xbb: {  	s0 =	sor.u32 s3, s0;
	s1 =	sshll.u32 s1, $0x11  }
0xbc: {  	s0 =	sor.u32 s1, s0  }
0xbd: {  	s0 =	sadd.s32 $0x8F2B, s0  }
0xbe: {  	[sflag:s0] =	ssyncadd.remote.s32 $0x1  }
0xbf: {  	_ =	sfence.sel $0xFFFF  }
0xc0: {  	[dreg:$0x0] =	wrdreg $0xFFFFFFFF;
	(pc) =	sbr.abs _section_cstart, $3  }
0xc1: {  	[dreg:$0x1] =	wrdreg $0xFFFFFFFF  }
0xc2: {  	_ =	task.clear_ibuf [dreg:s7], $0x2FFFF;
	_ =	strace $0x9FFFFFFF  }
0xc3: {  	(tm) =	ssettm $0x7FFFFFFF  }
tec
execute0_lowered:
.L_overlay_start_1:
0x0: {  	(tag) =	ssettag $0x1  }
0x1: {  	s9 =	rddreg [dreg:$0x0]  }
0x2: {  	s1 =	rddreg [dreg:$0x1]  }
0x3: {  	s2 =	rddreg [dreg:$0x2]  }
0x4: {  	s3 =	srdreg.scid;
	s0 =	rddreg [dreg:$0x3]  }
0x5: {  	s4 =	simm.s32 $0x0;
	s16 =	simm.s32 $0x2;
	s17 =	simm.s32 $0x3  }
0x6: {  	s18 =	simm.s32 $0x80;
	s19 =	simm.s32 $0x1;
	s23 =	simm.s32 $0x0  }
0x7: {  	s5 =	sand.u32 $0x1, s3;
	s3 =	stileid.u32;
	[smem:$0x7FF] =	sst s4  }
0x8: {  	s14 =	sadd.s32 $0x13800, s2;
	s15 =	sadd.s32 $0x13880, s2;
	s7 =	smul.u32 $0x1380, s3  }
0x9: {  	s6 =	sshll.u32 s5, $0x4;
	_ =	strace $0x80000047;
	s8 =	smul.u32 $0x2710, s5  }
0xa: {  	s5 =	ssub.s32 $0x2, s5;
	s21 =	sshll.u32 s3, $0x6;
	p0 =	sne.s32 s3, $0xF  }
0xb: {  	s6 =	sor.u32 s3, s6;
	s11 =	sshrl.u32 s5, $0x1;
	s14 =	sshrl.u32 @!p0 s14, $0x3  }
0xc: {  	s15 =	sshrl.u32 @!p0 s15, $0x3;
	s6 =	smul.u32 $0x500, s6;
	s20 =	sshrl.u32 s7, $0x3  }
0xd: {  	s12 =	sadd.s32 s8, s9;
	s11 =	ssub.s32 s5, s11;
	s13 =	sadd.s32 s7, s2  }
0xe: {  	s8 =	sadd.s32 $0xDD00, s9;
	s31 =	sadd.s32 s20, s9;
	s22 =	sadd.s32 $0xDE00, s12  }
0xf: {  	s12 =	simm.s32 $0x2800;
	s10 =	sadd.s32 s6, s9;
	s5 =	sadd.s32 $0xB600, s31  }
0x10: {  	s6 =	sor.u32 $0x1C02, s21;
	s9 =	sadd.s32 $0xDD10, s9;
	s20 =	sadd.s32 s20, s22  }
0x11: {  	s21 =	sor.u32 $0x1C04, s21;
	s22 =	sadd.s32 @!p0 $0x2700, s22;
	s7 =	sadd.s32 $0x1600, s10  }
0x12: {  	s10 =	smax.u32 s11, $0x1;
	s11 =	sshrl.u32 s13, $0x3;
	s13 =	simm.s32 $0x4  }
.LBB2_1:
0x13: {  	[spmem:s11], [sflag:s6] =	dma.local [hbm:s5], $0x270  }
0x14: {  	[tilespmem:s4], [sflag:$0x3] =	stream.linear.gather [hbm4b:s7+s4], $0x2800, $0x38;
	[tilespmem:$0x3F90] =	vst v63  }
0x15: {  	_ = 	snop  }
0x16: {  	[tilespmem:s12], [sflag:$0x4] =	stream.linear.gather [hbm4b:s1+s4], $0x400, $0x38;
	[tilespmem:$0x3F90] =	vst v63  }
0x17: {  	_ =	swait.ge [sflag:s13], $0x400  }
0x18: {  	[sflag:s13] =	ssyncset.done $0x0  }
0x19: {  	s24 =	simm.s32 @!p0 $0x1FC4;
	s25 =	simm.s32 @!p0 $0x4;
	[sflag:s13] =	ssyncadd.s32 $0xFFFFFC00  }
0x1a: {  	[spmem:s14], [sflag:s24] =	dma.local @!p0 [hbm:s8], $0x10  }
0x1b: {  	_ =	swait.ge @!p0 [sflag:s25], $0x10  }
0x1c: {  	[sflag:s25] =	ssyncset.done @!p0 $0x0  }
0x1d: {  	[sflag:s25] =	ssyncadd.s32 @!p0 $0xFFFFFFF0  }
0x1e: {  	[spmem:s15], [sflag:s24] =	dma.local @!p0 [hbm:s9], $0x8  }
0x1f: {  	_ =	swait.ge @!p0 [sflag:s25], $0x8  }
0x20: {  	[sflag:s25] =	ssyncset.done @!p0 $0x0  }
0x21: {  	[sflag:s25] =	ssyncadd.s32 @!p0 $0xFFFFFFF8  }
0x22: {  	_ =	swait.ge [sflag:s16], $0x270  }
0x23: {  	[sflag:s16] =	ssyncset.done $0x0  }
0x24: {  	[sflag:s16] =	ssyncadd.s32 $0xFFFFFD90  }
0x25: {  	_ =	swait.ge [sflag:s17], $0x2800  }
0x26: {  	[sflag:s17] =	ssyncset.done $0x0  }
0x27: {  	p1 =	por $0x1, $0x1;
	[sflag:s17] =	ssyncadd.s32 $0xFFFFD800  }
0x28: {  	s26 =	simm.s32 @!p1 $0x1;
	[bflag:$0x0] =	sbarrier.arrive $0xFFFF  }
0x29: {  	[spmem:s2] =	stream.indirect.scatter.add.f32 [tilespmem:s12], [sflag:$0x1], $0x8, s4, s18, $0xb8;
	[tilespmem:$0x3F90] =	vst v63  }
0x2a: {  	_ =	swait.ge @!p1 [sflag:s26], $0x400  }
0x2b: {  	s24 =	simm.s32 $0x1;
	s25 =	simm.s32 $0x0;
	[sflag:s26] =	ssyncset.done @!p1 $0x0  }
.LBB2_2:
0x2c: {  	[sflag:s26] =	ssyncadd.s32 @!p1 $0xFFFFFC00  }
0x2d: {  	s25 =	sadd.s32 $0x80, s25;
	s26 =	smov.u32 s24;
	s24 =	sadd.s32 $0x1, s24  }
0x2e: {  	p2 =	sne.s32 s24, $0x50  }
0x2f: {  	[spmem:s2] =	stream.indirect.scatter.add.f32 [tilespmem:s12], [sflag:$0x1], $0x8, s25, s18, $0xb8;
	[tilespmem:$0x3F90] =	vst v63  }
.Ltmp0:
0x30: {  	_ = 	snop;
	(pc) =	sbr.rel @p2 .LBB2_2-.Ltmp0, $4  }
0x31: {  	p1 =	slt.u32 s26, $0x10  }
0x32: {  	s26 =	simm.s32 @!p1 $0x1  }
0x33: {  	_ =	swait.ge @!p1 [sflag:s26], $0x400  }
0x34: {  	[sflag:s26] =	ssyncset.done @!p1 $0x0  }
0x35: {  	[sflag:s26] =	ssyncadd.s32 @!p1 $0xFFFFFC00  }
0x36: {  	_ =	swait.ge [sflag:s19], $0x400  }
0x37: {  	[sflag:s19] =	ssyncset.done $0x0  }
0x38: {  	[sflag:s19] =	ssyncadd.s32 $0xFFFFFC00  }
0x39: {  	_ =	swait.ge [sflag:s19], $0x400  }
0x3a: {  	[sflag:s19] =	ssyncset.done $0x0  }
0x3b: {  	[sflag:s19] =	ssyncadd.s32 $0xFFFFFC00  }
0x3c: {  	_ =	swait.ge [sflag:s19], $0x400  }
0x3d: {  	[sflag:s19] =	ssyncset.done $0x0  }
0x3e: {  	[sflag:s19] =	ssyncadd.s32 $0xFFFFFC00  }
0x3f: {  	_ =	swait.ge [sflag:s19], $0x400  }
0x40: {  	[sflag:s19] =	ssyncset.done $0x0  }
0x41: {  	[sflag:s19] =	ssyncadd.s32 $0xFFFFFC00  }
0x42: {  	_ =	swait.ge [sflag:s19], $0x400  }
0x43: {  	[sflag:s19] =	ssyncset.done $0x0  }
0x44: {  	[sflag:s19] =	ssyncadd.s32 $0xFFFFFC00  }
0x45: {  	_ =	swait.ge [sflag:s19], $0x400  }
0x46: {  	[sflag:s19] =	ssyncset.done $0x0  }
0x47: {  	[sflag:s19] =	ssyncadd.s32 $0xFFFFFC00  }
0x48: {  	_ =	swait.ge [sflag:s19], $0x400  }
0x49: {  	[sflag:s19] =	ssyncset.done $0x0  }
0x4a: {  	[sflag:s19] =	ssyncadd.s32 $0xFFFFFC00  }
0x4b: {  	_ =	swait.ge [sflag:s19], $0x400  }
0x4c: {  	[sflag:s19] =	ssyncset.done $0x0  }
0x4d: {  	[sflag:s19] =	ssyncadd.s32 $0xFFFFFC00  }
0x4e: {  	_ =	swait.ge [sflag:s19], $0x400  }
0x4f: {  	[sflag:s19] =	ssyncset.done $0x0  }
0x50: {  	[sflag:s19] =	ssyncadd.s32 $0xFFFFFC00  }
0x51: {  	_ =	swait.ge [sflag:s19], $0x400  }
0x52: {  	[sflag:s19] =	ssyncset.done $0x0  }
0x53: {  	[sflag:s19] =	ssyncadd.s32 $0xFFFFFC00  }
0x54: {  	_ =	swait.ge [sflag:s19], $0x400  }
0x55: {  	[sflag:s19] =	ssyncset.done $0x0  }
0x56: {  	[sflag:s19] =	ssyncadd.s32 $0xFFFFFC00  }
0x57: {  	_ =	swait.ge [sflag:s19], $0x400  }
0x58: {  	[sflag:s19] =	ssyncset.done $0x0  }
0x59: {  	[sflag:s19] =	ssyncadd.s32 $0xFFFFFC00  }
0x5a: {  	_ =	swait.ge [sflag:s19], $0x400  }
0x5b: {  	[sflag:s19] =	ssyncset.done $0x0  }
0x5c: {  	[sflag:s19] =	ssyncadd.s32 $0xFFFFFC00  }
0x5d: {  	_ =	swait.ge [sflag:s19], $0x400  }
0x5e: {  	[sflag:s19] =	ssyncset.done $0x0  }
0x5f: {  	[sflag:s19] =	ssyncadd.s32 $0xFFFFFC00  }
0x60: {  	_ =	swait.ge [sflag:s19], $0x400  }
0x61: {  	[sflag:s19] =	ssyncset.done $0x0  }
0x62: {  	[sflag:s19] =	ssyncadd.s32 $0xFFFFFC00  }
0x63: {  	_ =	swait.ge [sflag:s19], $0x400  }
0x64: {  	[sflag:s19] =	ssyncset.done $0x0  }
0x65: {  	[sflag:s19] =	ssyncadd.s32 $0xFFFFFC00  }
0x66: {  	[bflag:$0x0] =	sbarrier.arrive $0xFFFF  }
0x67: {  	[hbm:s20], [sflag:s21] =	dma.local [spmem:s11], $0x270  }
0x68: {  	s23 =	sadd.s32 $0x1, s23;
	_ =	swait.ge [sflag:s13], $0x270  }
0x69: {  	p1 =	sne.s32 s23, s10;
	[sflag:s13] =	ssyncset.done $0x0  }
.Ltmp1:
0x6a: {  	s24 =	simm.s32 @!p0 $0x4;
	[sflag:s13] =	ssyncadd.s32 $0xFFFFFD90;
	(pc) =	sbr.rel @p1 .LBB2_1-.Ltmp1, $4  }
0x6b: {  	[hbm:s22], [sflag:s21] =	dma.local @!p0 [spmem:s14], $0x10  }
0x6c: {  	_ =	swait.ge @!p0 [sflag:s24], $0x10  }
0x6d: {  	[sflag:s24] =	ssyncset.done @!p0 $0x0  }
0x6e: {  	[sflag:s24] =	ssyncadd.s32 @!p0 $0xFFFFFFF0  }
0x6f: {  	_ =	sfence.sel $0x180000  }
0x70: {  	[bflag:$0x0] =	sbarrier.arrive $0xFFFF  }
0x71: {  	p0 =	sne.s32 s3, $0x0;
	_ =	strace $0x90000047  }
0x72: {  	s0 =	sadd.s32 @!p0 $0x100000, s0;
	[bflag:$0x2] =	sbarrier.arrive $0xFFFF  }
0x73: {  	[sflag:s0] =	ssyncadd.tile.s32 @!p0 $0x1;
	_ =	shalt  }
.Lfunc_end2:
_tile_overlayer_lowered:
.L_overlay_start_2:
0x74: {  	(tag) =	ssettag $0x2  }
0x75: {  	s0 =	rddreg [dreg:$0x0];
	s2 =	stileid.u32  }
0x76: {  	s1 =	rddreg [dreg:$0x1];
	p0 =	sne.s32 s2, $0x0  }
0x77: {  	s3 =	rddreg [dreg:$0x2];
	[bflag:$0x3] =	sbarrier.arrive $0xFFFF;
	s2 =	simm.s32 @!p0 $0x1C04  }
0x78: {  	[timem:s3], [sflag:s2] =	dma.local @!p0 [hbm:s0], s1  }
0x79: {  	s0 =	simm.s32 @!p0 $0x4  }
0x7a: {  	_ =	swait.ge @!p0 [sflag:s0], s1  }
0x7b: {  	s1 =	ssub.s32 @!p0 $0x0, s1;
	[sflag:s0] =	ssyncset.done @!p0 $0x0  }
0x7c: {  	[sflag:s0] =	ssyncadd.s32 @!p0 s1  }
0x7d: {  	[bflag:$0x3] =	sbarrier.arrive $0xFFFF  }
0x7e: {  	_ =	shalt  }

</sc_bundles>
